<compile_context>
chip_gen: v7x
topology: tpu7x:2x2x1
jax: 0.10.2.dev20260603
libtpu: 0.0.44.dev20260713+nightly
codegen_flags: <defaults>
</compile_context>

<pallas_src>
import functools

import numpy as np
import jax
import jax.numpy as jnp
from jax import lax
from jax.experimental import pallas as pl
from jax.experimental.pallas import tpu as pltpu
from jax.experimental.pallas import tpu_sc as plsc

_NC = 2
_NS = 16
_NW = _NC * _NS
_NCHUNK = 4


def _crack_pixels(B, H, W, n_cracks, seed=0):
    rng = np.random.default_rng(seed)
    bs, ys, xs = [], [], []
    for b in range(B):
        for _ in range(n_cracks):
            y0 = int(rng.integers(0, H)); x0 = int(rng.integers(0, W))
            y1 = int(rng.integers(0, H)); x1 = int(rng.integers(0, W))
            dx, dy = abs(x1 - x0), abs(y1 - y0)
            sx = 1 if x0 < x1 else -1
            sy = 1 if y0 < y1 else -1
            err = dx - dy
            cx, cy = x0, y0
            for _ in range(max(dx, dy) + 1):
                if 0 <= cy < H and 0 <= cx < W:
                    bs.append(b); ys.append(cy); xs.append(cx)
                e2 = 2 * err
                if e2 > -dy:
                    err -= dy; cx += sx
                if e2 < dx:
                    err += dx; cy += sy
    return (np.asarray(bs, dtype=np.int64),
            np.asarray(ys, dtype=np.int64),
            np.asarray(xs, dtype=np.int64))


@functools.lru_cache(maxsize=None)
def _sc_plan(B, C, H, W, n_cracks):
    bs, ys, xs = _crack_pixels(B, H, W, n_cracks)
    N = B * C * H * W
    per_w = N // _NW
    ch = per_w // _NCHUNK
    flat = ((bs[:, None] * C + np.arange(C)[None, :]) * H * W
            + ys[:, None] * W + xs[:, None]).reshape(-1).astype(np.int64)
    cell = flat // ch
    local = (flat % ch).astype(np.int32)
    gmax = int(np.ceil(np.bincount(cell, minlength=_NW * _NCHUNK).max() / 16))
    idxs = np.full((_NW * _NCHUNK, gmax * 16), -1, np.int32)
    for cidx in range(_NW * _NCHUNK):
        li = local[cell == cidx]
        idxs[cidx, :li.size] = li
    return idxs.reshape(_NW, _NCHUNK * gmax * 16), gmax, per_w, ch


def _make_sc_kernel(N, per_w, ch, gmax):
    idxw = _NCHUNK * gmax * 16

    def body(x_hbm, idx_hbm, out_hbm, idx_v, buf0, buf1, si0, si1, so0, so1):
        w = lax.axis_index("s") * _NC + lax.axis_index("c")
        base = w * per_w
        pltpu.sync_copy(idx_hbm.at[pl.ds(w * idxw, idxw)], idx_v)
        bufs = (buf0, buf1)
        sin = (si0, si1)
        sout = (so0, so1)
        vals = jnp.full((16,), 0.05, jnp.float32)
        incp = [None, None]
        outcp = [None, None]
        incp[0] = pltpu.async_copy(x_hbm.at[pl.ds(base, ch)], buf0, si0)
        for c in range(_NCHUNK):
            b = c & 1
            nb = (c + 1) & 1
            incp[b].wait()
            if c + 1 < _NCHUNK:
                if outcp[nb] is not None:
                    outcp[nb].wait()
                incp[nb] = pltpu.async_copy(
                    x_hbm.at[pl.ds(base + (c + 1) * ch, ch)], bufs[nb], sin[nb])
            for g in range(gmax):
                iv = idx_v[pl.ds((c * gmax + g) * 16, 16)]
                m = iv >= 0
                civ = jnp.maximum(iv, 0)
                plsc.store_scatter(bufs[b], [civ], vals, mask=m)
            outcp[b] = pltpu.async_copy(
                bufs[b], out_hbm.at[pl.ds(base + c * ch, ch)], sout[b])
        outcp[(_NCHUNK - 1) & 1].wait()
        if outcp[_NCHUNK & 1] is not None:
            outcp[_NCHUNK & 1].wait()

    mesh = plsc.VectorSubcoreMesh(core_axis_name="c", subcore_axis_name="s")
    return pl.kernel(
        body,
        out_type=jax.ShapeDtypeStruct((N,), jnp.float32),
        mesh=mesh,
        compiler_params=pltpu.CompilerParams(needs_layout_passes=False),
        scratch_types=[
            pltpu.VMEM((idxw,), jnp.int32),
            pltpu.VMEM((ch,), jnp.float32),
            pltpu.VMEM((ch,), jnp.float32),
            pltpu.SemaphoreType.DMA,
            pltpu.SemaphoreType.DMA,
            pltpu.SemaphoreType.DMA,
            pltpu.SemaphoreType.DMA,
        ],
    )


def kernel(x):
    B, C, H, W = x.shape
    N = B * C * H * W
    idxs, gmax, per_w, ch = _sc_plan(B, C, H, W, 5)
    sc = _make_sc_kernel(N, per_w, ch, gmax)
    out = sc(x.reshape(N), jnp.asarray(idxs.reshape(-1)))
    return out.reshape(B, C, H, W)

# --- scband reference (transcript-rebuilt; emitter-appended) ---
"""Pipeline reference for scband-lens-crack-42906723287186 (READ-ONLY COPY).

The authoritative reference and input builder live on the scoring server;
editing this copy changes nothing except your own understanding.
"""

import jax, jax.numpy as jnp
import numpy as np


def _crack_indices(B, H, W, n_cracks, seed=0):
    # Faithful Bresenham line rasterization, identical control flow to the torch module,
    # with a fixed RNG so forward is deterministic.
    rng = np.random.default_rng(seed)
    bs, ys, xs = [], [], []
    for b in range(B):
        for _ in range(n_cracks):
            y0 = int(rng.integers(0, H)); x0 = int(rng.integers(0, W))
            y1 = int(rng.integers(0, H)); x1 = int(rng.integers(0, W))
            dx, dy = abs(x1 - x0), abs(y1 - y0)
            sx = 1 if x0 < x1 else -1
            sy = 1 if y0 < y1 else -1
            err = dx - dy
            cx, cy = x0, y0
            for _ in range(max(dx, dy) + 1):
                if 0 <= cy < H and 0 <= cx < W:
                    bs.append(b); ys.append(cy); xs.append(cx)
                e2 = 2 * err
                if e2 > -dy:
                    err -= dy; cx += sx
                if e2 < dx:
                    err += dx; cy += sy
    return np.asarray(bs, dtype=np.int64), np.asarray(ys, dtype=np.int64), np.asarray(xs, dtype=np.int64)


def setup_inputs(seed: int = 0) -> dict:
    key = jax.random.key(seed)
    x = jax.random.uniform(key, (8, 3, 512, 512), dtype=jnp.float32)
    return {"x": x}


def reference(x):
    B, C, H, W = x.shape
    n_cracks = 5
    bs, ys, xs = _crack_indices(B, H, W, n_cracks)
    bs = jnp.asarray(bs); ys = jnp.asarray(ys); xs = jnp.asarray(xs)
    c_idx = jnp.arange(C)[None, :]
    # scatter-overwrite of crack pixels across all channels (torch: out[b, :, cy, cx] = 0.05)
    out = x.at[bs[:, None], c_idx, ys[:, None], xs[:, None]].set(0.05)
    return jnp.clip(out, 0.0, 1.0)

if __name__ == "__main__":
    import jax
    _d = setup_inputs()
    print(jax.jit(kernel)(*tuple(_d.values())))

</pallas_src>

<mosaic_0001>
#map = affine_map<(d0, d1) -> (0)>
module attributes {stable_mosaic.version = 14 : i64} {
  func.func @body(%arg0: i32, %arg1: i32, %arg2: memref<6291456xf32, #tpu.memory_space<hbm>>, %arg3: memref<104448xi32, #tpu.memory_space<hbm>>, %arg4: memref<6291456xf32, #tpu.memory_space<hbm>>, %arg5: memref<3264xi32, #tpu.memory_space<vmem>>, %arg6: memref<49152xf32, #tpu.memory_space<vmem>>, %arg7: memref<49152xf32, #tpu.memory_space<vmem>>, %arg8: memref<!tpu.dma_semaphore, #tpu.memory_space<semaphore_mem>>, %arg9: memref<!tpu.dma_semaphore, #tpu.memory_space<semaphore_mem>>, %arg10: memref<!tpu.dma_semaphore, #tpu.memory_space<semaphore_mem>>, %arg11: memref<!tpu.dma_semaphore, #tpu.memory_space<semaphore_mem>>) attributes {dimension_semantics = [#tpu.dimension_semantics<core_parallel>, #tpu.dimension_semantics<subcore_parallel>], iteration_bounds = array<i64: 2, 16>, scalar_prefetch = 0 : i64, scratch_operands = 7 : i64, tpu.core_type = #tpu.core_type<sc_vector_subcore>, window_params = [{transform_indices = #map}, {transform_indices = #map}, {transform_indices = #map}]} {
    %mul3A = arith.constant 2 : i32
    %mul3A_0 = arith.muli %arg1, %mul3A : i32
    %add3A = arith.addi %mul3A_0, %arg0 : i32
    %mul3A_1 = arith.constant 196608 : i32
    %mul3A_2 = arith.muli %add3A, %mul3A_1 : i32
    %mul3A_3 = arith.constant 3264 : i32
    %mul3A_4 = arith.muli %add3A, %mul3A_3 : i32
    "tpu.region"() ({
      %run_scoped3A = tpu.sem_alloc : memref<!tpu.dma_semaphore, #tpu.memory_space<semaphore_mem>>
      %dma_start3A_1679 = tpu.memref_slice %arg3[%mul3A_4] : memref<104448xi32, #tpu.memory_space<hbm>> -> memref<3264xi32, #tpu.memory_space<hbm>>
      %dma_start3A_1680 = tpu.memref_slice %arg3[%mul3A_4] : memref<104448xi32, #tpu.memory_space<hbm>> -> memref<3264xi32, #tpu.memory_space<hbm>>
      tpu.enqueue_dma source(%dma_start3A_1680 : memref<3264xi32, #tpu.memory_space<hbm>>) target(%arg5 : memref<3264xi32, #tpu.memory_space<vmem>>) target_semaphore(%run_scoped3A : memref<!tpu.dma_semaphore, #tpu.memory_space<semaphore_mem>>)
      %dma_wait3A_1681 = tpu.memref_slice %arg3[%mul3A_4] : memref<104448xi32, #tpu.memory_space<hbm>> -> memref<3264xi32, #tpu.memory_space<hbm>>
      %dma_wait3A_1682 = tpu.memref_slice %arg3[%mul3A_4] : memref<104448xi32, #tpu.memory_space<hbm>> -> memref<3264xi32, #tpu.memory_space<hbm>>
      tpu.wait_dma2 semaphore(%run_scoped3A : memref<!tpu.dma_semaphore, #tpu.memory_space<semaphore_mem>>) src(%dma_wait3A_1682 : memref<3264xi32, #tpu.memory_space<hbm>>) dst(%arg5 : memref<3264xi32, #tpu.memory_space<vmem>>)
      tpu.yield
    }) : () -> ()
    %broadcast_in_dim3A = arith.constant 5.000000e-02 : f32
    %broadcast_in_dim3A_5 = vector.broadcast %broadcast_in_dim3A : f32 to vector<16xf32>
    %dma_start3A = tpu.memref_slice %arg2[%mul3A_2] : memref<6291456xf32, #tpu.memory_space<hbm>> -> memref<49152xf32, #tpu.memory_space<hbm>>
    %dma_start3A_6 = tpu.memref_slice %arg2[%mul3A_2] : memref<6291456xf32, #tpu.memory_space<hbm>> -> memref<49152xf32, #tpu.memory_space<hbm>>
    tpu.enqueue_dma source(%dma_start3A_6 : memref<49152xf32, #tpu.memory_space<hbm>>) target(%arg6 : memref<49152xf32, #tpu.memory_space<vmem>>) target_semaphore(%arg8 : memref<!tpu.dma_semaphore, #tpu.memory_space<semaphore_mem>>)
    %dma_wait3A = tpu.memref_slice %arg2[%mul3A_2] : memref<6291456xf32, #tpu.memory_space<hbm>> -> memref<49152xf32, #tpu.memory_space<hbm>>
    %dma_wait3A_7 = tpu.memref_slice %arg2[%mul3A_2] : memref<6291456xf32, #tpu.memory_space<hbm>> -> memref<49152xf32, #tpu.memory_space<hbm>>
    tpu.wait_dma2 semaphore(%arg8 : memref<!tpu.dma_semaphore, #tpu.memory_space<semaphore_mem>>) src(%dma_wait3A_7 : memref<49152xf32, #tpu.memory_space<hbm>>) dst(%arg6 : memref<49152xf32, #tpu.memory_space<vmem>>)
    %add3A_8 = arith.constant 49152 : i32
    %add3A_9 = arith.addi %mul3A_2, %add3A_8 : i32
    %dma_start3A_10 = tpu.memref_slice %arg2[%add3A_9] : memref<6291456xf32, #tpu.memory_space<hbm>> -> memref<49152xf32, #tpu.memory_space<hbm>>
    %dma_start3A_11 = tpu.memref_slice %arg2[%add3A_9] : memref<6291456xf32, #tpu.memory_space<hbm>> -> memref<49152xf32, #tpu.memory_space<hbm>>
    tpu.enqueue_dma source(%dma_start3A_11 : memref<49152xf32, #tpu.memory_space<hbm>>) target(%arg7 : memref<49152xf32, #tpu.memory_space<vmem>>) target_semaphore(%arg9 : memref<!tpu.dma_semaphore, #tpu.memory_space<semaphore_mem>>)
    %get3A = arith.constant 0 : index
    %get3A_12 = tpu.vector_load %arg5[%get3A] {strides = array<i32>} : memref<3264xi32, #tpu.memory_space<vmem>>, vector<16xi32>,
    %ge3A = arith.constant 0 : i32
    %ge3A_13 = vector.broadcast %ge3A : i32 to vector<16xi32>
    %ge3A_14 = arith.cmpi sge, %get3A_12, %ge3A_13 : vector<16xi32>
    %max3A = arith.constant 0 : i32
    %max3A_15 = vector.broadcast %max3A : i32 to vector<16xi32>
    %max3A_16 = arith.maxsi %get3A_12, %max3A_15 : vector<16xi32>
    tpu.vector_store_idx %arg6[%max3A_16], %broadcast_in_dim3A_5 masked %ge3A_14 : memref<49152xf32, #tpu.memory_space<vmem>>[vector<16xi32>], vector<16xf32>, vector<16xi1>
    %get3A_17 = arith.constant 16 : index
    %get3A_18 = tpu.vector_load %arg5[%get3A_17] {strides = array<i32>} : memref<3264xi32, #tpu.memory_space<vmem>>, vector<16xi32>,
    %ge3A_19 = arith.constant 0 : i32
    %ge3A_20 = vector.broadcast %ge3A_19 : i32 to vector<16xi32>
    %ge3A_21 = arith.cmpi sge, %get3A_18, %ge3A_20 : vector<16xi32>
    %max3A_22 = arith.constant 0 : i32
    %max3A_23 = vector.broadcast %max3A_22 : i32 to vector<16xi32>
    %max3A_24 = arith.maxsi %get3A_18, %max3A_23 : vector<16xi32>
    tpu.vector_store_idx %arg6[%max3A_24], %broadcast_in_dim3A_5 masked %ge3A_21 : memref<49152xf32, #tpu.memory_space<vmem>>[vector<16xi32>], vector<16xf32>, vector<16xi1>
    %get3A_25 = arith.constant 32 : index
    %get3A_26 = tpu.vector_load %arg5[%get3A_25] {strides = array<i32>} : memref<3264xi32, #tpu.memory_space<vmem>>, vector<16xi32>,
    %ge3A_27 = arith.constant 0 : i32
    %ge3A_28 = vector.broadcast %ge3A_27 : i32 to vector<16xi32>
    %ge3A_29 = arith.cmpi sge, %get3A_26, %ge3A_28 : vector<16xi32>
    %max3A_30 = arith.constant 0 : i32
    %max3A_31 = vector.broadcast %max3A_30 : i32 to vector<16xi32>
    %max3A_32 = arith.maxsi %get3A_26, %max3A_31 : vector<16xi32>
    tpu.vector_store_idx %arg6[%max3A_32], %broadcast_in_dim3A_5 masked %ge3A_29 : memref<49152xf32, #tpu.memory_space<vmem>>[vector<16xi32>], vector<16xf32>, vector<16xi1>
    %get3A_33 = arith.constant 48 : index
    %get3A_34 = tpu.vector_load %arg5[%get3A_33] {strides = array<i32>} : memref<3264xi32, #tpu.memory_space<vmem>>, vector<16xi32>,
    %ge3A_35 = arith.constant 0 : i32
    %ge3A_36 = vector.broadcast %ge3A_35 : i32 to vector<16xi32>
    %ge3A_37 = arith.cmpi sge, %get3A_34, %ge3A_36 : vector<16xi32>
    %max3A_38 = arith.constant 0 : i32
    %max3A_39 = vector.broadcast %max3A_38 : i32 to vector<16xi32>
    %max3A_40 = arith.maxsi %get3A_34, %max3A_39 : vector<16xi32>
    tpu.vector_store_idx %arg6[%max3A_40], %broadcast_in_dim3A_5 masked %ge3A_37 : memref<49152xf32, #tpu.memory_space<vmem>>[vector<16xi32>], vector<16xf32>, vector<16xi1>
    %get3A_41 = arith.constant 64 : index
    %get3A_42 = tpu.vector_load %arg5[%get3A_41] {strides = array<i32>} : memref<3264xi32, #tpu.memory_space<vmem>>, vector<16xi32>,
    %ge3A_43 = arith.constant 0 : i32
    %ge3A_44 = vector.broadcast %ge3A_43 : i32 to vector<16xi32>
    %ge3A_45 = arith.cmpi sge, %get3A_42, %ge3A_44 : vector<16xi32>
    %max3A_46 = arith.constant 0 : i32
    %max3A_47 = vector.broadcast %max3A_46 : i32 to vector<16xi32>
    %max3A_48 = arith.maxsi %get3A_42, %max3A_47 : vector<16xi32>
    tpu.vector_store_idx %arg6[%max3A_48], %broadcast_in_dim3A_5 masked %ge3A_45 : memref<49152xf32, #tpu.memory_space<vmem>>[vector<16xi32>], vector<16xf32>, vector<16xi1>
    %get3A_49 = arith.constant 80 : index
    %get3A_50 = tpu.vector_load %arg5[%get3A_49] {strides = array<i32>} : memref<3264xi32, #tpu.memory_space<vmem>>, vector<16xi32>,
    %ge3A_51 = arith.constant 0 : i32
    %ge3A_52 = vector.broadcast %ge3A_51 : i32 to vector<16xi32>
    %ge3A_53 = arith.cmpi sge, %get3A_50, %ge3A_52 : vector<16xi32>
    %max3A_54 = arith.constant 0 : i32
    %max3A_55 = vector.broadcast %max3A_54 : i32 to vector<16xi32>
    %max3A_56 = arith.maxsi %get3A_50, %max3A_55 : vector<16xi32>
    tpu.vector_store_idx %arg6[%max3A_56], %broadcast_in_dim3A_5 masked %ge3A_53 : memref<49152xf32, #tpu.memory_space<vmem>>[vector<16xi32>], vector<16xf32>, vector<16xi1>
    %get3A_57 = arith.constant 96 : index
    %get3A_58 = tpu.vector_load %arg5[%get3A_57] {strides = array<i32>} : memref<3264xi32, #tpu.memory_space<vmem>>, vector<16xi32>,
    %ge3A_59 = arith.constant 0 : i32
    %ge3A_60 = vector.broadcast %ge3A_59 : i32 to vector<16xi32>
    %ge3A_61 = arith.cmpi sge, %get3A_58, %ge3A_60 : vector<16xi32>
    %max3A_62 = arith.constant 0 : i32
    %max3A_63 = vector.broadcast %max3A_62 : i32 to vector<16xi32>
    %max3A_64 = arith.maxsi %get3A_58, %max3A_63 : vector<16xi32>
    tpu.vector_store_idx %arg6[%max3A_64], %broadcast_in_dim3A_5 masked %ge3A_61 : memref<49152xf32, #tpu.memory_space<vmem>>[vector<16xi32>], vector<16xf32>, vector<16xi1>
    %get3A_65 = arith.constant 112 : index
    %get3A_66 = tpu.vector_load %arg5[%get3A_65] {strides = array<i32>} : memref<3264xi32, #tpu.memory_space<vmem>>, vector<16xi32>,
    %ge3A_67 = arith.constant 0 : i32
    %ge3A_68 = vector.broadcast %ge3A_67 : i32 to vector<16xi32>
    %ge3A_69 = arith.cmpi sge, %get3A_66, %ge3A_68 : vector<16xi32>
    %max3A_70 = arith.constant 0 : i32
    %max3A_71 = vector.broadcast %max3A_70 : i32 to vector<16xi32>
    %max3A_72 = arith.maxsi %get3A_66, %max3A_71 : vector<16xi32>
    tpu.vector_store_idx %arg6[%max3A_72], %broadcast_in_dim3A_5 masked %ge3A_69 : memref<49152xf32, #tpu.memory_space<vmem>>[vector<16xi32>], vector<16xf32>, vector<16xi1>
    %get3A_73 = arith.constant 128 : index
    %get3A_74 = tpu.vector_load %arg5[%get3A_73] {strides = array<i32>} : memref<3264xi32, #tpu.memory_space<vmem>>, vector<16xi32>,
    %ge3A_75 = arith.constant 0 : i32
    %ge3A_76 = vector.broadcast %ge3A_75 : i32 to vector<16xi32>
    %ge3A_77 = arith.cmpi sge, %get3A_74, %ge3A_76 : vector<16xi32>
    %max3A_78 = arith.constant 0 : i32
    %max3A_79 = vector.broadcast %max3A_78 : i32 to vector<16xi32>
    %max3A_80 = arith.maxsi %get3A_74, %max3A_79 : vector<16xi32>
    tpu.vector_store_idx %arg6[%max3A_80], %broadcast_in_dim3A_5 masked %ge3A_77 : memref<49152xf32, #tpu.memory_space<vmem>>[vector<16xi32>], vector<16xf32>, vector<16xi1>
    %get3A_81 = arith.constant 144 : index
    %get3A_82 = tpu.vector_load %arg5[%get3A_81] {strides = array<i32>} : memref<3264xi32, #tpu.memory_space<vmem>>, vector<16xi32>,
    %ge3A_83 = arith.constant 0 : i32
    %ge3A_84 = vector.broadcast %ge3A_83 : i32 to vector<16xi32>
    %ge3A_85 = arith.cmpi sge, %get3A_82, %ge3A_84 : vector<16xi32>
    %max3A_86 = arith.constant 0 : i32
    %max3A_87 = vector.broadcast %max3A_86 : i32 to vector<16xi32>
    %max3A_88 = arith.maxsi %get3A_82, %max3A_87 : vector<16xi32>
    tpu.vector_store_idx %arg6[%max3A_88], %broadcast_in_dim3A_5 masked %ge3A_85 : memref<49152xf32, #tpu.memory_space<vmem>>[vector<16xi32>], vector<16xf32>, vector<16xi1>
    %get3A_89 = arith.constant 160 : index
    %get3A_90 = tpu.vector_load %arg5[%get3A_89] {strides = array<i32>} : memref<3264xi32, #tpu.memory_space<vmem>>, vector<16xi32>,
    %ge3A_91 = arith.constant 0 : i32
    %ge3A_92 = vector.broadcast %ge3A_91 : i32 to vector<16xi32>
    %ge3A_93 = arith.cmpi sge, %get3A_90, %ge3A_92 : vector<16xi32>
    %max3A_94 = arith.constant 0 : i32
    %max3A_95 = vector.broadcast %max3A_94 : i32 to vector<16xi32>
    %max3A_96 = arith.maxsi %get3A_90, %max3A_95 : vector<16xi32>
    tpu.vector_store_idx %arg6[%max3A_96], %broadcast_in_dim3A_5 masked %ge3A_93 : memref<49152xf32, #tpu.memory_space<vmem>>[vector<16xi32>], vector<16xf32>, vector<16xi1>
    %get3A_97 = arith.constant 176 : index
    %get3A_98 = tpu.vector_load %arg5[%get3A_97] {strides = array<i32>} : memref<3264xi32, #tpu.memory_space<vmem>>, vector<16xi32>,
    %ge3A_99 = arith.constant 0 : i32
    %ge3A_100 = vector.broadcast %ge3A_99 : i32 to vector<16xi32>
    %ge3A_101 = arith.cmpi sge, %get3A_98, %ge3A_100 : vector<16xi32>
    %max3A_102 = arith.constant 0 : i32
    %max3A_103 = vector.broadcast %max3A_102 : i32 to vector<16xi32>
    %max3A_104 = arith.maxsi %get3A_98, %max3A_103 : vector<16xi32>
    tpu.vector_store_idx %arg6[%max3A_104], %broadcast_in_dim3A_5 masked %ge3A_101 : memref<49152xf32, #tpu.memory_space<vmem>>[vector<16xi32>], vector<16xf32>, vector<16xi1>
    %get3A_105 = arith.constant 192 : index
    %get3A_106 = tpu.vector_load %arg5[%get3A_105] {strides = array<i32>} : memref<3264xi32, #tpu.memory_space<vmem>>, vector<16xi32>,
    %ge3A_107 = arith.constant 0 : i32
    %ge3A_108 = vector.broadcast %ge3A_107 : i32 to vector<16xi32>
    %ge3A_109 = arith.cmpi sge, %get3A_106, %ge3A_108 : vector<16xi32>
    %max3A_110 = arith.constant 0 : i32
    %max3A_111 = vector.broadcast %max3A_110 : i32 to vector<16xi32>
    %max3A_112 = arith.maxsi %get3A_106, %max3A_111 : vector<16xi32>
    tpu.vector_store_idx %arg6[%max3A_112], %broadcast_in_dim3A_5 masked %ge3A_109 : memref<49152xf32, #tpu.memory_space<vmem>>[vector<16xi32>], vector<16xf32>, vector<16xi1>
    %get3A_113 = arith.constant 208 : index
    %get3A_114 = tpu.vector_load %arg5[%get3A_113] {strides = array<i32>} : memref<3264xi32, #tpu.memory_space<vmem>>, vector<16xi32>,
    %ge3A_115 = arith.constant 0 : i32
    %ge3A_116 = vector.broadcast %ge3A_115 : i32 to vector<16xi32>
    %ge3A_117 = arith.cmpi sge, %get3A_114, %ge3A_116 : vector<16xi32>
    %max3A_118 = arith.constant 0 : i32
    %max3A_119 = vector.broadcast %max3A_118 : i32 to vector<16xi32>
    %max3A_120 = arith.maxsi %get3A_114, %max3A_119 : vector<16xi32>
    tpu.vector_store_idx %arg6[%max3A_120], %broadcast_in_dim3A_5 masked %ge3A_117 : memref<49152xf32, #tpu.memory_space<vmem>>[vector<16xi32>], vector<16xf32>, vector<16xi1>
    %get3A_121 = arith.constant 224 : index
    %get3A_122 = tpu.vector_load %arg5[%get3A_121] {strides = array<i32>} : memref<3264xi32, #tpu.memory_space<vmem>>, vector<16xi32>,
    %ge3A_123 = arith.constant 0 : i32
    %ge3A_124 = vector.broadcast %ge3A_123 : i32 to vector<16xi32>
    %ge3A_125 = arith.cmpi sge, %get3A_122, %ge3A_124 : vector<16xi32>
    %max3A_126 = arith.constant 0 : i32
    %max3A_127 = vector.broadcast %max3A_126 : i32 to vector<16xi32>
    %max3A_128 = arith.maxsi %get3A_122, %max3A_127 : vector<16xi32>
    tpu.vector_store_idx %arg6[%max3A_128], %broadcast_in_dim3A_5 masked %ge3A_125 : memref<49152xf32, #tpu.memory_space<vmem>>[vector<16xi32>], vector<16xf32>, vector<16xi1>
    %get3A_129 = arith.constant 240 : index
    %get3A_130 = tpu.vector_load %arg5[%get3A_129] {strides = array<i32>} : memref<3264xi32, #tpu.memory_space<vmem>>, vector<16xi32>,
    %ge3A_131 = arith.constant 0 : i32
    %ge3A_132 = vector.broadcast %ge3A_131 : i32 to vector<16xi32>
    %ge3A_133 = arith.cmpi sge, %get3A_130, %ge3A_132 : vector<16xi32>
    %max3A_134 = arith.constant 0 : i32
    %max3A_135 = vector.broadcast %max3A_134 : i32 to vector<16xi32>
    %max3A_136 = arith.maxsi %get3A_130, %max3A_135 : vector<16xi32>
    tpu.vector_store_idx %arg6[%max3A_136], %broadcast_in_dim3A_5 masked %ge3A_133 : memref<49152xf32, #tpu.memory_space<vmem>>[vector<16xi32>], vector<16xf32>, vector<16xi1>
    %get3A_137 = arith.constant 256 : index
    %get3A_138 = tpu.vector_load %arg5[%get3A_137] {strides = array<i32>} : memref<3264xi32, #tpu.memory_space<vmem>>, vector<16xi32>,
    %ge3A_139 = arith.constant 0 : i32
    %ge3A_140 = vector.broadcast %ge3A_139 : i32 to vector<16xi32>
    %ge3A_141 = arith.cmpi sge, %get3A_138, %ge3A_140 : vector<16xi32>
    %max3A_142 = arith.constant 0 : i32
    %max3A_143 = vector.broadcast %max3A_142 : i32 to vector<16xi32>
    %max3A_144 = arith.maxsi %get3A_138, %max3A_143 : vector<16xi32>
    tpu.vector_store_idx %arg6[%max3A_144], %broadcast_in_dim3A_5 masked %ge3A_141 : memref<49152xf32, #tpu.memory_space<vmem>>[vector<16xi32>], vector<16xf32>, vector<16xi1>
    %get3A_145 = arith.constant 272 : index
    %get3A_146 = tpu.vector_load %arg5[%get3A_145] {strides = array<i32>} : memref<3264xi32, #tpu.memory_space<vmem>>, vector<16xi32>,
    %ge3A_147 = arith.constant 0 : i32
    %ge3A_148 = vector.broadcast %ge3A_147 : i32 to vector<16xi32>
    %ge3A_149 = arith.cmpi sge, %get3A_146, %ge3A_148 : vector<16xi32>
    %max3A_150 = arith.constant 0 : i32
    %max3A_151 = vector.broadcast %max3A_150 : i32 to vector<16xi32>
    %max3A_152 = arith.maxsi %get3A_146, %max3A_151 : vector<16xi32>
    tpu.vector_store_idx %arg6[%max3A_152], %broadcast_in_dim3A_5 masked %ge3A_149 : memref<49152xf32, #tpu.memory_space<vmem>>[vector<16xi32>], vector<16xf32>, vector<16xi1>
    %get3A_153 = arith.constant 288 : index
    %get3A_154 = tpu.vector_load %arg5[%get3A_153] {strides = array<i32>} : memref<3264xi32, #tpu.memory_space<vmem>>, vector<16xi32>,
    %ge3A_155 = arith.constant 0 : i32
    %ge3A_156 = vector.broadcast %ge3A_155 : i32 to vector<16xi32>
    %ge3A_157 = arith.cmpi sge, %get3A_154, %ge3A_156 : vector<16xi32>
    %max3A_158 = arith.constant 0 : i32
    %max3A_159 = vector.broadcast %max3A_158 : i32 to vector<16xi32>
    %max3A_160 = arith.maxsi %get3A_154, %max3A_159 : vector<16xi32>
    tpu.vector_store_idx %arg6[%max3A_160], %broadcast_in_dim3A_5 masked %ge3A_157 : memref<49152xf32, #tpu.memory_space<vmem>>[vector<16xi32>], vector<16xf32>, vector<16xi1>
    %get3A_161 = arith.constant 304 : index
    %get3A_162 = tpu.vector_load %arg5[%get3A_161] {strides = array<i32>} : memref<3264xi32, #tpu.memory_space<vmem>>, vector<16xi32>,
    %ge3A_163 = arith.constant 0 : i32
    %ge3A_164 = vector.broadcast %ge3A_163 : i32 to vector<16xi32>
    %ge3A_165 = arith.cmpi sge, %get3A_162, %ge3A_164 : vector<16xi32>
    %max3A_166 = arith.constant 0 : i32
    %max3A_167 = vector.broadcast %max3A_166 : i32 to vector<16xi32>
    %max3A_168 = arith.maxsi %get3A_162, %max3A_167 : vector<16xi32>
    tpu.vector_store_idx %arg6[%max3A_168], %broadcast_in_dim3A_5 masked %ge3A_165 : memref<49152xf32, #tpu.memory_space<vmem>>[vector<16xi32>], vector<16xf32>, vector<16xi1>
    %get3A_169 = arith.constant 320 : index
    %get3A_170 = tpu.vector_load %arg5[%get3A_169] {strides = array<i32>} : memref<3264xi32, #tpu.memory_space<vmem>>, vector<16xi32>,
    %ge3A_171 = arith.constant 0 : i32
    %ge3A_172 = vector.broadcast %ge3A_171 : i32 to vector<16xi32>
    %ge3A_173 = arith.cmpi sge, %get3A_170, %ge3A_172 : vector<16xi32>
    %max3A_174 = arith.constant 0 : i32
    %max3A_175 = vector.broadcast %max3A_174 : i32 to vector<16xi32>
    %max3A_176 = arith.maxsi %get3A_170, %max3A_175 : vector<16xi32>
    tpu.vector_store_idx %arg6[%max3A_176], %broadcast_in_dim3A_5 masked %ge3A_173 : memref<49152xf32, #tpu.memory_space<vmem>>[vector<16xi32>], vector<16xf32>, vector<16xi1>
    %get3A_177 = arith.constant 336 : index
    %get3A_178 = tpu.vector_load %arg5[%get3A_177] {strides = array<i32>} : memref<3264xi32, #tpu.memory_space<vmem>>, vector<16xi32>,
    %ge3A_179 = arith.constant 0 : i32
    %ge3A_180 = vector.broadcast %ge3A_179 : i32 to vector<16xi32>
    %ge3A_181 = arith.cmpi sge, %get3A_178, %ge3A_180 : vector<16xi32>
    %max3A_182 = arith.constant 0 : i32
    %max3A_183 = vector.broadcast %max3A_182 : i32 to vector<16xi32>
    %max3A_184 = arith.maxsi %get3A_178, %max3A_183 : vector<16xi32>
    tpu.vector_store_idx %arg6[%max3A_184], %broadcast_in_dim3A_5 masked %ge3A_181 : memref<49152xf32, #tpu.memory_space<vmem>>[vector<16xi32>], vector<16xf32>, vector<16xi1>
    %get3A_185 = arith.constant 352 : index
    %get3A_186 = tpu.vector_load %arg5[%get3A_185] {strides = array<i32>} : memref<3264xi32, #tpu.memory_space<vmem>>, vector<16xi32>,
    %ge3A_187 = arith.constant 0 : i32
    %ge3A_188 = vector.broadcast %ge3A_187 : i32 to vector<16xi32>
    %ge3A_189 = arith.cmpi sge, %get3A_186, %ge3A_188 : vector<16xi32>
    %max3A_190 = arith.constant 0 : i32
    %max3A_191 = vector.broadcast %max3A_190 : i32 to vector<16xi32>
    %max3A_192 = arith.maxsi %get3A_186, %max3A_191 : vector<16xi32>
    tpu.vector_store_idx %arg6[%max3A_192], %broadcast_in_dim3A_5 masked %ge3A_189 : memref<49152xf32, #tpu.memory_space<vmem>>[vector<16xi32>], vector<16xf32>, vector<16xi1>
    %get3A_193 = arith.constant 368 : index
    %get3A_194 = tpu.vector_load %arg5[%get3A_193] {strides = array<i32>} : memref<3264xi32, #tpu.memory_space<vmem>>, vector<16xi32>,
    %ge3A_195 = arith.constant 0 : i32
    %ge3A_196 = vector.broadcast %ge3A_195 : i32 to vector<16xi32>
    %ge3A_197 = arith.cmpi sge, %get3A_194, %ge3A_196 : vector<16xi32>
    %max3A_198 = arith.constant 0 : i32
    %max3A_199 = vector.broadcast %max3A_198 : i32 to vector<16xi32>
    %max3A_200 = arith.maxsi %get3A_194, %max3A_199 : vector<16xi32>
    tpu.vector_store_idx %arg6[%max3A_200], %broadcast_in_dim3A_5 masked %ge3A_197 : memref<49152xf32, #tpu.memory_space<vmem>>[vector<16xi32>], vector<16xf32>, vector<16xi1>
    %get3A_201 = arith.constant 384 : index
    %get3A_202 = tpu.vector_load %arg5[%get3A_201] {strides = array<i32>} : memref<3264xi32, #tpu.memory_space<vmem>>, vector<16xi32>,
    %ge3A_203 = arith.constant 0 : i32
    %ge3A_204 = vector.broadcast %ge3A_203 : i32 to vector<16xi32>
    %ge3A_205 = arith.cmpi sge, %get3A_202, %ge3A_204 : vector<16xi32>
    %max3A_206 = arith.constant 0 : i32
    %max3A_207 = vector.broadcast %max3A_206 : i32 to vector<16xi32>
    %max3A_208 = arith.maxsi %get3A_202, %max3A_207 : vector<16xi32>
    tpu.vector_store_idx %arg6[%max3A_208], %broadcast_in_dim3A_5 masked %ge3A_205 : memref<49152xf32, #tpu.memory_space<vmem>>[vector<16xi32>], vector<16xf32>, vector<16xi1>
    %get3A_209 = arith.constant 400 : index
    %get3A_210 = tpu.vector_load %arg5[%get3A_209] {strides = array<i32>} : memref<3264xi32, #tpu.memory_space<vmem>>, vector<16xi32>,
    %ge3A_211 = arith.constant 0 : i32
    %ge3A_212 = vector.broadcast %ge3A_211 : i32 to vector<16xi32>
    %ge3A_213 = arith.cmpi sge, %get3A_210, %ge3A_212 : vector<16xi32>
    %max3A_214 = arith.constant 0 : i32
    %max3A_215 = vector.broadcast %max3A_214 : i32 to vector<16xi32>
    %max3A_216 = arith.maxsi %get3A_210, %max3A_215 : vector<16xi32>
    tpu.vector_store_idx %arg6[%max3A_216], %broadcast_in_dim3A_5 masked %ge3A_213 : memref<49152xf32, #tpu.memory_space<vmem>>[vector<16xi32>], vector<16xf32>, vector<16xi1>
    %get3A_217 = arith.constant 416 : index
    %get3A_218 = tpu.vector_load %arg5[%get3A_217] {strides = array<i32>} : memref<3264xi32, #tpu.memory_space<vmem>>, vector<16xi32>,
    %ge3A_219 = arith.constant 0 : i32
    %ge3A_220 = vector.broadcast %ge3A_219 : i32 to vector<16xi32>
    %ge3A_221 = arith.cmpi sge, %get3A_218, %ge3A_220 : vector<16xi32>
    %max3A_222 = arith.constant 0 : i32
    %max3A_223 = vector.broadcast %max3A_222 : i32 to vector<16xi32>
    %max3A_224 = arith.maxsi %get3A_218, %max3A_223 : vector<16xi32>
    tpu.vector_store_idx %arg6[%max3A_224], %broadcast_in_dim3A_5 masked %ge3A_221 : memref<49152xf32, #tpu.memory_space<vmem>>[vector<16xi32>], vector<16xf32>, vector<16xi1>
    %get3A_225 = arith.constant 432 : index
    %get3A_226 = tpu.vector_load %arg5[%get3A_225] {strides = array<i32>} : memref<3264xi32, #tpu.memory_space<vmem>>, vector<16xi32>,
    %ge3A_227 = arith.constant 0 : i32
    %ge3A_228 = vector.broadcast %ge3A_227 : i32 to vector<16xi32>
    %ge3A_229 = arith.cmpi sge, %get3A_226, %ge3A_228 : vector<16xi32>
    %max3A_230 = arith.constant 0 : i32
    %max3A_231 = vector.broadcast %max3A_230 : i32 to vector<16xi32>
    %max3A_232 = arith.maxsi %get3A_226, %max3A_231 : vector<16xi32>
    tpu.vector_store_idx %arg6[%max3A_232], %broadcast_in_dim3A_5 masked %ge3A_229 : memref<49152xf32, #tpu.memory_space<vmem>>[vector<16xi32>], vector<16xf32>, vector<16xi1>
    %get3A_233 = arith.constant 448 : index
    %get3A_234 = tpu.vector_load %arg5[%get3A_233] {strides = array<i32>} : memref<3264xi32, #tpu.memory_space<vmem>>, vector<16xi32>,
    %ge3A_235 = arith.constant 0 : i32
    %ge3A_236 = vector.broadcast %ge3A_235 : i32 to vector<16xi32>
    %ge3A_237 = arith.cmpi sge, %get3A_234, %ge3A_236 : vector<16xi32>
    %max3A_238 = arith.constant 0 : i32
    %max3A_239 = vector.broadcast %max3A_238 : i32 to vector<16xi32>
    %max3A_240 = arith.maxsi %get3A_234, %max3A_239 : vector<16xi32>
    tpu.vector_store_idx %arg6[%max3A_240], %broadcast_in_dim3A_5 masked %ge3A_237 : memref<49152xf32, #tpu.memory_space<vmem>>[vector<16xi32>], vector<16xf32>, vector<16xi1>
    %get3A_241 = arith.constant 464 : index
    %get3A_242 = tpu.vector_load %arg5[%get3A_241] {strides = array<i32>} : memref<3264xi32, #tpu.memory_space<vmem>>, vector<16xi32>,
    %ge3A_243 = arith.constant 0 : i32
    %ge3A_244 = vector.broadcast %ge3A_243 : i32 to vector<16xi32>
    %ge3A_245 = arith.cmpi sge, %get3A_242, %ge3A_244 : vector<16xi32>
    %max3A_246 = arith.constant 0 : i32
    %max3A_247 = vector.broadcast %max3A_246 : i32 to vector<16xi32>
    %max3A_248 = arith.maxsi %get3A_242, %max3A_247 : vector<16xi32>
    tpu.vector_store_idx %arg6[%max3A_248], %broadcast_in_dim3A_5 masked %ge3A_245 : memref<49152xf32, #tpu.memory_space<vmem>>[vector<16xi32>], vector<16xf32>, vector<16xi1>
    %get3A_249 = arith.constant 480 : index
    %get3A_250 = tpu.vector_load %arg5[%get3A_249] {strides = array<i32>} : memref<3264xi32, #tpu.memory_space<vmem>>, vector<16xi32>,
    %ge3A_251 = arith.constant 0 : i32
    %ge3A_252 = vector.broadcast %ge3A_251 : i32 to vector<16xi32>
    %ge3A_253 = arith.cmpi sge, %get3A_250, %ge3A_252 : vector<16xi32>
    %max3A_254 = arith.constant 0 : i32
    %max3A_255 = vector.broadcast %max3A_254 : i32 to vector<16xi32>
    %max3A_256 = arith.maxsi %get3A_250, %max3A_255 : vector<16xi32>
    tpu.vector_store_idx %arg6[%max3A_256], %broadcast_in_dim3A_5 masked %ge3A_253 : memref<49152xf32, #tpu.memory_space<vmem>>[vector<16xi32>], vector<16xf32>, vector<16xi1>
    %get3A_257 = arith.constant 496 : index
    %get3A_258 = tpu.vector_load %arg5[%get3A_257] {strides = array<i32>} : memref<3264xi32, #tpu.memory_space<vmem>>, vector<16xi32>,
    %ge3A_259 = arith.constant 0 : i32
    %ge3A_260 = vector.broadcast %ge3A_259 : i32 to vector<16xi32>
    %ge3A_261 = arith.cmpi sge, %get3A_258, %ge3A_260 : vector<16xi32>
    %max3A_262 = arith.constant 0 : i32
    %max3A_263 = vector.broadcast %max3A_262 : i32 to vector<16xi32>
    %max3A_264 = arith.maxsi %get3A_258, %max3A_263 : vector<16xi32>
    tpu.vector_store_idx %arg6[%max3A_264], %broadcast_in_dim3A_5 masked %ge3A_261 : memref<49152xf32, #tpu.memory_space<vmem>>[vector<16xi32>], vector<16xf32>, vector<16xi1>
    %get3A_265 = arith.constant 512 : index
    %get3A_266 = tpu.vector_load %arg5[%get3A_265] {strides = array<i32>} : memref<3264xi32, #tpu.memory_space<vmem>>, vector<16xi32>,
    %ge3A_267 = arith.constant 0 : i32
    %ge3A_268 = vector.broadcast %ge3A_267 : i32 to vector<16xi32>
    %ge3A_269 = arith.cmpi sge, %get3A_266, %ge3A_268 : vector<16xi32>
    %max3A_270 = arith.constant 0 : i32
    %max3A_271 = vector.broadcast %max3A_270 : i32 to vector<16xi32>
    %max3A_272 = arith.maxsi %get3A_266, %max3A_271 : vector<16xi32>
    tpu.vector_store_idx %arg6[%max3A_272], %broadcast_in_dim3A_5 masked %ge3A_269 : memref<49152xf32, #tpu.memory_space<vmem>>[vector<16xi32>], vector<16xf32>, vector<16xi1>
    %get3A_273 = arith.constant 528 : index
    %get3A_274 = tpu.vector_load %arg5[%get3A_273] {strides = array<i32>} : memref<3264xi32, #tpu.memory_space<vmem>>, vector<16xi32>,
    %ge3A_275 = arith.constant 0 : i32
    %ge3A_276 = vector.broadcast %ge3A_275 : i32 to vector<16xi32>
    %ge3A_277 = arith.cmpi sge, %get3A_274, %ge3A_276 : vector<16xi32>
    %max3A_278 = arith.constant 0 : i32
    %max3A_279 = vector.broadcast %max3A_278 : i32 to vector<16xi32>
    %max3A_280 = arith.maxsi %get3A_274, %max3A_279 : vector<16xi32>
    tpu.vector_store_idx %arg6[%max3A_280], %broadcast_in_dim3A_5 masked %ge3A_277 : memref<49152xf32, #tpu.memory_space<vmem>>[vector<16xi32>], vector<16xf32>, vector<16xi1>
    %get3A_281 = arith.constant 544 : index
    %get3A_282 = tpu.vector_load %arg5[%get3A_281] {strides = array<i32>} : memref<3264xi32, #tpu.memory_space<vmem>>, vector<16xi32>,
    %ge3A_283 = arith.constant 0 : i32
    %ge3A_284 = vector.broadcast %ge3A_283 : i32 to vector<16xi32>
    %ge3A_285 = arith.cmpi sge, %get3A_282, %ge3A_284 : vector<16xi32>
    %max3A_286 = arith.constant 0 : i32
    %max3A_287 = vector.broadcast %max3A_286 : i32 to vector<16xi32>
    %max3A_288 = arith.maxsi %get3A_282, %max3A_287 : vector<16xi32>
    tpu.vector_store_idx %arg6[%max3A_288], %broadcast_in_dim3A_5 masked %ge3A_285 : memref<49152xf32, #tpu.memory_space<vmem>>[vector<16xi32>], vector<16xf32>, vector<16xi1>
    %get3A_289 = arith.constant 560 : index
    %get3A_290 = tpu.vector_load %arg5[%get3A_289] {strides = array<i32>} : memref<3264xi32, #tpu.memory_space<vmem>>, vector<16xi32>,
    %ge3A_291 = arith.constant 0 : i32
    %ge3A_292 = vector.broadcast %ge3A_291 : i32 to vector<16xi32>
    %ge3A_293 = arith.cmpi sge, %get3A_290, %ge3A_292 : vector<16xi32>
    %max3A_294 = arith.constant 0 : i32
    %max3A_295 = vector.broadcast %max3A_294 : i32 to vector<16xi32>
    %max3A_296 = arith.maxsi %get3A_290, %max3A_295 : vector<16xi32>
    tpu.vector_store_idx %arg6[%max3A_296], %broadcast_in_dim3A_5 masked %ge3A_293 : memref<49152xf32, #tpu.memory_space<vmem>>[vector<16xi32>], vector<16xf32>, vector<16xi1>
    %get3A_297 = arith.constant 576 : index
    %get3A_298 = tpu.vector_load %arg5[%get3A_297] {strides = array<i32>} : memref<3264xi32, #tpu.memory_space<vmem>>, vector<16xi32>,
    %ge3A_299 = arith.constant 0 : i32
    %ge3A_300 = vector.broadcast %ge3A_299 : i32 to vector<16xi32>
    %ge3A_301 = arith.cmpi sge, %get3A_298, %ge3A_300 : vector<16xi32>
    %max3A_302 = arith.constant 0 : i32
    %max3A_303 = vector.broadcast %max3A_302 : i32 to vector<16xi32>
    %max3A_304 = arith.maxsi %get3A_298, %max3A_303 : vector<16xi32>
    tpu.vector_store_idx %arg6[%max3A_304], %broadcast_in_dim3A_5 masked %ge3A_301 : memref<49152xf32, #tpu.memory_space<vmem>>[vector<16xi32>], vector<16xf32>, vector<16xi1>
    %get3A_305 = arith.constant 592 : index
    %get3A_306 = tpu.vector_load %arg5[%get3A_305] {strides = array<i32>} : memref<3264xi32, #tpu.memory_space<vmem>>, vector<16xi32>,
    %ge3A_307 = arith.constant 0 : i32
    %ge3A_308 = vector.broadcast %ge3A_307 : i32 to vector<16xi32>
    %ge3A_309 = arith.cmpi sge, %get3A_306, %ge3A_308 : vector<16xi32>
    %max3A_310 = arith.constant 0 : i32
    %max3A_311 = vector.broadcast %max3A_310 : i32 to vector<16xi32>
    %max3A_312 = arith.maxsi %get3A_306, %max3A_311 : vector<16xi32>
    tpu.vector_store_idx %arg6[%max3A_312], %broadcast_in_dim3A_5 masked %ge3A_309 : memref<49152xf32, #tpu.memory_space<vmem>>[vector<16xi32>], vector<16xf32>, vector<16xi1>
    %get3A_313 = arith.constant 608 : index
    %get3A_314 = tpu.vector_load %arg5[%get3A_313] {strides = array<i32>} : memref<3264xi32, #tpu.memory_space<vmem>>, vector<16xi32>,
    %ge3A_315 = arith.constant 0 : i32
    %ge3A_316 = vector.broadcast %ge3A_315 : i32 to vector<16xi32>
    %ge3A_317 = arith.cmpi sge, %get3A_314, %ge3A_316 : vector<16xi32>
    %max3A_318 = arith.constant 0 : i32
    %max3A_319 = vector.broadcast %max3A_318 : i32 to vector<16xi32>
    %max3A_320 = arith.maxsi %get3A_314, %max3A_319 : vector<16xi32>
    tpu.vector_store_idx %arg6[%max3A_320], %broadcast_in_dim3A_5 masked %ge3A_317 : memref<49152xf32, #tpu.memory_space<vmem>>[vector<16xi32>], vector<16xf32>, vector<16xi1>
    %get3A_321 = arith.constant 624 : index
    %get3A_322 = tpu.vector_load %arg5[%get3A_321] {strides = array<i32>} : memref<3264xi32, #tpu.memory_space<vmem>>, vector<16xi32>,
    %ge3A_323 = arith.constant 0 : i32
    %ge3A_324 = vector.broadcast %ge3A_323 : i32 to vector<16xi32>
    %ge3A_325 = arith.cmpi sge, %get3A_322, %ge3A_324 : vector<16xi32>
    %max3A_326 = arith.constant 0 : i32
    %max3A_327 = vector.broadcast %max3A_326 : i32 to vector<16xi32>
    %max3A_328 = arith.maxsi %get3A_322, %max3A_327 : vector<16xi32>
    tpu.vector_store_idx %arg6[%max3A_328], %broadcast_in_dim3A_5 masked %ge3A_325 : memref<49152xf32, #tpu.memory_space<vmem>>[vector<16xi32>], vector<16xf32>, vector<16xi1>
    %get3A_329 = arith.constant 640 : index
    %get3A_330 = tpu.vector_load %arg5[%get3A_329] {strides = array<i32>} : memref<3264xi32, #tpu.memory_space<vmem>>, vector<16xi32>,
    %ge3A_331 = arith.constant 0 : i32
    %ge3A_332 = vector.broadcast %ge3A_331 : i32 to vector<16xi32>
    %ge3A_333 = arith.cmpi sge, %get3A_330, %ge3A_332 : vector<16xi32>
    %max3A_334 = arith.constant 0 : i32
    %max3A_335 = vector.broadcast %max3A_334 : i32 to vector<16xi32>
    %max3A_336 = arith.maxsi %get3A_330, %max3A_335 : vector<16xi32>
    tpu.vector_store_idx %arg6[%max3A_336], %broadcast_in_dim3A_5 masked %ge3A_333 : memref<49152xf32, #tpu.memory_space<vmem>>[vector<16xi32>], vector<16xf32>, vector<16xi1>
    %get3A_337 = arith.constant 656 : index
    %get3A_338 = tpu.vector_load %arg5[%get3A_337] {strides = array<i32>} : memref<3264xi32, #tpu.memory_space<vmem>>, vector<16xi32>,
    %ge3A_339 = arith.constant 0 : i32
    %ge3A_340 = vector.broadcast %ge3A_339 : i32 to vector<16xi32>
    %ge3A_341 = arith.cmpi sge, %get3A_338, %ge3A_340 : vector<16xi32>
    %max3A_342 = arith.constant 0 : i32
    %max3A_343 = vector.broadcast %max3A_342 : i32 to vector<16xi32>
    %max3A_344 = arith.maxsi %get3A_338, %max3A_343 : vector<16xi32>
    tpu.vector_store_idx %arg6[%max3A_344], %broadcast_in_dim3A_5 masked %ge3A_341 : memref<49152xf32, #tpu.memory_space<vmem>>[vector<16xi32>], vector<16xf32>, vector<16xi1>
    %get3A_345 = arith.constant 672 : index
    %get3A_346 = tpu.vector_load %arg5[%get3A_345] {strides = array<i32>} : memref<3264xi32, #tpu.memory_space<vmem>>, vector<16xi32>,
    %ge3A_347 = arith.constant 0 : i32
    %ge3A_348 = vector.broadcast %ge3A_347 : i32 to vector<16xi32>
    %ge3A_349 = arith.cmpi sge, %get3A_346, %ge3A_348 : vector<16xi32>
    %max3A_350 = arith.constant 0 : i32
    %max3A_351 = vector.broadcast %max3A_350 : i32 to vector<16xi32>
    %max3A_352 = arith.maxsi %get3A_346, %max3A_351 : vector<16xi32>
    tpu.vector_store_idx %arg6[%max3A_352], %broadcast_in_dim3A_5 masked %ge3A_349 : memref<49152xf32, #tpu.memory_space<vmem>>[vector<16xi32>], vector<16xf32>, vector<16xi1>
    %get3A_353 = arith.constant 688 : index
    %get3A_354 = tpu.vector_load %arg5[%get3A_353] {strides = array<i32>} : memref<3264xi32, #tpu.memory_space<vmem>>, vector<16xi32>,
    %ge3A_355 = arith.constant 0 : i32
    %ge3A_356 = vector.broadcast %ge3A_355 : i32 to vector<16xi32>
    %ge3A_357 = arith.cmpi sge, %get3A_354, %ge3A_356 : vector<16xi32>
    %max3A_358 = arith.constant 0 : i32
    %max3A_359 = vector.broadcast %max3A_358 : i32 to vector<16xi32>
    %max3A_360 = arith.maxsi %get3A_354, %max3A_359 : vector<16xi32>
    tpu.vector_store_idx %arg6[%max3A_360], %broadcast_in_dim3A_5 masked %ge3A_357 : memref<49152xf32, #tpu.memory_space<vmem>>[vector<16xi32>], vector<16xf32>, vector<16xi1>
    %get3A_361 = arith.constant 704 : index
    %get3A_362 = tpu.vector_load %arg5[%get3A_361] {strides = array<i32>} : memref<3264xi32, #tpu.memory_space<vmem>>, vector<16xi32>,
    %ge3A_363 = arith.constant 0 : i32
    %ge3A_364 = vector.broadcast %ge3A_363 : i32 to vector<16xi32>
    %ge3A_365 = arith.cmpi sge, %get3A_362, %ge3A_364 : vector<16xi32>
    %max3A_366 = arith.constant 0 : i32
    %max3A_367 = vector.broadcast %max3A_366 : i32 to vector<16xi32>
    %max3A_368 = arith.maxsi %get3A_362, %max3A_367 : vector<16xi32>
    tpu.vector_store_idx %arg6[%max3A_368], %broadcast_in_dim3A_5 masked %ge3A_365 : memref<49152xf32, #tpu.memory_space<vmem>>[vector<16xi32>], vector<16xf32>, vector<16xi1>
    %get3A_369 = arith.constant 720 : index
    %get3A_370 = tpu.vector_load %arg5[%get3A_369] {strides = array<i32>} : memref<3264xi32, #tpu.memory_space<vmem>>, vector<16xi32>,
    %ge3A_371 = arith.constant 0 : i32
    %ge3A_372 = vector.broadcast %ge3A_371 : i32 to vector<16xi32>
    %ge3A_373 = arith.cmpi sge, %get3A_370, %ge3A_372 : vector<16xi32>
    %max3A_374 = arith.constant 0 : i32
    %max3A_375 = vector.broadcast %max3A_374 : i32 to vector<16xi32>
    %max3A_376 = arith.maxsi %get3A_370, %max3A_375 : vector<16xi32>
    tpu.vector_store_idx %arg6[%max3A_376], %broadcast_in_dim3A_5 masked %ge3A_373 : memref<49152xf32, #tpu.memory_space<vmem>>[vector<16xi32>], vector<16xf32>, vector<16xi1>
    %get3A_377 = arith.constant 736 : index
    %get3A_378 = tpu.vector_load %arg5[%get3A_377] {strides = array<i32>} : memref<3264xi32, #tpu.memory_space<vmem>>, vector<16xi32>,
    %ge3A_379 = arith.constant 0 : i32
    %ge3A_380 = vector.broadcast %ge3A_379 : i32 to vector<16xi32>
    %ge3A_381 = arith.cmpi sge, %get3A_378, %ge3A_380 : vector<16xi32>
    %max3A_382 = arith.constant 0 : i32
    %max3A_383 = vector.broadcast %max3A_382 : i32 to vector<16xi32>
    %max3A_384 = arith.maxsi %get3A_378, %max3A_383 : vector<16xi32>
    tpu.vector_store_idx %arg6[%max3A_384], %broadcast_in_dim3A_5 masked %ge3A_381 : memref<49152xf32, #tpu.memory_space<vmem>>[vector<16xi32>], vector<16xf32>, vector<16xi1>
    %get3A_385 = arith.constant 752 : index
    %get3A_386 = tpu.vector_load %arg5[%get3A_385] {strides = array<i32>} : memref<3264xi32, #tpu.memory_space<vmem>>, vector<16xi32>,
    %ge3A_387 = arith.constant 0 : i32
    %ge3A_388 = vector.broadcast %ge3A_387 : i32 to vector<16xi32>
    %ge3A_389 = arith.cmpi sge, %get3A_386, %ge3A_388 : vector<16xi32>
    %max3A_390 = arith.constant 0 : i32
    %max3A_391 = vector.broadcast %max3A_390 : i32 to vector<16xi32>
    %max3A_392 = arith.maxsi %get3A_386, %max3A_391 : vector<16xi32>
    tpu.vector_store_idx %arg6[%max3A_392], %broadcast_in_dim3A_5 masked %ge3A_389 : memref<49152xf32, #tpu.memory_space<vmem>>[vector<16xi32>], vector<16xf32>, vector<16xi1>
    %get3A_393 = arith.constant 768 : index
    %get3A_394 = tpu.vector_load %arg5[%get3A_393] {strides = array<i32>} : memref<3264xi32, #tpu.memory_space<vmem>>, vector<16xi32>,
    %ge3A_395 = arith.constant 0 : i32
    %ge3A_396 = vector.broadcast %ge3A_395 : i32 to vector<16xi32>
    %ge3A_397 = arith.cmpi sge, %get3A_394, %ge3A_396 : vector<16xi32>
    %max3A_398 = arith.constant 0 : i32
    %max3A_399 = vector.broadcast %max3A_398 : i32 to vector<16xi32>
    %max3A_400 = arith.maxsi %get3A_394, %max3A_399 : vector<16xi32>
    tpu.vector_store_idx %arg6[%max3A_400], %broadcast_in_dim3A_5 masked %ge3A_397 : memref<49152xf32, #tpu.memory_space<vmem>>[vector<16xi32>], vector<16xf32>, vector<16xi1>
    %get3A_401 = arith.constant 784 : index
    %get3A_402 = tpu.vector_load %arg5[%get3A_401] {strides = array<i32>} : memref<3264xi32, #tpu.memory_space<vmem>>, vector<16xi32>,
    %ge3A_403 = arith.constant 0 : i32
    %ge3A_404 = vector.broadcast %ge3A_403 : i32 to vector<16xi32>
    %ge3A_405 = arith.cmpi sge, %get3A_402, %ge3A_404 : vector<16xi32>
    %max3A_406 = arith.constant 0 : i32
    %max3A_407 = vector.broadcast %max3A_406 : i32 to vector<16xi32>
    %max3A_408 = arith.maxsi %get3A_402, %max3A_407 : vector<16xi32>
    tpu.vector_store_idx %arg6[%max3A_408], %broadcast_in_dim3A_5 masked %ge3A_405 : memref<49152xf32, #tpu.memory_space<vmem>>[vector<16xi32>], vector<16xf32>, vector<16xi1>
    %get3A_409 = arith.constant 800 : index
    %get3A_410 = tpu.vector_load %arg5[%get3A_409] {strides = array<i32>} : memref<3264xi32, #tpu.memory_space<vmem>>, vector<16xi32>,
    %ge3A_411 = arith.constant 0 : i32
    %ge3A_412 = vector.broadcast %ge3A_411 : i32 to vector<16xi32>
    %ge3A_413 = arith.cmpi sge, %get3A_410, %ge3A_412 : vector<16xi32>
    %max3A_414 = arith.constant 0 : i32
    %max3A_415 = vector.broadcast %max3A_414 : i32 to vector<16xi32>
    %max3A_416 = arith.maxsi %get3A_410, %max3A_415 : vector<16xi32>
    tpu.vector_store_idx %arg6[%max3A_416], %broadcast_in_dim3A_5 masked %ge3A_413 : memref<49152xf32, #tpu.memory_space<vmem>>[vector<16xi32>], vector<16xf32>, vector<16xi1>
    %add3A_417 = arith.constant 0 : i32
    %add3A_418 = arith.addi %mul3A_2, %add3A_417 : i32
    %dma_start3A_419 = tpu.memref_slice %arg4[%add3A_418] : memref<6291456xf32, #tpu.memory_space<hbm>> -> memref<49152xf32, #tpu.memory_space<hbm>>
    %dma_start3A_420 = tpu.memref_slice %arg4[%add3A_418] : memref<6291456xf32, #tpu.memory_space<hbm>> -> memref<49152xf32, #tpu.memory_space<hbm>>
    tpu.enqueue_dma source(%arg6 : memref<49152xf32, #tpu.memory_space<vmem>>) target(%dma_start3A_420 : memref<49152xf32, #tpu.memory_space<hbm>>) target_semaphore(%arg10 : memref<!tpu.dma_semaphore, #tpu.memory_space<semaphore_mem>>)
    %dma_wait3A_421 = tpu.memref_slice %arg2[%add3A_9] : memref<6291456xf32, #tpu.memory_space<hbm>> -> memref<49152xf32, #tpu.memory_space<hbm>>
    %dma_wait3A_422 = tpu.memref_slice %arg2[%add3A_9] : memref<6291456xf32, #tpu.memory_space<hbm>> -> memref<49152xf32, #tpu.memory_space<hbm>>
    tpu.wait_dma2 semaphore(%arg9 : memref<!tpu.dma_semaphore, #tpu.memory_space<semaphore_mem>>) src(%dma_wait3A_422 : memref<49152xf32, #tpu.memory_space<hbm>>) dst(%arg7 : memref<49152xf32, #tpu.memory_space<vmem>>)
    %dma_wait3A_423 = tpu.memref_slice %arg4[%add3A_418] : memref<6291456xf32, #tpu.memory_space<hbm>> -> memref<49152xf32, #tpu.memory_space<hbm>>
    %dma_wait3A_424 = tpu.memref_slice %arg4[%add3A_418] : memref<6291456xf32, #tpu.memory_space<hbm>> -> memref<49152xf32, #tpu.memory_space<hbm>>
    tpu.wait_dma2 semaphore(%arg10 : memref<!tpu.dma_semaphore, #tpu.memory_space<semaphore_mem>>) src(%arg6 : memref<49152xf32, #tpu.memory_space<vmem>>) dst(%dma_wait3A_424 : memref<49152xf32, #tpu.memory_space<hbm>>)
    %add3A_425 = arith.constant 98304 : i32
    %add3A_426 = arith.addi %mul3A_2, %add3A_425 : i32
    %dma_start3A_427 = tpu.memref_slice %arg2[%add3A_426] : memref<6291456xf32, #tpu.memory_space<hbm>> -> memref<49152xf32, #tpu.memory_space<hbm>>
    %dma_start3A_428 = tpu.memref_slice %arg2[%add3A_426] : memref<6291456xf32, #tpu.memory_space<hbm>> -> memref<49152xf32, #tpu.memory_space<hbm>>
    tpu.enqueue_dma source(%dma_start3A_428 : memref<49152xf32, #tpu.memory_space<hbm>>) target(%arg6 : memref<49152xf32, #tpu.memory_space<vmem>>) target_semaphore(%arg8 : memref<!tpu.dma_semaphore, #tpu.memory_space<semaphore_mem>>)
    %get3A_429 = arith.constant 816 : index
    %get3A_430 = tpu.vector_load %arg5[%get3A_429] {strides = array<i32>} : memref<3264xi32, #tpu.memory_space<vmem>>, vector<16xi32>,
    %ge3A_431 = arith.constant 0 : i32
    %ge3A_432 = vector.broadcast %ge3A_431 : i32 to vector<16xi32>
    %ge3A_433 = arith.cmpi sge, %get3A_430, %ge3A_432 : vector<16xi32>
    %max3A_434 = arith.constant 0 : i32
    %max3A_435 = vector.broadcast %max3A_434 : i32 to vector<16xi32>
    %max3A_436 = arith.maxsi %get3A_430, %max3A_435 : vector<16xi32>
    tpu.vector_store_idx %arg7[%max3A_436], %broadcast_in_dim3A_5 masked %ge3A_433 : memref<49152xf32, #tpu.memory_space<vmem>>[vector<16xi32>], vector<16xf32>, vector<16xi1>
    %get3A_437 = arith.constant 832 : index
    %get3A_438 = tpu.vector_load %arg5[%get3A_437] {strides = array<i32>} : memref<3264xi32, #tpu.memory_space<vmem>>, vector<16xi32>,
    %ge3A_439 = arith.constant 0 : i32
    %ge3A_440 = vector.broadcast %ge3A_439 : i32 to vector<16xi32>
    %ge3A_441 = arith.cmpi sge, %get3A_438, %ge3A_440 : vector<16xi32>
    %max3A_442 = arith.constant 0 : i32
    %max3A_443 = vector.broadcast %max3A_442 : i32 to vector<16xi32>
    %max3A_444 = arith.maxsi %get3A_438, %max3A_443 : vector<16xi32>
    tpu.vector_store_idx %arg7[%max3A_444], %broadcast_in_dim3A_5 masked %ge3A_441 : memref<49152xf32, #tpu.memory_space<vmem>>[vector<16xi32>], vector<16xf32>, vector<16xi1>
    %get3A_445 = arith.constant 848 : index
    %get3A_446 = tpu.vector_load %arg5[%get3A_445] {strides = array<i32>} : memref<3264xi32, #tpu.memory_space<vmem>>, vector<16xi32>,
    %ge3A_447 = arith.constant 0 : i32
    %ge3A_448 = vector.broadcast %ge3A_447 : i32 to vector<16xi32>
    %ge3A_449 = arith.cmpi sge, %get3A_446, %ge3A_448 : vector<16xi32>
    %max3A_450 = arith.constant 0 : i32
    %max3A_451 = vector.broadcast %max3A_450 : i32 to vector<16xi32>
    %max3A_452 = arith.maxsi %get3A_446, %max3A_451 : vector<16xi32>
    tpu.vector_store_idx %arg7[%max3A_452], %broadcast_in_dim3A_5 masked %ge3A_449 : memref<49152xf32, #tpu.memory_space<vmem>>[vector<16xi32>], vector<16xf32>, vector<16xi1>
    %get3A_453 = arith.constant 864 : index
    %get3A_454 = tpu.vector_load %arg5[%get3A_453] {strides = array<i32>} : memref<3264xi32, #tpu.memory_space<vmem>>, vector<16xi32>,
    %ge3A_455 = arith.constant 0 : i32
    %ge3A_456 = vector.broadcast %ge3A_455 : i32 to vector<16xi32>
    %ge3A_457 = arith.cmpi sge, %get3A_454, %ge3A_456 : vector<16xi32>
    %max3A_458 = arith.constant 0 : i32
    %max3A_459 = vector.broadcast %max3A_458 : i32 to vector<16xi32>
    %max3A_460 = arith.maxsi %get3A_454, %max3A_459 : vector<16xi32>
    tpu.vector_store_idx %arg7[%max3A_460], %broadcast_in_dim3A_5 masked %ge3A_457 : memref<49152xf32, #tpu.memory_space<vmem>>[vector<16xi32>], vector<16xf32>, vector<16xi1>
    %get3A_461 = arith.constant 880 : index
    %get3A_462 = tpu.vector_load %arg5[%get3A_461] {strides = array<i32>} : memref<3264xi32, #tpu.memory_space<vmem>>, vector<16xi32>,
    %ge3A_463 = arith.constant 0 : i32
    %ge3A_464 = vector.broadcast %ge3A_463 : i32 to vector<16xi32>
    %ge3A_465 = arith.cmpi sge, %get3A_462, %ge3A_464 : vector<16xi32>
    %max3A_466 = arith.constant 0 : i32
    %max3A_467 = vector.broadcast %max3A_466 : i32 to vector<16xi32>
    %max3A_468 = arith.maxsi %get3A_462, %max3A_467 : vector<16xi32>
    tpu.vector_store_idx %arg7[%max3A_468], %broadcast_in_dim3A_5 masked %ge3A_465 : memref<49152xf32, #tpu.memory_space<vmem>>[vector<16xi32>], vector<16xf32>, vector<16xi1>
    %get3A_469 = arith.constant 896 : index
    %get3A_470 = tpu.vector_load %arg5[%get3A_469] {strides = array<i32>} : memref<3264xi32, #tpu.memory_space<vmem>>, vector<16xi32>,
    %ge3A_471 = arith.constant 0 : i32
    %ge3A_472 = vector.broadcast %ge3A_471 : i32 to vector<16xi32>
    %ge3A_473 = arith.cmpi sge, %get3A_470, %ge3A_472 : vector<16xi32>
    %max3A_474 = arith.constant 0 : i32
    %max3A_475 = vector.broadcast %max3A_474 : i32 to vector<16xi32>
    %max3A_476 = arith.maxsi %get3A_470, %max3A_475 : vector<16xi32>
    tpu.vector_store_idx %arg7[%max3A_476], %broadcast_in_dim3A_5 masked %ge3A_473 : memref<49152xf32, #tpu.memory_space<vmem>>[vector<16xi32>], vector<16xf32>, vector<16xi1>
    %get3A_477 = arith.constant 912 : index
    %get3A_478 = tpu.vector_load %arg5[%get3A_477] {strides = array<i32>} : memref<3264xi32, #tpu.memory_space<vmem>>, vector<16xi32>,
    %ge3A_479 = arith.constant 0 : i32
    %ge3A_480 = vector.broadcast %ge3A_479 : i32 to vector<16xi32>
    %ge3A_481 = arith.cmpi sge, %get3A_478, %ge3A_480 : vector<16xi32>
    %max3A_482 = arith.constant 0 : i32
    %max3A_483 = vector.broadcast %max3A_482 : i32 to vector<16xi32>
    %max3A_484 = arith.maxsi %get3A_478, %max3A_483 : vector<16xi32>
    tpu.vector_store_idx %arg7[%max3A_484], %broadcast_in_dim3A_5 masked %ge3A_481 : memref<49152xf32, #tpu.memory_space<vmem>>[vector<16xi32>], vector<16xf32>, vector<16xi1>
    %get3A_485 = arith.constant 928 : index
    %get3A_486 = tpu.vector_load %arg5[%get3A_485] {strides = array<i32>} : memref<3264xi32, #tpu.memory_space<vmem>>, vector<16xi32>,
    %ge3A_487 = arith.constant 0 : i32
    %ge3A_488 = vector.broadcast %ge3A_487 : i32 to vector<16xi32>
    %ge3A_489 = arith.cmpi sge, %get3A_486, %ge3A_488 : vector<16xi32>
    %max3A_490 = arith.constant 0 : i32
    %max3A_491 = vector.broadcast %max3A_490 : i32 to vector<16xi32>
    %max3A_492 = arith.maxsi %get3A_486, %max3A_491 : vector<16xi32>
    tpu.vector_store_idx %arg7[%max3A_492], %broadcast_in_dim3A_5 masked %ge3A_489 : memref<49152xf32, #tpu.memory_space<vmem>>[vector<16xi32>], vector<16xf32>, vector<16xi1>
    %get3A_493 = arith.constant 944 : index
    %get3A_494 = tpu.vector_load %arg5[%get3A_493] {strides = array<i32>} : memref<3264xi32, #tpu.memory_space<vmem>>, vector<16xi32>,
    %ge3A_495 = arith.constant 0 : i32
    %ge3A_496 = vector.broadcast %ge3A_495 : i32 to vector<16xi32>
    %ge3A_497 = arith.cmpi sge, %get3A_494, %ge3A_496 : vector<16xi32>
    %max3A_498 = arith.constant 0 : i32
    %max3A_499 = vector.broadcast %max3A_498 : i32 to vector<16xi32>
    %max3A_500 = arith.maxsi %get3A_494, %max3A_499 : vector<16xi32>
    tpu.vector_store_idx %arg7[%max3A_500], %broadcast_in_dim3A_5 masked %ge3A_497 : memref<49152xf32, #tpu.memory_space<vmem>>[vector<16xi32>], vector<16xf32>, vector<16xi1>
    %get3A_501 = arith.constant 960 : index
    %get3A_502 = tpu.vector_load %arg5[%get3A_501] {strides = array<i32>} : memref<3264xi32, #tpu.memory_space<vmem>>, vector<16xi32>,
    %ge3A_503 = arith.constant 0 : i32
    %ge3A_504 = vector.broadcast %ge3A_503 : i32 to vector<16xi32>
    %ge3A_505 = arith.cmpi sge, %get3A_502, %ge3A_504 : vector<16xi32>
    %max3A_506 = arith.constant 0 : i32
    %max3A_507 = vector.broadcast %max3A_506 : i32 to vector<16xi32>
    %max3A_508 = arith.maxsi %get3A_502, %max3A_507 : vector<16xi32>
    tpu.vector_store_idx %arg7[%max3A_508], %broadcast_in_dim3A_5 masked %ge3A_505 : memref<49152xf32, #tpu.memory_space<vmem>>[vector<16xi32>], vector<16xf32>, vector<16xi1>
    %get3A_509 = arith.constant 976 : index
    %get3A_510 = tpu.vector_load %arg5[%get3A_509] {strides = array<i32>} : memref<3264xi32, #tpu.memory_space<vmem>>, vector<16xi32>,
    %ge3A_511 = arith.constant 0 : i32
    %ge3A_512 = vector.broadcast %ge3A_511 : i32 to vector<16xi32>
    %ge3A_513 = arith.cmpi sge, %get3A_510, %ge3A_512 : vector<16xi32>
    %max3A_514 = arith.constant 0 : i32
    %max3A_515 = vector.broadcast %max3A_514 : i32 to vector<16xi32>
    %max3A_516 = arith.maxsi %get3A_510, %max3A_515 : vector<16xi32>
    tpu.vector_store_idx %arg7[%max3A_516], %broadcast_in_dim3A_5 masked %ge3A_513 : memref<49152xf32, #tpu.memory_space<vmem>>[vector<16xi32>], vector<16xf32>, vector<16xi1>
    %get3A_517 = arith.constant 992 : index
    %get3A_518 = tpu.vector_load %arg5[%get3A_517] {strides = array<i32>} : memref<3264xi32, #tpu.memory_space<vmem>>, vector<16xi32>,
    %ge3A_519 = arith.constant 0 : i32
    %ge3A_520 = vector.broadcast %ge3A_519 : i32 to vector<16xi32>
    %ge3A_521 = arith.cmpi sge, %get3A_518, %ge3A_520 : vector<16xi32>
    %max3A_522 = arith.constant 0 : i32
    %max3A_523 = vector.broadcast %max3A_522 : i32 to vector<16xi32>
    %max3A_524 = arith.maxsi %get3A_518, %max3A_523 : vector<16xi32>
    tpu.vector_store_idx %arg7[%max3A_524], %broadcast_in_dim3A_5 masked %ge3A_521 : memref<49152xf32, #tpu.memory_space<vmem>>[vector<16xi32>], vector<16xf32>, vector<16xi1>
    %get3A_525 = arith.constant 1008 : index
    %get3A_526 = tpu.vector_load %arg5[%get3A_525] {strides = array<i32>} : memref<3264xi32, #tpu.memory_space<vmem>>, vector<16xi32>,
    %ge3A_527 = arith.constant 0 : i32
    %ge3A_528 = vector.broadcast %ge3A_527 : i32 to vector<16xi32>
    %ge3A_529 = arith.cmpi sge, %get3A_526, %ge3A_528 : vector<16xi32>
    %max3A_530 = arith.constant 0 : i32
    %max3A_531 = vector.broadcast %max3A_530 : i32 to vector<16xi32>
    %max3A_532 = arith.maxsi %get3A_526, %max3A_531 : vector<16xi32>
    tpu.vector_store_idx %arg7[%max3A_532], %broadcast_in_dim3A_5 masked %ge3A_529 : memref<49152xf32, #tpu.memory_space<vmem>>[vector<16xi32>], vector<16xf32>, vector<16xi1>
    %get3A_533 = arith.constant 1024 : index
    %get3A_534 = tpu.vector_load %arg5[%get3A_533] {strides = array<i32>} : memref<3264xi32, #tpu.memory_space<vmem>>, vector<16xi32>,
    %ge3A_535 = arith.constant 0 : i32
    %ge3A_536 = vector.broadcast %ge3A_535 : i32 to vector<16xi32>
    %ge3A_537 = arith.cmpi sge, %get3A_534, %ge3A_536 : vector<16xi32>
    %max3A_538 = arith.constant 0 : i32
    %max3A_539 = vector.broadcast %max3A_538 : i32 to vector<16xi32>
    %max3A_540 = arith.maxsi %get3A_534, %max3A_539 : vector<16xi32>
    tpu.vector_store_idx %arg7[%max3A_540], %broadcast_in_dim3A_5 masked %ge3A_537 : memref<49152xf32, #tpu.memory_space<vmem>>[vector<16xi32>], vector<16xf32>, vector<16xi1>
    %get3A_541 = arith.constant 1040 : index
    %get3A_542 = tpu.vector_load %arg5[%get3A_541] {strides = array<i32>} : memref<3264xi32, #tpu.memory_space<vmem>>, vector<16xi32>,
    %ge3A_543 = arith.constant 0 : i32
    %ge3A_544 = vector.broadcast %ge3A_543 : i32 to vector<16xi32>
    %ge3A_545 = arith.cmpi sge, %get3A_542, %ge3A_544 : vector<16xi32>
    %max3A_546 = arith.constant 0 : i32
    %max3A_547 = vector.broadcast %max3A_546 : i32 to vector<16xi32>
    %max3A_548 = arith.maxsi %get3A_542, %max3A_547 : vector<16xi32>
    tpu.vector_store_idx %arg7[%max3A_548], %broadcast_in_dim3A_5 masked %ge3A_545 : memref<49152xf32, #tpu.memory_space<vmem>>[vector<16xi32>], vector<16xf32>, vector<16xi1>
    %get3A_549 = arith.constant 1056 : index
    %get3A_550 = tpu.vector_load %arg5[%get3A_549] {strides = array<i32>} : memref<3264xi32, #tpu.memory_space<vmem>>, vector<16xi32>,
    %ge3A_551 = arith.constant 0 : i32
    %ge3A_552 = vector.broadcast %ge3A_551 : i32 to vector<16xi32>
    %ge3A_553 = arith.cmpi sge, %get3A_550, %ge3A_552 : vector<16xi32>
    %max3A_554 = arith.constant 0 : i32
    %max3A_555 = vector.broadcast %max3A_554 : i32 to vector<16xi32>
    %max3A_556 = arith.maxsi %get3A_550, %max3A_555 : vector<16xi32>
    tpu.vector_store_idx %arg7[%max3A_556], %broadcast_in_dim3A_5 masked %ge3A_553 : memref<49152xf32, #tpu.memory_space<vmem>>[vector<16xi32>], vector<16xf32>, vector<16xi1>
    %get3A_557 = arith.constant 1072 : index
    %get3A_558 = tpu.vector_load %arg5[%get3A_557] {strides = array<i32>} : memref<3264xi32, #tpu.memory_space<vmem>>, vector<16xi32>,
    %ge3A_559 = arith.constant 0 : i32
    %ge3A_560 = vector.broadcast %ge3A_559 : i32 to vector<16xi32>
    %ge3A_561 = arith.cmpi sge, %get3A_558, %ge3A_560 : vector<16xi32>
    %max3A_562 = arith.constant 0 : i32
    %max3A_563 = vector.broadcast %max3A_562 : i32 to vector<16xi32>
    %max3A_564 = arith.maxsi %get3A_558, %max3A_563 : vector<16xi32>
    tpu.vector_store_idx %arg7[%max3A_564], %broadcast_in_dim3A_5 masked %ge3A_561 : memref<49152xf32, #tpu.memory_space<vmem>>[vector<16xi32>], vector<16xf32>, vector<16xi1>
    %get3A_565 = arith.constant 1088 : index
    %get3A_566 = tpu.vector_load %arg5[%get3A_565] {strides = array<i32>} : memref<3264xi32, #tpu.memory_space<vmem>>, vector<16xi32>,
    %ge3A_567 = arith.constant 0 : i32
    %ge3A_568 = vector.broadcast %ge3A_567 : i32 to vector<16xi32>
    %ge3A_569 = arith.cmpi sge, %get3A_566, %ge3A_568 : vector<16xi32>
    %max3A_570 = arith.constant 0 : i32
    %max3A_571 = vector.broadcast %max3A_570 : i32 to vector<16xi32>
    %max3A_572 = arith.maxsi %get3A_566, %max3A_571 : vector<16xi32>
    tpu.vector_store_idx %arg7[%max3A_572], %broadcast_in_dim3A_5 masked %ge3A_569 : memref<49152xf32, #tpu.memory_space<vmem>>[vector<16xi32>], vector<16xf32>, vector<16xi1>
    %get3A_573 = arith.constant 1104 : index
    %get3A_574 = tpu.vector_load %arg5[%get3A_573] {strides = array<i32>} : memref<3264xi32, #tpu.memory_space<vmem>>, vector<16xi32>,
    %ge3A_575 = arith.constant 0 : i32
    %ge3A_576 = vector.broadcast %ge3A_575 : i32 to vector<16xi32>
    %ge3A_577 = arith.cmpi sge, %get3A_574, %ge3A_576 : vector<16xi32>
    %max3A_578 = arith.constant 0 : i32
    %max3A_579 = vector.broadcast %max3A_578 : i32 to vector<16xi32>
    %max3A_580 = arith.maxsi %get3A_574, %max3A_579 : vector<16xi32>
    tpu.vector_store_idx %arg7[%max3A_580], %broadcast_in_dim3A_5 masked %ge3A_577 : memref<49152xf32, #tpu.memory_space<vmem>>[vector<16xi32>], vector<16xf32>, vector<16xi1>
    %get3A_581 = arith.constant 1120 : index
    %get3A_582 = tpu.vector_load %arg5[%get3A_581] {strides = array<i32>} : memref<3264xi32, #tpu.memory_space<vmem>>, vector<16xi32>,
    %ge3A_583 = arith.constant 0 : i32
    %ge3A_584 = vector.broadcast %ge3A_583 : i32 to vector<16xi32>
    %ge3A_585 = arith.cmpi sge, %get3A_582, %ge3A_584 : vector<16xi32>
    %max3A_586 = arith.constant 0 : i32
    %max3A_587 = vector.broadcast %max3A_586 : i32 to vector<16xi32>
    %max3A_588 = arith.maxsi %get3A_582, %max3A_587 : vector<16xi32>
    tpu.vector_store_idx %arg7[%max3A_588], %broadcast_in_dim3A_5 masked %ge3A_585 : memref<49152xf32, #tpu.memory_space<vmem>>[vector<16xi32>], vector<16xf32>, vector<16xi1>
    %get3A_589 = arith.constant 1136 : index
    %get3A_590 = tpu.vector_load %arg5[%get3A_589] {strides = array<i32>} : memref<3264xi32, #tpu.memory_space<vmem>>, vector<16xi32>,
    %ge3A_591 = arith.constant 0 : i32
    %ge3A_592 = vector.broadcast %ge3A_591 : i32 to vector<16xi32>
    %ge3A_593 = arith.cmpi sge, %get3A_590, %ge3A_592 : vector<16xi32>
    %max3A_594 = arith.constant 0 : i32
    %max3A_595 = vector.broadcast %max3A_594 : i32 to vector<16xi32>
    %max3A_596 = arith.maxsi %get3A_590, %max3A_595 : vector<16xi32>
    tpu.vector_store_idx %arg7[%max3A_596], %broadcast_in_dim3A_5 masked %ge3A_593 : memref<49152xf32, #tpu.memory_space<vmem>>[vector<16xi32>], vector<16xf32>, vector<16xi1>
    %get3A_597 = arith.constant 1152 : index
    %get3A_598 = tpu.vector_load %arg5[%get3A_597] {strides = array<i32>} : memref<3264xi32, #tpu.memory_space<vmem>>, vector<16xi32>,
    %ge3A_599 = arith.constant 0 : i32
    %ge3A_600 = vector.broadcast %ge3A_599 : i32 to vector<16xi32>
    %ge3A_601 = arith.cmpi sge, %get3A_598, %ge3A_600 : vector<16xi32>
    %max3A_602 = arith.constant 0 : i32
    %max3A_603 = vector.broadcast %max3A_602 : i32 to vector<16xi32>
    %max3A_604 = arith.maxsi %get3A_598, %max3A_603 : vector<16xi32>
    tpu.vector_store_idx %arg7[%max3A_604], %broadcast_in_dim3A_5 masked %ge3A_601 : memref<49152xf32, #tpu.memory_space<vmem>>[vector<16xi32>], vector<16xf32>, vector<16xi1>
    %get3A_605 = arith.constant 1168 : index
    %get3A_606 = tpu.vector_load %arg5[%get3A_605] {strides = array<i32>} : memref<3264xi32, #tpu.memory_space<vmem>>, vector<16xi32>,
    %ge3A_607 = arith.constant 0 : i32
    %ge3A_608 = vector.broadcast %ge3A_607 : i32 to vector<16xi32>
    %ge3A_609 = arith.cmpi sge, %get3A_606, %ge3A_608 : vector<16xi32>
    %max3A_610 = arith.constant 0 : i32
    %max3A_611 = vector.broadcast %max3A_610 : i32 to vector<16xi32>
    %max3A_612 = arith.maxsi %get3A_606, %max3A_611 : vector<16xi32>
    tpu.vector_store_idx %arg7[%max3A_612], %broadcast_in_dim3A_5 masked %ge3A_609 : memref<49152xf32, #tpu.memory_space<vmem>>[vector<16xi32>], vector<16xf32>, vector<16xi1>
    %get3A_613 = arith.constant 1184 : index
    %get3A_614 = tpu.vector_load %arg5[%get3A_613] {strides = array<i32>} : memref<3264xi32, #tpu.memory_space<vmem>>, vector<16xi32>,
    %ge3A_615 = arith.constant 0 : i32
    %ge3A_616 = vector.broadcast %ge3A_615 : i32 to vector<16xi32>
    %ge3A_617 = arith.cmpi sge, %get3A_614, %ge3A_616 : vector<16xi32>
    %max3A_618 = arith.constant 0 : i32
    %max3A_619 = vector.broadcast %max3A_618 : i32 to vector<16xi32>
    %max3A_620 = arith.maxsi %get3A_614, %max3A_619 : vector<16xi32>
    tpu.vector_store_idx %arg7[%max3A_620], %broadcast_in_dim3A_5 masked %ge3A_617 : memref<49152xf32, #tpu.memory_space<vmem>>[vector<16xi32>], vector<16xf32>, vector<16xi1>
    %get3A_621 = arith.constant 1200 : index
    %get3A_622 = tpu.vector_load %arg5[%get3A_621] {strides = array<i32>} : memref<3264xi32, #tpu.memory_space<vmem>>, vector<16xi32>,
    %ge3A_623 = arith.constant 0 : i32
    %ge3A_624 = vector.broadcast %ge3A_623 : i32 to vector<16xi32>
    %ge3A_625 = arith.cmpi sge, %get3A_622, %ge3A_624 : vector<16xi32>
    %max3A_626 = arith.constant 0 : i32
    %max3A_627 = vector.broadcast %max3A_626 : i32 to vector<16xi32>
    %max3A_628 = arith.maxsi %get3A_622, %max3A_627 : vector<16xi32>
    tpu.vector_store_idx %arg7[%max3A_628], %broadcast_in_dim3A_5 masked %ge3A_625 : memref<49152xf32, #tpu.memory_space<vmem>>[vector<16xi32>], vector<16xf32>, vector<16xi1>
    %get3A_629 = arith.constant 1216 : index
    %get3A_630 = tpu.vector_load %arg5[%get3A_629] {strides = array<i32>} : memref<3264xi32, #tpu.memory_space<vmem>>, vector<16xi32>,
    %ge3A_631 = arith.constant 0 : i32
    %ge3A_632 = vector.broadcast %ge3A_631 : i32 to vector<16xi32>
    %ge3A_633 = arith.cmpi sge, %get3A_630, %ge3A_632 : vector<16xi32>
    %max3A_634 = arith.constant 0 : i32
    %max3A_635 = vector.broadcast %max3A_634 : i32 to vector<16xi32>
    %max3A_636 = arith.maxsi %get3A_630, %max3A_635 : vector<16xi32>
    tpu.vector_store_idx %arg7[%max3A_636], %broadcast_in_dim3A_5 masked %ge3A_633 : memref<49152xf32, #tpu.memory_space<vmem>>[vector<16xi32>], vector<16xf32>, vector<16xi1>
    %get3A_637 = arith.constant 1232 : index
    %get3A_638 = tpu.vector_load %arg5[%get3A_637] {strides = array<i32>} : memref<3264xi32, #tpu.memory_space<vmem>>, vector<16xi32>,
    %ge3A_639 = arith.constant 0 : i32
    %ge3A_640 = vector.broadcast %ge3A_639 : i32 to vector<16xi32>
    %ge3A_641 = arith.cmpi sge, %get3A_638, %ge3A_640 : vector<16xi32>
    %max3A_642 = arith.constant 0 : i32
    %max3A_643 = vector.broadcast %max3A_642 : i32 to vector<16xi32>
    %max3A_644 = arith.maxsi %get3A_638, %max3A_643 : vector<16xi32>
    tpu.vector_store_idx %arg7[%max3A_644], %broadcast_in_dim3A_5 masked %ge3A_641 : memref<49152xf32, #tpu.memory_space<vmem>>[vector<16xi32>], vector<16xf32>, vector<16xi1>
    %get3A_645 = arith.constant 1248 : index
    %get3A_646 = tpu.vector_load %arg5[%get3A_645] {strides = array<i32>} : memref<3264xi32, #tpu.memory_space<vmem>>, vector<16xi32>,
    %ge3A_647 = arith.constant 0 : i32
    %ge3A_648 = vector.broadcast %ge3A_647 : i32 to vector<16xi32>
    %ge3A_649 = arith.cmpi sge, %get3A_646, %ge3A_648 : vector<16xi32>
    %max3A_650 = arith.constant 0 : i32
    %max3A_651 = vector.broadcast %max3A_650 : i32 to vector<16xi32>
    %max3A_652 = arith.maxsi %get3A_646, %max3A_651 : vector<16xi32>
    tpu.vector_store_idx %arg7[%max3A_652], %broadcast_in_dim3A_5 masked %ge3A_649 : memref<49152xf32, #tpu.memory_space<vmem>>[vector<16xi32>], vector<16xf32>, vector<16xi1>
    %get3A_653 = arith.constant 1264 : index
    %get3A_654 = tpu.vector_load %arg5[%get3A_653] {strides = array<i32>} : memref<3264xi32, #tpu.memory_space<vmem>>, vector<16xi32>,
    %ge3A_655 = arith.constant 0 : i32
    %ge3A_656 = vector.broadcast %ge3A_655 : i32 to vector<16xi32>
    %ge3A_657 = arith.cmpi sge, %get3A_654, %ge3A_656 : vector<16xi32>
    %max3A_658 = arith.constant 0 : i32
    %max3A_659 = vector.broadcast %max3A_658 : i32 to vector<16xi32>
    %max3A_660 = arith.maxsi %get3A_654, %max3A_659 : vector<16xi32>
    tpu.vector_store_idx %arg7[%max3A_660], %broadcast_in_dim3A_5 masked %ge3A_657 : memref<49152xf32, #tpu.memory_space<vmem>>[vector<16xi32>], vector<16xf32>, vector<16xi1>
    %get3A_661 = arith.constant 1280 : index
    %get3A_662 = tpu.vector_load %arg5[%get3A_661] {strides = array<i32>} : memref<3264xi32, #tpu.memory_space<vmem>>, vector<16xi32>,
    %ge3A_663 = arith.constant 0 : i32
    %ge3A_664 = vector.broadcast %ge3A_663 : i32 to vector<16xi32>
    %ge3A_665 = arith.cmpi sge, %get3A_662, %ge3A_664 : vector<16xi32>
    %max3A_666 = arith.constant 0 : i32
    %max3A_667 = vector.broadcast %max3A_666 : i32 to vector<16xi32>
    %max3A_668 = arith.maxsi %get3A_662, %max3A_667 : vector<16xi32>
    tpu.vector_store_idx %arg7[%max3A_668], %broadcast_in_dim3A_5 masked %ge3A_665 : memref<49152xf32, #tpu.memory_space<vmem>>[vector<16xi32>], vector<16xf32>, vector<16xi1>
    %get3A_669 = arith.constant 1296 : index
    %get3A_670 = tpu.vector_load %arg5[%get3A_669] {strides = array<i32>} : memref<3264xi32, #tpu.memory_space<vmem>>, vector<16xi32>,
    %ge3A_671 = arith.constant 0 : i32
    %ge3A_672 = vector.broadcast %ge3A_671 : i32 to vector<16xi32>
    %ge3A_673 = arith.cmpi sge, %get3A_670, %ge3A_672 : vector<16xi32>
    %max3A_674 = arith.constant 0 : i32
    %max3A_675 = vector.broadcast %max3A_674 : i32 to vector<16xi32>
    %max3A_676 = arith.maxsi %get3A_670, %max3A_675 : vector<16xi32>
    tpu.vector_store_idx %arg7[%max3A_676], %broadcast_in_dim3A_5 masked %ge3A_673 : memref<49152xf32, #tpu.memory_space<vmem>>[vector<16xi32>], vector<16xf32>, vector<16xi1>
    %get3A_677 = arith.constant 1312 : index
    %get3A_678 = tpu.vector_load %arg5[%get3A_677] {strides = array<i32>} : memref<3264xi32, #tpu.memory_space<vmem>>, vector<16xi32>,
    %ge3A_679 = arith.constant 0 : i32
    %ge3A_680 = vector.broadcast %ge3A_679 : i32 to vector<16xi32>
    %ge3A_681 = arith.cmpi sge, %get3A_678, %ge3A_680 : vector<16xi32>
    %max3A_682 = arith.constant 0 : i32
    %max3A_683 = vector.broadcast %max3A_682 : i32 to vector<16xi32>
    %max3A_684 = arith.maxsi %get3A_678, %max3A_683 : vector<16xi32>
    tpu.vector_store_idx %arg7[%max3A_684], %broadcast_in_dim3A_5 masked %ge3A_681 : memref<49152xf32, #tpu.memory_space<vmem>>[vector<16xi32>], vector<16xf32>, vector<16xi1>
    %get3A_685 = arith.constant 1328 : index
    %get3A_686 = tpu.vector_load %arg5[%get3A_685] {strides = array<i32>} : memref<3264xi32, #tpu.memory_space<vmem>>, vector<16xi32>,
    %ge3A_687 = arith.constant 0 : i32
    %ge3A_688 = vector.broadcast %ge3A_687 : i32 to vector<16xi32>
    %ge3A_689 = arith.cmpi sge, %get3A_686, %ge3A_688 : vector<16xi32>
    %max3A_690 = arith.constant 0 : i32
    %max3A_691 = vector.broadcast %max3A_690 : i32 to vector<16xi32>
    %max3A_692 = arith.maxsi %get3A_686, %max3A_691 : vector<16xi32>
    tpu.vector_store_idx %arg7[%max3A_692], %broadcast_in_dim3A_5 masked %ge3A_689 : memref<49152xf32, #tpu.memory_space<vmem>>[vector<16xi32>], vector<16xf32>, vector<16xi1>
    %get3A_693 = arith.constant 1344 : index
    %get3A_694 = tpu.vector_load %arg5[%get3A_693] {strides = array<i32>} : memref<3264xi32, #tpu.memory_space<vmem>>, vector<16xi32>,
    %ge3A_695 = arith.constant 0 : i32
    %ge3A_696 = vector.broadcast %ge3A_695 : i32 to vector<16xi32>
    %ge3A_697 = arith.cmpi sge, %get3A_694, %ge3A_696 : vector<16xi32>
    %max3A_698 = arith.constant 0 : i32
    %max3A_699 = vector.broadcast %max3A_698 : i32 to vector<16xi32>
    %max3A_700 = arith.maxsi %get3A_694, %max3A_699 : vector<16xi32>
    tpu.vector_store_idx %arg7[%max3A_700], %broadcast_in_dim3A_5 masked %ge3A_697 : memref<49152xf32, #tpu.memory_space<vmem>>[vector<16xi32>], vector<16xf32>, vector<16xi1>
    %get3A_701 = arith.constant 1360 : index
    %get3A_702 = tpu.vector_load %arg5[%get3A_701] {strides = array<i32>} : memref<3264xi32, #tpu.memory_space<vmem>>, vector<16xi32>,
    %ge3A_703 = arith.constant 0 : i32
    %ge3A_704 = vector.broadcast %ge3A_703 : i32 to vector<16xi32>
    %ge3A_705 = arith.cmpi sge, %get3A_702, %ge3A_704 : vector<16xi32>
    %max3A_706 = arith.constant 0 : i32
    %max3A_707 = vector.broadcast %max3A_706 : i32 to vector<16xi32>
    %max3A_708 = arith.maxsi %get3A_702, %max3A_707 : vector<16xi32>
    tpu.vector_store_idx %arg7[%max3A_708], %broadcast_in_dim3A_5 masked %ge3A_705 : memref<49152xf32, #tpu.memory_space<vmem>>[vector<16xi32>], vector<16xf32>, vector<16xi1>
    %get3A_709 = arith.constant 1376 : index
    %get3A_710 = tpu.vector_load %arg5[%get3A_709] {strides = array<i32>} : memref<3264xi32, #tpu.memory_space<vmem>>, vector<16xi32>,
    %ge3A_711 = arith.constant 0 : i32
    %ge3A_712 = vector.broadcast %ge3A_711 : i32 to vector<16xi32>
    %ge3A_713 = arith.cmpi sge, %get3A_710, %ge3A_712 : vector<16xi32>
    %max3A_714 = arith.constant 0 : i32
    %max3A_715 = vector.broadcast %max3A_714 : i32 to vector<16xi32>
    %max3A_716 = arith.maxsi %get3A_710, %max3A_715 : vector<16xi32>
    tpu.vector_store_idx %arg7[%max3A_716], %broadcast_in_dim3A_5 masked %ge3A_713 : memref<49152xf32, #tpu.memory_space<vmem>>[vector<16xi32>], vector<16xf32>, vector<16xi1>
    %get3A_717 = arith.constant 1392 : index
    %get3A_718 = tpu.vector_load %arg5[%get3A_717] {strides = array<i32>} : memref<3264xi32, #tpu.memory_space<vmem>>, vector<16xi32>,
    %ge3A_719 = arith.constant 0 : i32
    %ge3A_720 = vector.broadcast %ge3A_719 : i32 to vector<16xi32>
    %ge3A_721 = arith.cmpi sge, %get3A_718, %ge3A_720 : vector<16xi32>
    %max3A_722 = arith.constant 0 : i32
    %max3A_723 = vector.broadcast %max3A_722 : i32 to vector<16xi32>
    %max3A_724 = arith.maxsi %get3A_718, %max3A_723 : vector<16xi32>
    tpu.vector_store_idx %arg7[%max3A_724], %broadcast_in_dim3A_5 masked %ge3A_721 : memref<49152xf32, #tpu.memory_space<vmem>>[vector<16xi32>], vector<16xf32>, vector<16xi1>
    %get3A_725 = arith.constant 1408 : index
    %get3A_726 = tpu.vector_load %arg5[%get3A_725] {strides = array<i32>} : memref<3264xi32, #tpu.memory_space<vmem>>, vector<16xi32>,
    %ge3A_727 = arith.constant 0 : i32
    %ge3A_728 = vector.broadcast %ge3A_727 : i32 to vector<16xi32>
    %ge3A_729 = arith.cmpi sge, %get3A_726, %ge3A_728 : vector<16xi32>
    %max3A_730 = arith.constant 0 : i32
    %max3A_731 = vector.broadcast %max3A_730 : i32 to vector<16xi32>
    %max3A_732 = arith.maxsi %get3A_726, %max3A_731 : vector<16xi32>
    tpu.vector_store_idx %arg7[%max3A_732], %broadcast_in_dim3A_5 masked %ge3A_729 : memref<49152xf32, #tpu.memory_space<vmem>>[vector<16xi32>], vector<16xf32>, vector<16xi1>
    %get3A_733 = arith.constant 1424 : index
    %get3A_734 = tpu.vector_load %arg5[%get3A_733] {strides = array<i32>} : memref<3264xi32, #tpu.memory_space<vmem>>, vector<16xi32>,
    %ge3A_735 = arith.constant 0 : i32
    %ge3A_736 = vector.broadcast %ge3A_735 : i32 to vector<16xi32>
    %ge3A_737 = arith.cmpi sge, %get3A_734, %ge3A_736 : vector<16xi32>
    %max3A_738 = arith.constant 0 : i32
    %max3A_739 = vector.broadcast %max3A_738 : i32 to vector<16xi32>
    %max3A_740 = arith.maxsi %get3A_734, %max3A_739 : vector<16xi32>
    tpu.vector_store_idx %arg7[%max3A_740], %broadcast_in_dim3A_5 masked %ge3A_737 : memref<49152xf32, #tpu.memory_space<vmem>>[vector<16xi32>], vector<16xf32>, vector<16xi1>
    %get3A_741 = arith.constant 1440 : index
    %get3A_742 = tpu.vector_load %arg5[%get3A_741] {strides = array<i32>} : memref<3264xi32, #tpu.memory_space<vmem>>, vector<16xi32>,
    %ge3A_743 = arith.constant 0 : i32
    %ge3A_744 = vector.broadcast %ge3A_743 : i32 to vector<16xi32>
    %ge3A_745 = arith.cmpi sge, %get3A_742, %ge3A_744 : vector<16xi32>
    %max3A_746 = arith.constant 0 : i32
    %max3A_747 = vector.broadcast %max3A_746 : i32 to vector<16xi32>
    %max3A_748 = arith.maxsi %get3A_742, %max3A_747 : vector<16xi32>
    tpu.vector_store_idx %arg7[%max3A_748], %broadcast_in_dim3A_5 masked %ge3A_745 : memref<49152xf32, #tpu.memory_space<vmem>>[vector<16xi32>], vector<16xf32>, vector<16xi1>
    %get3A_749 = arith.constant 1456 : index
    %get3A_750 = tpu.vector_load %arg5[%get3A_749] {strides = array<i32>} : memref<3264xi32, #tpu.memory_space<vmem>>, vector<16xi32>,
    %ge3A_751 = arith.constant 0 : i32
    %ge3A_752 = vector.broadcast %ge3A_751 : i32 to vector<16xi32>
    %ge3A_753 = arith.cmpi sge, %get3A_750, %ge3A_752 : vector<16xi32>
    %max3A_754 = arith.constant 0 : i32
    %max3A_755 = vector.broadcast %max3A_754 : i32 to vector<16xi32>
    %max3A_756 = arith.maxsi %get3A_750, %max3A_755 : vector<16xi32>
    tpu.vector_store_idx %arg7[%max3A_756], %broadcast_in_dim3A_5 masked %ge3A_753 : memref<49152xf32, #tpu.memory_space<vmem>>[vector<16xi32>], vector<16xf32>, vector<16xi1>
    %get3A_757 = arith.constant 1472 : index
    %get3A_758 = tpu.vector_load %arg5[%get3A_757] {strides = array<i32>} : memref<3264xi32, #tpu.memory_space<vmem>>, vector<16xi32>,
    %ge3A_759 = arith.constant 0 : i32
    %ge3A_760 = vector.broadcast %ge3A_759 : i32 to vector<16xi32>
    %ge3A_761 = arith.cmpi sge, %get3A_758, %ge3A_760 : vector<16xi32>
    %max3A_762 = arith.constant 0 : i32
    %max3A_763 = vector.broadcast %max3A_762 : i32 to vector<16xi32>
    %max3A_764 = arith.maxsi %get3A_758, %max3A_763 : vector<16xi32>
    tpu.vector_store_idx %arg7[%max3A_764], %broadcast_in_dim3A_5 masked %ge3A_761 : memref<49152xf32, #tpu.memory_space<vmem>>[vector<16xi32>], vector<16xf32>, vector<16xi1>
    %get3A_765 = arith.constant 1488 : index
    %get3A_766 = tpu.vector_load %arg5[%get3A_765] {strides = array<i32>} : memref<3264xi32, #tpu.memory_space<vmem>>, vector<16xi32>,
    %ge3A_767 = arith.constant 0 : i32
    %ge3A_768 = vector.broadcast %ge3A_767 : i32 to vector<16xi32>
    %ge3A_769 = arith.cmpi sge, %get3A_766, %ge3A_768 : vector<16xi32>
    %max3A_770 = arith.constant 0 : i32
    %max3A_771 = vector.broadcast %max3A_770 : i32 to vector<16xi32>
    %max3A_772 = arith.maxsi %get3A_766, %max3A_771 : vector<16xi32>
    tpu.vector_store_idx %arg7[%max3A_772], %broadcast_in_dim3A_5 masked %ge3A_769 : memref<49152xf32, #tpu.memory_space<vmem>>[vector<16xi32>], vector<16xf32>, vector<16xi1>
    %get3A_773 = arith.constant 1504 : index
    %get3A_774 = tpu.vector_load %arg5[%get3A_773] {strides = array<i32>} : memref<3264xi32, #tpu.memory_space<vmem>>, vector<16xi32>,
    %ge3A_775 = arith.constant 0 : i32
    %ge3A_776 = vector.broadcast %ge3A_775 : i32 to vector<16xi32>
    %ge3A_777 = arith.cmpi sge, %get3A_774, %ge3A_776 : vector<16xi32>
    %max3A_778 = arith.constant 0 : i32
    %max3A_779 = vector.broadcast %max3A_778 : i32 to vector<16xi32>
    %max3A_780 = arith.maxsi %get3A_774, %max3A_779 : vector<16xi32>
    tpu.vector_store_idx %arg7[%max3A_780], %broadcast_in_dim3A_5 masked %ge3A_777 : memref<49152xf32, #tpu.memory_space<vmem>>[vector<16xi32>], vector<16xf32>, vector<16xi1>
    %get3A_781 = arith.constant 1520 : index
    %get3A_782 = tpu.vector_load %arg5[%get3A_781] {strides = array<i32>} : memref<3264xi32, #tpu.memory_space<vmem>>, vector<16xi32>,
    %ge3A_783 = arith.constant 0 : i32
    %ge3A_784 = vector.broadcast %ge3A_783 : i32 to vector<16xi32>
    %ge3A_785 = arith.cmpi sge, %get3A_782, %ge3A_784 : vector<16xi32>
    %max3A_786 = arith.constant 0 : i32
    %max3A_787 = vector.broadcast %max3A_786 : i32 to vector<16xi32>
    %max3A_788 = arith.maxsi %get3A_782, %max3A_787 : vector<16xi32>
    tpu.vector_store_idx %arg7[%max3A_788], %broadcast_in_dim3A_5 masked %ge3A_785 : memref<49152xf32, #tpu.memory_space<vmem>>[vector<16xi32>], vector<16xf32>, vector<16xi1>
    %get3A_789 = arith.constant 1536 : index
    %get3A_790 = tpu.vector_load %arg5[%get3A_789] {strides = array<i32>} : memref<3264xi32, #tpu.memory_space<vmem>>, vector<16xi32>,
    %ge3A_791 = arith.constant 0 : i32
    %ge3A_792 = vector.broadcast %ge3A_791 : i32 to vector<16xi32>
    %ge3A_793 = arith.cmpi sge, %get3A_790, %ge3A_792 : vector<16xi32>
    %max3A_794 = arith.constant 0 : i32
    %max3A_795 = vector.broadcast %max3A_794 : i32 to vector<16xi32>
    %max3A_796 = arith.maxsi %get3A_790, %max3A_795 : vector<16xi32>
    tpu.vector_store_idx %arg7[%max3A_796], %broadcast_in_dim3A_5 masked %ge3A_793 : memref<49152xf32, #tpu.memory_space<vmem>>[vector<16xi32>], vector<16xf32>, vector<16xi1>
    %get3A_797 = arith.constant 1552 : index
    %get3A_798 = tpu.vector_load %arg5[%get3A_797] {strides = array<i32>} : memref<3264xi32, #tpu.memory_space<vmem>>, vector<16xi32>,
    %ge3A_799 = arith.constant 0 : i32
    %ge3A_800 = vector.broadcast %ge3A_799 : i32 to vector<16xi32>
    %ge3A_801 = arith.cmpi sge, %get3A_798, %ge3A_800 : vector<16xi32>
    %max3A_802 = arith.constant 0 : i32
    %max3A_803 = vector.broadcast %max3A_802 : i32 to vector<16xi32>
    %max3A_804 = arith.maxsi %get3A_798, %max3A_803 : vector<16xi32>
    tpu.vector_store_idx %arg7[%max3A_804], %broadcast_in_dim3A_5 masked %ge3A_801 : memref<49152xf32, #tpu.memory_space<vmem>>[vector<16xi32>], vector<16xf32>, vector<16xi1>
    %get3A_805 = arith.constant 1568 : index
    %get3A_806 = tpu.vector_load %arg5[%get3A_805] {strides = array<i32>} : memref<3264xi32, #tpu.memory_space<vmem>>, vector<16xi32>,
    %ge3A_807 = arith.constant 0 : i32
    %ge3A_808 = vector.broadcast %ge3A_807 : i32 to vector<16xi32>
    %ge3A_809 = arith.cmpi sge, %get3A_806, %ge3A_808 : vector<16xi32>
    %max3A_810 = arith.constant 0 : i32
    %max3A_811 = vector.broadcast %max3A_810 : i32 to vector<16xi32>
    %max3A_812 = arith.maxsi %get3A_806, %max3A_811 : vector<16xi32>
    tpu.vector_store_idx %arg7[%max3A_812], %broadcast_in_dim3A_5 masked %ge3A_809 : memref<49152xf32, #tpu.memory_space<vmem>>[vector<16xi32>], vector<16xf32>, vector<16xi1>
    %get3A_813 = arith.constant 1584 : index
    %get3A_814 = tpu.vector_load %arg5[%get3A_813] {strides = array<i32>} : memref<3264xi32, #tpu.memory_space<vmem>>, vector<16xi32>,
    %ge3A_815 = arith.constant 0 : i32
    %ge3A_816 = vector.broadcast %ge3A_815 : i32 to vector<16xi32>
    %ge3A_817 = arith.cmpi sge, %get3A_814, %ge3A_816 : vector<16xi32>
    %max3A_818 = arith.constant 0 : i32
    %max3A_819 = vector.broadcast %max3A_818 : i32 to vector<16xi32>
    %max3A_820 = arith.maxsi %get3A_814, %max3A_819 : vector<16xi32>
    tpu.vector_store_idx %arg7[%max3A_820], %broadcast_in_dim3A_5 masked %ge3A_817 : memref<49152xf32, #tpu.memory_space<vmem>>[vector<16xi32>], vector<16xf32>, vector<16xi1>
    %get3A_821 = arith.constant 1600 : index
    %get3A_822 = tpu.vector_load %arg5[%get3A_821] {strides = array<i32>} : memref<3264xi32, #tpu.memory_space<vmem>>, vector<16xi32>,
    %ge3A_823 = arith.constant 0 : i32
    %ge3A_824 = vector.broadcast %ge3A_823 : i32 to vector<16xi32>
    %ge3A_825 = arith.cmpi sge, %get3A_822, %ge3A_824 : vector<16xi32>
    %max3A_826 = arith.constant 0 : i32
    %max3A_827 = vector.broadcast %max3A_826 : i32 to vector<16xi32>
    %max3A_828 = arith.maxsi %get3A_822, %max3A_827 : vector<16xi32>
    tpu.vector_store_idx %arg7[%max3A_828], %broadcast_in_dim3A_5 masked %ge3A_825 : memref<49152xf32, #tpu.memory_space<vmem>>[vector<16xi32>], vector<16xf32>, vector<16xi1>
    %get3A_829 = arith.constant 1616 : index
    %get3A_830 = tpu.vector_load %arg5[%get3A_829] {strides = array<i32>} : memref<3264xi32, #tpu.memory_space<vmem>>, vector<16xi32>,
    %ge3A_831 = arith.constant 0 : i32
    %ge3A_832 = vector.broadcast %ge3A_831 : i32 to vector<16xi32>
    %ge3A_833 = arith.cmpi sge, %get3A_830, %ge3A_832 : vector<16xi32>
    %max3A_834 = arith.constant 0 : i32
    %max3A_835 = vector.broadcast %max3A_834 : i32 to vector<16xi32>
    %max3A_836 = arith.maxsi %get3A_830, %max3A_835 : vector<16xi32>
    tpu.vector_store_idx %arg7[%max3A_836], %broadcast_in_dim3A_5 masked %ge3A_833 : memref<49152xf32, #tpu.memory_space<vmem>>[vector<16xi32>], vector<16xf32>, vector<16xi1>
    %add3A_837 = arith.constant 49152 : i32
    %add3A_838 = arith.addi %mul3A_2, %add3A_837 : i32
    %dma_start3A_839 = tpu.memref_slice %arg4[%add3A_838] : memref<6291456xf32, #tpu.memory_space<hbm>> -> memref<49152xf32, #tpu.memory_space<hbm>>
    %dma_start3A_840 = tpu.memref_slice %arg4[%add3A_838] : memref<6291456xf32, #tpu.memory_space<hbm>> -> memref<49152xf32, #tpu.memory_space<hbm>>
    tpu.enqueue_dma source(%arg7 : memref<49152xf32, #tpu.memory_space<vmem>>) target(%dma_start3A_840 : memref<49152xf32, #tpu.memory_space<hbm>>) target_semaphore(%arg11 : memref<!tpu.dma_semaphore, #tpu.memory_space<semaphore_mem>>)
    %dma_wait3A_841 = tpu.memref_slice %arg2[%add3A_426] : memref<6291456xf32, #tpu.memory_space<hbm>> -> memref<49152xf32, #tpu.memory_space<hbm>>
    %dma_wait3A_842 = tpu.memref_slice %arg2[%add3A_426] : memref<6291456xf32, #tpu.memory_space<hbm>> -> memref<49152xf32, #tpu.memory_space<hbm>>
    tpu.wait_dma2 semaphore(%arg8 : memref<!tpu.dma_semaphore, #tpu.memory_space<semaphore_mem>>) src(%dma_wait3A_842 : memref<49152xf32, #tpu.memory_space<hbm>>) dst(%arg6 : memref<49152xf32, #tpu.memory_space<vmem>>)
    %dma_wait3A_843 = tpu.memref_slice %arg4[%add3A_838] : memref<6291456xf32, #tpu.memory_space<hbm>> -> memref<49152xf32, #tpu.memory_space<hbm>>
    %dma_wait3A_844 = tpu.memref_slice %arg4[%add3A_838] : memref<6291456xf32, #tpu.memory_space<hbm>> -> memref<49152xf32, #tpu.memory_space<hbm>>
    tpu.wait_dma2 semaphore(%arg11 : memref<!tpu.dma_semaphore, #tpu.memory_space<semaphore_mem>>) src(%arg7 : memref<49152xf32, #tpu.memory_space<vmem>>) dst(%dma_wait3A_844 : memref<49152xf32, #tpu.memory_space<hbm>>)
    %add3A_845 = arith.constant 147456 : i32
    %add3A_846 = arith.addi %mul3A_2, %add3A_845 : i32
    %dma_start3A_847 = tpu.memref_slice %arg2[%add3A_846] : memref<6291456xf32, #tpu.memory_space<hbm>> -> memref<49152xf32, #tpu.memory_space<hbm>>
    %dma_start3A_848 = tpu.memref_slice %arg2[%add3A_846] : memref<6291456xf32, #tpu.memory_space<hbm>> -> memref<49152xf32, #tpu.memory_space<hbm>>
    tpu.enqueue_dma source(%dma_start3A_848 : memref<49152xf32, #tpu.memory_space<hbm>>) target(%arg7 : memref<49152xf32, #tpu.memory_space<vmem>>) target_semaphore(%arg9 : memref<!tpu.dma_semaphore, #tpu.memory_space<semaphore_mem>>)
    %get3A_849 = arith.constant 1632 : index
    %get3A_850 = tpu.vector_load %arg5[%get3A_849] {strides = array<i32>} : memref<3264xi32, #tpu.memory_space<vmem>>, vector<16xi32>,
    %ge3A_851 = arith.constant 0 : i32
    %ge3A_852 = vector.broadcast %ge3A_851 : i32 to vector<16xi32>
    %ge3A_853 = arith.cmpi sge, %get3A_850, %ge3A_852 : vector<16xi32>
    %max3A_854 = arith.constant 0 : i32
    %max3A_855 = vector.broadcast %max3A_854 : i32 to vector<16xi32>
    %max3A_856 = arith.maxsi %get3A_850, %max3A_855 : vector<16xi32>
    tpu.vector_store_idx %arg6[%max3A_856], %broadcast_in_dim3A_5 masked %ge3A_853 : memref<49152xf32, #tpu.memory_space<vmem>>[vector<16xi32>], vector<16xf32>, vector<16xi1>
    %get3A_857 = arith.constant 1648 : index
    %get3A_858 = tpu.vector_load %arg5[%get3A_857] {strides = array<i32>} : memref<3264xi32, #tpu.memory_space<vmem>>, vector<16xi32>,
    %ge3A_859 = arith.constant 0 : i32
    %ge3A_860 = vector.broadcast %ge3A_859 : i32 to vector<16xi32>
    %ge3A_861 = arith.cmpi sge, %get3A_858, %ge3A_860 : vector<16xi32>
    %max3A_862 = arith.constant 0 : i32
    %max3A_863 = vector.broadcast %max3A_862 : i32 to vector<16xi32>
    %max3A_864 = arith.maxsi %get3A_858, %max3A_863 : vector<16xi32>
    tpu.vector_store_idx %arg6[%max3A_864], %broadcast_in_dim3A_5 masked %ge3A_861 : memref<49152xf32, #tpu.memory_space<vmem>>[vector<16xi32>], vector<16xf32>, vector<16xi1>
    %get3A_865 = arith.constant 1664 : index
    %get3A_866 = tpu.vector_load %arg5[%get3A_865] {strides = array<i32>} : memref<3264xi32, #tpu.memory_space<vmem>>, vector<16xi32>,
    %ge3A_867 = arith.constant 0 : i32
    %ge3A_868 = vector.broadcast %ge3A_867 : i32 to vector<16xi32>
    %ge3A_869 = arith.cmpi sge, %get3A_866, %ge3A_868 : vector<16xi32>
    %max3A_870 = arith.constant 0 : i32
    %max3A_871 = vector.broadcast %max3A_870 : i32 to vector<16xi32>
    %max3A_872 = arith.maxsi %get3A_866, %max3A_871 : vector<16xi32>
    tpu.vector_store_idx %arg6[%max3A_872], %broadcast_in_dim3A_5 masked %ge3A_869 : memref<49152xf32, #tpu.memory_space<vmem>>[vector<16xi32>], vector<16xf32>, vector<16xi1>
    %get3A_873 = arith.constant 1680 : index
    %get3A_874 = tpu.vector_load %arg5[%get3A_873] {strides = array<i32>} : memref<3264xi32, #tpu.memory_space<vmem>>, vector<16xi32>,
    %ge3A_875 = arith.constant 0 : i32
    %ge3A_876 = vector.broadcast %ge3A_875 : i32 to vector<16xi32>
    %ge3A_877 = arith.cmpi sge, %get3A_874, %ge3A_876 : vector<16xi32>
    %max3A_878 = arith.constant 0 : i32
    %max3A_879 = vector.broadcast %max3A_878 : i32 to vector<16xi32>
    %max3A_880 = arith.maxsi %get3A_874, %max3A_879 : vector<16xi32>
    tpu.vector_store_idx %arg6[%max3A_880], %broadcast_in_dim3A_5 masked %ge3A_877 : memref<49152xf32, #tpu.memory_space<vmem>>[vector<16xi32>], vector<16xf32>, vector<16xi1>
    %get3A_881 = arith.constant 1696 : index
    %get3A_882 = tpu.vector_load %arg5[%get3A_881] {strides = array<i32>} : memref<3264xi32, #tpu.memory_space<vmem>>, vector<16xi32>,
    %ge3A_883 = arith.constant 0 : i32
    %ge3A_884 = vector.broadcast %ge3A_883 : i32 to vector<16xi32>
    %ge3A_885 = arith.cmpi sge, %get3A_882, %ge3A_884 : vector<16xi32>
    %max3A_886 = arith.constant 0 : i32
    %max3A_887 = vector.broadcast %max3A_886 : i32 to vector<16xi32>
    %max3A_888 = arith.maxsi %get3A_882, %max3A_887 : vector<16xi32>
    tpu.vector_store_idx %arg6[%max3A_888], %broadcast_in_dim3A_5 masked %ge3A_885 : memref<49152xf32, #tpu.memory_space<vmem>>[vector<16xi32>], vector<16xf32>, vector<16xi1>
    %get3A_889 = arith.constant 1712 : index
    %get3A_890 = tpu.vector_load %arg5[%get3A_889] {strides = array<i32>} : memref<3264xi32, #tpu.memory_space<vmem>>, vector<16xi32>,
    %ge3A_891 = arith.constant 0 : i32
    %ge3A_892 = vector.broadcast %ge3A_891 : i32 to vector<16xi32>
    %ge3A_893 = arith.cmpi sge, %get3A_890, %ge3A_892 : vector<16xi32>
    %max3A_894 = arith.constant 0 : i32
    %max3A_895 = vector.broadcast %max3A_894 : i32 to vector<16xi32>
    %max3A_896 = arith.maxsi %get3A_890, %max3A_895 : vector<16xi32>
    tpu.vector_store_idx %arg6[%max3A_896], %broadcast_in_dim3A_5 masked %ge3A_893 : memref<49152xf32, #tpu.memory_space<vmem>>[vector<16xi32>], vector<16xf32>, vector<16xi1>
    %get3A_897 = arith.constant 1728 : index
    %get3A_898 = tpu.vector_load %arg5[%get3A_897] {strides = array<i32>} : memref<3264xi32, #tpu.memory_space<vmem>>, vector<16xi32>,
    %ge3A_899 = arith.constant 0 : i32
    %ge3A_900 = vector.broadcast %ge3A_899 : i32 to vector<16xi32>
    %ge3A_901 = arith.cmpi sge, %get3A_898, %ge3A_900 : vector<16xi32>
    %max3A_902 = arith.constant 0 : i32
    %max3A_903 = vector.broadcast %max3A_902 : i32 to vector<16xi32>
    %max3A_904 = arith.maxsi %get3A_898, %max3A_903 : vector<16xi32>
    tpu.vector_store_idx %arg6[%max3A_904], %broadcast_in_dim3A_5 masked %ge3A_901 : memref<49152xf32, #tpu.memory_space<vmem>>[vector<16xi32>], vector<16xf32>, vector<16xi1>
    %get3A_905 = arith.constant 1744 : index
    %get3A_906 = tpu.vector_load %arg5[%get3A_905] {strides = array<i32>} : memref<3264xi32, #tpu.memory_space<vmem>>, vector<16xi32>,
    %ge3A_907 = arith.constant 0 : i32
    %ge3A_908 = vector.broadcast %ge3A_907 : i32 to vector<16xi32>
    %ge3A_909 = arith.cmpi sge, %get3A_906, %ge3A_908 : vector<16xi32>
    %max3A_910 = arith.constant 0 : i32
    %max3A_911 = vector.broadcast %max3A_910 : i32 to vector<16xi32>
    %max3A_912 = arith.maxsi %get3A_906, %max3A_911 : vector<16xi32>
    tpu.vector_store_idx %arg6[%max3A_912], %broadcast_in_dim3A_5 masked %ge3A_909 : memref<49152xf32, #tpu.memory_space<vmem>>[vector<16xi32>], vector<16xf32>, vector<16xi1>
    %get3A_913 = arith.constant 1760 : index
    %get3A_914 = tpu.vector_load %arg5[%get3A_913] {strides = array<i32>} : memref<3264xi32, #tpu.memory_space<vmem>>, vector<16xi32>,
    %ge3A_915 = arith.constant 0 : i32
    %ge3A_916 = vector.broadcast %ge3A_915 : i32 to vector<16xi32>
    %ge3A_917 = arith.cmpi sge, %get3A_914, %ge3A_916 : vector<16xi32>
    %max3A_918 = arith.constant 0 : i32
    %max3A_919 = vector.broadcast %max3A_918 : i32 to vector<16xi32>
    %max3A_920 = arith.maxsi %get3A_914, %max3A_919 : vector<16xi32>
    tpu.vector_store_idx %arg6[%max3A_920], %broadcast_in_dim3A_5 masked %ge3A_917 : memref<49152xf32, #tpu.memory_space<vmem>>[vector<16xi32>], vector<16xf32>, vector<16xi1>
    %get3A_921 = arith.constant 1776 : index
    %get3A_922 = tpu.vector_load %arg5[%get3A_921] {strides = array<i32>} : memref<3264xi32, #tpu.memory_space<vmem>>, vector<16xi32>,
    %ge3A_923 = arith.constant 0 : i32
    %ge3A_924 = vector.broadcast %ge3A_923 : i32 to vector<16xi32>
    %ge3A_925 = arith.cmpi sge, %get3A_922, %ge3A_924 : vector<16xi32>
    %max3A_926 = arith.constant 0 : i32
    %max3A_927 = vector.broadcast %max3A_926 : i32 to vector<16xi32>
    %max3A_928 = arith.maxsi %get3A_922, %max3A_927 : vector<16xi32>
    tpu.vector_store_idx %arg6[%max3A_928], %broadcast_in_dim3A_5 masked %ge3A_925 : memref<49152xf32, #tpu.memory_space<vmem>>[vector<16xi32>], vector<16xf32>, vector<16xi1>
    %get3A_929 = arith.constant 1792 : index
    %get3A_930 = tpu.vector_load %arg5[%get3A_929] {strides = array<i32>} : memref<3264xi32, #tpu.memory_space<vmem>>, vector<16xi32>,
    %ge3A_931 = arith.constant 0 : i32
    %ge3A_932 = vector.broadcast %ge3A_931 : i32 to vector<16xi32>
    %ge3A_933 = arith.cmpi sge, %get3A_930, %ge3A_932 : vector<16xi32>
    %max3A_934 = arith.constant 0 : i32
    %max3A_935 = vector.broadcast %max3A_934 : i32 to vector<16xi32>
    %max3A_936 = arith.maxsi %get3A_930, %max3A_935 : vector<16xi32>
    tpu.vector_store_idx %arg6[%max3A_936], %broadcast_in_dim3A_5 masked %ge3A_933 : memref<49152xf32, #tpu.memory_space<vmem>>[vector<16xi32>], vector<16xf32>, vector<16xi1>
    %get3A_937 = arith.constant 1808 : index
    %get3A_938 = tpu.vector_load %arg5[%get3A_937] {strides = array<i32>} : memref<3264xi32, #tpu.memory_space<vmem>>, vector<16xi32>,
    %ge3A_939 = arith.constant 0 : i32
    %ge3A_940 = vector.broadcast %ge3A_939 : i32 to vector<16xi32>
    %ge3A_941 = arith.cmpi sge, %get3A_938, %ge3A_940 : vector<16xi32>
    %max3A_942 = arith.constant 0 : i32
    %max3A_943 = vector.broadcast %max3A_942 : i32 to vector<16xi32>
    %max3A_944 = arith.maxsi %get3A_938, %max3A_943 : vector<16xi32>
    tpu.vector_store_idx %arg6[%max3A_944], %broadcast_in_dim3A_5 masked %ge3A_941 : memref<49152xf32, #tpu.memory_space<vmem>>[vector<16xi32>], vector<16xf32>, vector<16xi1>
    %get3A_945 = arith.constant 1824 : index
    %get3A_946 = tpu.vector_load %arg5[%get3A_945] {strides = array<i32>} : memref<3264xi32, #tpu.memory_space<vmem>>, vector<16xi32>,
    %ge3A_947 = arith.constant 0 : i32
    %ge3A_948 = vector.broadcast %ge3A_947 : i32 to vector<16xi32>
    %ge3A_949 = arith.cmpi sge, %get3A_946, %ge3A_948 : vector<16xi32>
    %max3A_950 = arith.constant 0 : i32
    %max3A_951 = vector.broadcast %max3A_950 : i32 to vector<16xi32>
    %max3A_952 = arith.maxsi %get3A_946, %max3A_951 : vector<16xi32>
    tpu.vector_store_idx %arg6[%max3A_952], %broadcast_in_dim3A_5 masked %ge3A_949 : memref<49152xf32, #tpu.memory_space<vmem>>[vector<16xi32>], vector<16xf32>, vector<16xi1>
    %get3A_953 = arith.constant 1840 : index
    %get3A_954 = tpu.vector_load %arg5[%get3A_953] {strides = array<i32>} : memref<3264xi32, #tpu.memory_space<vmem>>, vector<16xi32>,
    %ge3A_955 = arith.constant 0 : i32
    %ge3A_956 = vector.broadcast %ge3A_955 : i32 to vector<16xi32>
    %ge3A_957 = arith.cmpi sge, %get3A_954, %ge3A_956 : vector<16xi32>
    %max3A_958 = arith.constant 0 : i32
    %max3A_959 = vector.broadcast %max3A_958 : i32 to vector<16xi32>
    %max3A_960 = arith.maxsi %get3A_954, %max3A_959 : vector<16xi32>
    tpu.vector_store_idx %arg6[%max3A_960], %broadcast_in_dim3A_5 masked %ge3A_957 : memref<49152xf32, #tpu.memory_space<vmem>>[vector<16xi32>], vector<16xf32>, vector<16xi1>
    %get3A_961 = arith.constant 1856 : index
    %get3A_962 = tpu.vector_load %arg5[%get3A_961] {strides = array<i32>} : memref<3264xi32, #tpu.memory_space<vmem>>, vector<16xi32>,
    %ge3A_963 = arith.constant 0 : i32
    %ge3A_964 = vector.broadcast %ge3A_963 : i32 to vector<16xi32>
    %ge3A_965 = arith.cmpi sge, %get3A_962, %ge3A_964 : vector<16xi32>
    %max3A_966 = arith.constant 0 : i32
    %max3A_967 = vector.broadcast %max3A_966 : i32 to vector<16xi32>
    %max3A_968 = arith.maxsi %get3A_962, %max3A_967 : vector<16xi32>
    tpu.vector_store_idx %arg6[%max3A_968], %broadcast_in_dim3A_5 masked %ge3A_965 : memref<49152xf32, #tpu.memory_space<vmem>>[vector<16xi32>], vector<16xf32>, vector<16xi1>
    %get3A_969 = arith.constant 1872 : index
    %get3A_970 = tpu.vector_load %arg5[%get3A_969] {strides = array<i32>} : memref<3264xi32, #tpu.memory_space<vmem>>, vector<16xi32>,
    %ge3A_971 = arith.constant 0 : i32
    %ge3A_972 = vector.broadcast %ge3A_971 : i32 to vector<16xi32>
    %ge3A_973 = arith.cmpi sge, %get3A_970, %ge3A_972 : vector<16xi32>
    %max3A_974 = arith.constant 0 : i32
    %max3A_975 = vector.broadcast %max3A_974 : i32 to vector<16xi32>
    %max3A_976 = arith.maxsi %get3A_970, %max3A_975 : vector<16xi32>
    tpu.vector_store_idx %arg6[%max3A_976], %broadcast_in_dim3A_5 masked %ge3A_973 : memref<49152xf32, #tpu.memory_space<vmem>>[vector<16xi32>], vector<16xf32>, vector<16xi1>
    %get3A_977 = arith.constant 1888 : index
    %get3A_978 = tpu.vector_load %arg5[%get3A_977] {strides = array<i32>} : memref<3264xi32, #tpu.memory_space<vmem>>, vector<16xi32>,
    %ge3A_979 = arith.constant 0 : i32
    %ge3A_980 = vector.broadcast %ge3A_979 : i32 to vector<16xi32>
    %ge3A_981 = arith.cmpi sge, %get3A_978, %ge3A_980 : vector<16xi32>
    %max3A_982 = arith.constant 0 : i32
    %max3A_983 = vector.broadcast %max3A_982 : i32 to vector<16xi32>
    %max3A_984 = arith.maxsi %get3A_978, %max3A_983 : vector<16xi32>
    tpu.vector_store_idx %arg6[%max3A_984], %broadcast_in_dim3A_5 masked %ge3A_981 : memref<49152xf32, #tpu.memory_space<vmem>>[vector<16xi32>], vector<16xf32>, vector<16xi1>
    %get3A_985 = arith.constant 1904 : index
    %get3A_986 = tpu.vector_load %arg5[%get3A_985] {strides = array<i32>} : memref<3264xi32, #tpu.memory_space<vmem>>, vector<16xi32>,
    %ge3A_987 = arith.constant 0 : i32
    %ge3A_988 = vector.broadcast %ge3A_987 : i32 to vector<16xi32>
    %ge3A_989 = arith.cmpi sge, %get3A_986, %ge3A_988 : vector<16xi32>
    %max3A_990 = arith.constant 0 : i32
    %max3A_991 = vector.broadcast %max3A_990 : i32 to vector<16xi32>
    %max3A_992 = arith.maxsi %get3A_986, %max3A_991 : vector<16xi32>
    tpu.vector_store_idx %arg6[%max3A_992], %broadcast_in_dim3A_5 masked %ge3A_989 : memref<49152xf32, #tpu.memory_space<vmem>>[vector<16xi32>], vector<16xf32>, vector<16xi1>
    %get3A_993 = arith.constant 1920 : index
    %get3A_994 = tpu.vector_load %arg5[%get3A_993] {strides = array<i32>} : memref<3264xi32, #tpu.memory_space<vmem>>, vector<16xi32>,
    %ge3A_995 = arith.constant 0 : i32
    %ge3A_996 = vector.broadcast %ge3A_995 : i32 to vector<16xi32>
    %ge3A_997 = arith.cmpi sge, %get3A_994, %ge3A_996 : vector<16xi32>
    %max3A_998 = arith.constant 0 : i32
    %max3A_999 = vector.broadcast %max3A_998 : i32 to vector<16xi32>
    %max3A_1000 = arith.maxsi %get3A_994, %max3A_999 : vector<16xi32>
    tpu.vector_store_idx %arg6[%max3A_1000], %broadcast_in_dim3A_5 masked %ge3A_997 : memref<49152xf32, #tpu.memory_space<vmem>>[vector<16xi32>], vector<16xf32>, vector<16xi1>
    %get3A_1001 = arith.constant 1936 : index
    %get3A_1002 = tpu.vector_load %arg5[%get3A_1001] {strides = array<i32>} : memref<3264xi32, #tpu.memory_space<vmem>>, vector<16xi32>,
    %ge3A_1003 = arith.constant 0 : i32
    %ge3A_1004 = vector.broadcast %ge3A_1003 : i32 to vector<16xi32>
    %ge3A_1005 = arith.cmpi sge, %get3A_1002, %ge3A_1004 : vector<16xi32>
    %max3A_1006 = arith.constant 0 : i32
    %max3A_1007 = vector.broadcast %max3A_1006 : i32 to vector<16xi32>
    %max3A_1008 = arith.maxsi %get3A_1002, %max3A_1007 : vector<16xi32>
    tpu.vector_store_idx %arg6[%max3A_1008], %broadcast_in_dim3A_5 masked %ge3A_1005 : memref<49152xf32, #tpu.memory_space<vmem>>[vector<16xi32>], vector<16xf32>, vector<16xi1>
    %get3A_1009 = arith.constant 1952 : index
    %get3A_1010 = tpu.vector_load %arg5[%get3A_1009] {strides = array<i32>} : memref<3264xi32, #tpu.memory_space<vmem>>, vector<16xi32>,
    %ge3A_1011 = arith.constant 0 : i32
    %ge3A_1012 = vector.broadcast %ge3A_1011 : i32 to vector<16xi32>
    %ge3A_1013 = arith.cmpi sge, %get3A_1010, %ge3A_1012 : vector<16xi32>
    %max3A_1014 = arith.constant 0 : i32
    %max3A_1015 = vector.broadcast %max3A_1014 : i32 to vector<16xi32>
    %max3A_1016 = arith.maxsi %get3A_1010, %max3A_1015 : vector<16xi32>
    tpu.vector_store_idx %arg6[%max3A_1016], %broadcast_in_dim3A_5 masked %ge3A_1013 : memref<49152xf32, #tpu.memory_space<vmem>>[vector<16xi32>], vector<16xf32>, vector<16xi1>
    %get3A_1017 = arith.constant 1968 : index
    %get3A_1018 = tpu.vector_load %arg5[%get3A_1017] {strides = array<i32>} : memref<3264xi32, #tpu.memory_space<vmem>>, vector<16xi32>,
    %ge3A_1019 = arith.constant 0 : i32
    %ge3A_1020 = vector.broadcast %ge3A_1019 : i32 to vector<16xi32>
    %ge3A_1021 = arith.cmpi sge, %get3A_1018, %ge3A_1020 : vector<16xi32>
    %max3A_1022 = arith.constant 0 : i32
    %max3A_1023 = vector.broadcast %max3A_1022 : i32 to vector<16xi32>
    %max3A_1024 = arith.maxsi %get3A_1018, %max3A_1023 : vector<16xi32>
    tpu.vector_store_idx %arg6[%max3A_1024], %broadcast_in_dim3A_5 masked %ge3A_1021 : memref<49152xf32, #tpu.memory_space<vmem>>[vector<16xi32>], vector<16xf32>, vector<16xi1>
    %get3A_1025 = arith.constant 1984 : index
    %get3A_1026 = tpu.vector_load %arg5[%get3A_1025] {strides = array<i32>} : memref<3264xi32, #tpu.memory_space<vmem>>, vector<16xi32>,
    %ge3A_1027 = arith.constant 0 : i32
    %ge3A_1028 = vector.broadcast %ge3A_1027 : i32 to vector<16xi32>
    %ge3A_1029 = arith.cmpi sge, %get3A_1026, %ge3A_1028 : vector<16xi32>
    %max3A_1030 = arith.constant 0 : i32
    %max3A_1031 = vector.broadcast %max3A_1030 : i32 to vector<16xi32>
    %max3A_1032 = arith.maxsi %get3A_1026, %max3A_1031 : vector<16xi32>
    tpu.vector_store_idx %arg6[%max3A_1032], %broadcast_in_dim3A_5 masked %ge3A_1029 : memref<49152xf32, #tpu.memory_space<vmem>>[vector<16xi32>], vector<16xf32>, vector<16xi1>
    %get3A_1033 = arith.constant 2000 : index
    %get3A_1034 = tpu.vector_load %arg5[%get3A_1033] {strides = array<i32>} : memref<3264xi32, #tpu.memory_space<vmem>>, vector<16xi32>,
    %ge3A_1035 = arith.constant 0 : i32
    %ge3A_1036 = vector.broadcast %ge3A_1035 : i32 to vector<16xi32>
    %ge3A_1037 = arith.cmpi sge, %get3A_1034, %ge3A_1036 : vector<16xi32>
    %max3A_1038 = arith.constant 0 : i32
    %max3A_1039 = vector.broadcast %max3A_1038 : i32 to vector<16xi32>
    %max3A_1040 = arith.maxsi %get3A_1034, %max3A_1039 : vector<16xi32>
    tpu.vector_store_idx %arg6[%max3A_1040], %broadcast_in_dim3A_5 masked %ge3A_1037 : memref<49152xf32, #tpu.memory_space<vmem>>[vector<16xi32>], vector<16xf32>, vector<16xi1>
    %get3A_1041 = arith.constant 2016 : index
    %get3A_1042 = tpu.vector_load %arg5[%get3A_1041] {strides = array<i32>} : memref<3264xi32, #tpu.memory_space<vmem>>, vector<16xi32>,
    %ge3A_1043 = arith.constant 0 : i32
    %ge3A_1044 = vector.broadcast %ge3A_1043 : i32 to vector<16xi32>
    %ge3A_1045 = arith.cmpi sge, %get3A_1042, %ge3A_1044 : vector<16xi32>
    %max3A_1046 = arith.constant 0 : i32
    %max3A_1047 = vector.broadcast %max3A_1046 : i32 to vector<16xi32>
    %max3A_1048 = arith.maxsi %get3A_1042, %max3A_1047 : vector<16xi32>
    tpu.vector_store_idx %arg6[%max3A_1048], %broadcast_in_dim3A_5 masked %ge3A_1045 : memref<49152xf32, #tpu.memory_space<vmem>>[vector<16xi32>], vector<16xf32>, vector<16xi1>
    %get3A_1049 = arith.constant 2032 : index
    %get3A_1050 = tpu.vector_load %arg5[%get3A_1049] {strides = array<i32>} : memref<3264xi32, #tpu.memory_space<vmem>>, vector<16xi32>,
    %ge3A_1051 = arith.constant 0 : i32
    %ge3A_1052 = vector.broadcast %ge3A_1051 : i32 to vector<16xi32>
    %ge3A_1053 = arith.cmpi sge, %get3A_1050, %ge3A_1052 : vector<16xi32>
    %max3A_1054 = arith.constant 0 : i32
    %max3A_1055 = vector.broadcast %max3A_1054 : i32 to vector<16xi32>
    %max3A_1056 = arith.maxsi %get3A_1050, %max3A_1055 : vector<16xi32>
    tpu.vector_store_idx %arg6[%max3A_1056], %broadcast_in_dim3A_5 masked %ge3A_1053 : memref<49152xf32, #tpu.memory_space<vmem>>[vector<16xi32>], vector<16xf32>, vector<16xi1>
    %get3A_1057 = arith.constant 2048 : index
    %get3A_1058 = tpu.vector_load %arg5[%get3A_1057] {strides = array<i32>} : memref<3264xi32, #tpu.memory_space<vmem>>, vector<16xi32>,
    %ge3A_1059 = arith.constant 0 : i32
    %ge3A_1060 = vector.broadcast %ge3A_1059 : i32 to vector<16xi32>
    %ge3A_1061 = arith.cmpi sge, %get3A_1058, %ge3A_1060 : vector<16xi32>
    %max3A_1062 = arith.constant 0 : i32
    %max3A_1063 = vector.broadcast %max3A_1062 : i32 to vector<16xi32>
    %max3A_1064 = arith.maxsi %get3A_1058, %max3A_1063 : vector<16xi32>
    tpu.vector_store_idx %arg6[%max3A_1064], %broadcast_in_dim3A_5 masked %ge3A_1061 : memref<49152xf32, #tpu.memory_space<vmem>>[vector<16xi32>], vector<16xf32>, vector<16xi1>
    %get3A_1065 = arith.constant 2064 : index
    %get3A_1066 = tpu.vector_load %arg5[%get3A_1065] {strides = array<i32>} : memref<3264xi32, #tpu.memory_space<vmem>>, vector<16xi32>,
    %ge3A_1067 = arith.constant 0 : i32
    %ge3A_1068 = vector.broadcast %ge3A_1067 : i32 to vector<16xi32>
    %ge3A_1069 = arith.cmpi sge, %get3A_1066, %ge3A_1068 : vector<16xi32>
    %max3A_1070 = arith.constant 0 : i32
    %max3A_1071 = vector.broadcast %max3A_1070 : i32 to vector<16xi32>
    %max3A_1072 = arith.maxsi %get3A_1066, %max3A_1071 : vector<16xi32>
    tpu.vector_store_idx %arg6[%max3A_1072], %broadcast_in_dim3A_5 masked %ge3A_1069 : memref<49152xf32, #tpu.memory_space<vmem>>[vector<16xi32>], vector<16xf32>, vector<16xi1>
    %get3A_1073 = arith.constant 2080 : index
    %get3A_1074 = tpu.vector_load %arg5[%get3A_1073] {strides = array<i32>} : memref<3264xi32, #tpu.memory_space<vmem>>, vector<16xi32>,
    %ge3A_1075 = arith.constant 0 : i32
    %ge3A_1076 = vector.broadcast %ge3A_1075 : i32 to vector<16xi32>
    %ge3A_1077 = arith.cmpi sge, %get3A_1074, %ge3A_1076 : vector<16xi32>
    %max3A_1078 = arith.constant 0 : i32
    %max3A_1079 = vector.broadcast %max3A_1078 : i32 to vector<16xi32>
    %max3A_1080 = arith.maxsi %get3A_1074, %max3A_1079 : vector<16xi32>
    tpu.vector_store_idx %arg6[%max3A_1080], %broadcast_in_dim3A_5 masked %ge3A_1077 : memref<49152xf32, #tpu.memory_space<vmem>>[vector<16xi32>], vector<16xf32>, vector<16xi1>
    %get3A_1081 = arith.constant 2096 : index
    %get3A_1082 = tpu.vector_load %arg5[%get3A_1081] {strides = array<i32>} : memref<3264xi32, #tpu.memory_space<vmem>>, vector<16xi32>,
    %ge3A_1083 = arith.constant 0 : i32
    %ge3A_1084 = vector.broadcast %ge3A_1083 : i32 to vector<16xi32>
    %ge3A_1085 = arith.cmpi sge, %get3A_1082, %ge3A_1084 : vector<16xi32>
    %max3A_1086 = arith.constant 0 : i32
    %max3A_1087 = vector.broadcast %max3A_1086 : i32 to vector<16xi32>
    %max3A_1088 = arith.maxsi %get3A_1082, %max3A_1087 : vector<16xi32>
    tpu.vector_store_idx %arg6[%max3A_1088], %broadcast_in_dim3A_5 masked %ge3A_1085 : memref<49152xf32, #tpu.memory_space<vmem>>[vector<16xi32>], vector<16xf32>, vector<16xi1>
    %get3A_1089 = arith.constant 2112 : index
    %get3A_1090 = tpu.vector_load %arg5[%get3A_1089] {strides = array<i32>} : memref<3264xi32, #tpu.memory_space<vmem>>, vector<16xi32>,
    %ge3A_1091 = arith.constant 0 : i32
    %ge3A_1092 = vector.broadcast %ge3A_1091 : i32 to vector<16xi32>
    %ge3A_1093 = arith.cmpi sge, %get3A_1090, %ge3A_1092 : vector<16xi32>
    %max3A_1094 = arith.constant 0 : i32
    %max3A_1095 = vector.broadcast %max3A_1094 : i32 to vector<16xi32>
    %max3A_1096 = arith.maxsi %get3A_1090, %max3A_1095 : vector<16xi32>
    tpu.vector_store_idx %arg6[%max3A_1096], %broadcast_in_dim3A_5 masked %ge3A_1093 : memref<49152xf32, #tpu.memory_space<vmem>>[vector<16xi32>], vector<16xf32>, vector<16xi1>
    %get3A_1097 = arith.constant 2128 : index
    %get3A_1098 = tpu.vector_load %arg5[%get3A_1097] {strides = array<i32>} : memref<3264xi32, #tpu.memory_space<vmem>>, vector<16xi32>,
    %ge3A_1099 = arith.constant 0 : i32
    %ge3A_1100 = vector.broadcast %ge3A_1099 : i32 to vector<16xi32>
    %ge3A_1101 = arith.cmpi sge, %get3A_1098, %ge3A_1100 : vector<16xi32>
    %max3A_1102 = arith.constant 0 : i32
    %max3A_1103 = vector.broadcast %max3A_1102 : i32 to vector<16xi32>
    %max3A_1104 = arith.maxsi %get3A_1098, %max3A_1103 : vector<16xi32>
    tpu.vector_store_idx %arg6[%max3A_1104], %broadcast_in_dim3A_5 masked %ge3A_1101 : memref<49152xf32, #tpu.memory_space<vmem>>[vector<16xi32>], vector<16xf32>, vector<16xi1>
    %get3A_1105 = arith.constant 2144 : index
    %get3A_1106 = tpu.vector_load %arg5[%get3A_1105] {strides = array<i32>} : memref<3264xi32, #tpu.memory_space<vmem>>, vector<16xi32>,
    %ge3A_1107 = arith.constant 0 : i32
    %ge3A_1108 = vector.broadcast %ge3A_1107 : i32 to vector<16xi32>
    %ge3A_1109 = arith.cmpi sge, %get3A_1106, %ge3A_1108 : vector<16xi32>
    %max3A_1110 = arith.constant 0 : i32
    %max3A_1111 = vector.broadcast %max3A_1110 : i32 to vector<16xi32>
    %max3A_1112 = arith.maxsi %get3A_1106, %max3A_1111 : vector<16xi32>
    tpu.vector_store_idx %arg6[%max3A_1112], %broadcast_in_dim3A_5 masked %ge3A_1109 : memref<49152xf32, #tpu.memory_space<vmem>>[vector<16xi32>], vector<16xf32>, vector<16xi1>
    %get3A_1113 = arith.constant 2160 : index
    %get3A_1114 = tpu.vector_load %arg5[%get3A_1113] {strides = array<i32>} : memref<3264xi32, #tpu.memory_space<vmem>>, vector<16xi32>,
    %ge3A_1115 = arith.constant 0 : i32
    %ge3A_1116 = vector.broadcast %ge3A_1115 : i32 to vector<16xi32>
    %ge3A_1117 = arith.cmpi sge, %get3A_1114, %ge3A_1116 : vector<16xi32>
    %max3A_1118 = arith.constant 0 : i32
    %max3A_1119 = vector.broadcast %max3A_1118 : i32 to vector<16xi32>
    %max3A_1120 = arith.maxsi %get3A_1114, %max3A_1119 : vector<16xi32>
    tpu.vector_store_idx %arg6[%max3A_1120], %broadcast_in_dim3A_5 masked %ge3A_1117 : memref<49152xf32, #tpu.memory_space<vmem>>[vector<16xi32>], vector<16xf32>, vector<16xi1>
    %get3A_1121 = arith.constant 2176 : index
    %get3A_1122 = tpu.vector_load %arg5[%get3A_1121] {strides = array<i32>} : memref<3264xi32, #tpu.memory_space<vmem>>, vector<16xi32>,
    %ge3A_1123 = arith.constant 0 : i32
    %ge3A_1124 = vector.broadcast %ge3A_1123 : i32 to vector<16xi32>
    %ge3A_1125 = arith.cmpi sge, %get3A_1122, %ge3A_1124 : vector<16xi32>
    %max3A_1126 = arith.constant 0 : i32
    %max3A_1127 = vector.broadcast %max3A_1126 : i32 to vector<16xi32>
    %max3A_1128 = arith.maxsi %get3A_1122, %max3A_1127 : vector<16xi32>
    tpu.vector_store_idx %arg6[%max3A_1128], %broadcast_in_dim3A_5 masked %ge3A_1125 : memref<49152xf32, #tpu.memory_space<vmem>>[vector<16xi32>], vector<16xf32>, vector<16xi1>
    %get3A_1129 = arith.constant 2192 : index
    %get3A_1130 = tpu.vector_load %arg5[%get3A_1129] {strides = array<i32>} : memref<3264xi32, #tpu.memory_space<vmem>>, vector<16xi32>,
    %ge3A_1131 = arith.constant 0 : i32
    %ge3A_1132 = vector.broadcast %ge3A_1131 : i32 to vector<16xi32>
    %ge3A_1133 = arith.cmpi sge, %get3A_1130, %ge3A_1132 : vector<16xi32>
    %max3A_1134 = arith.constant 0 : i32
    %max3A_1135 = vector.broadcast %max3A_1134 : i32 to vector<16xi32>
    %max3A_1136 = arith.maxsi %get3A_1130, %max3A_1135 : vector<16xi32>
    tpu.vector_store_idx %arg6[%max3A_1136], %broadcast_in_dim3A_5 masked %ge3A_1133 : memref<49152xf32, #tpu.memory_space<vmem>>[vector<16xi32>], vector<16xf32>, vector<16xi1>
    %get3A_1137 = arith.constant 2208 : index
    %get3A_1138 = tpu.vector_load %arg5[%get3A_1137] {strides = array<i32>} : memref<3264xi32, #tpu.memory_space<vmem>>, vector<16xi32>,
    %ge3A_1139 = arith.constant 0 : i32
    %ge3A_1140 = vector.broadcast %ge3A_1139 : i32 to vector<16xi32>
    %ge3A_1141 = arith.cmpi sge, %get3A_1138, %ge3A_1140 : vector<16xi32>
    %max3A_1142 = arith.constant 0 : i32
    %max3A_1143 = vector.broadcast %max3A_1142 : i32 to vector<16xi32>
    %max3A_1144 = arith.maxsi %get3A_1138, %max3A_1143 : vector<16xi32>
    tpu.vector_store_idx %arg6[%max3A_1144], %broadcast_in_dim3A_5 masked %ge3A_1141 : memref<49152xf32, #tpu.memory_space<vmem>>[vector<16xi32>], vector<16xf32>, vector<16xi1>
    %get3A_1145 = arith.constant 2224 : index
    %get3A_1146 = tpu.vector_load %arg5[%get3A_1145] {strides = array<i32>} : memref<3264xi32, #tpu.memory_space<vmem>>, vector<16xi32>,
    %ge3A_1147 = arith.constant 0 : i32
    %ge3A_1148 = vector.broadcast %ge3A_1147 : i32 to vector<16xi32>
    %ge3A_1149 = arith.cmpi sge, %get3A_1146, %ge3A_1148 : vector<16xi32>
    %max3A_1150 = arith.constant 0 : i32
    %max3A_1151 = vector.broadcast %max3A_1150 : i32 to vector<16xi32>
    %max3A_1152 = arith.maxsi %get3A_1146, %max3A_1151 : vector<16xi32>
    tpu.vector_store_idx %arg6[%max3A_1152], %broadcast_in_dim3A_5 masked %ge3A_1149 : memref<49152xf32, #tpu.memory_space<vmem>>[vector<16xi32>], vector<16xf32>, vector<16xi1>
    %get3A_1153 = arith.constant 2240 : index
    %get3A_1154 = tpu.vector_load %arg5[%get3A_1153] {strides = array<i32>} : memref<3264xi32, #tpu.memory_space<vmem>>, vector<16xi32>,
    %ge3A_1155 = arith.constant 0 : i32
    %ge3A_1156 = vector.broadcast %ge3A_1155 : i32 to vector<16xi32>
    %ge3A_1157 = arith.cmpi sge, %get3A_1154, %ge3A_1156 : vector<16xi32>
    %max3A_1158 = arith.constant 0 : i32
    %max3A_1159 = vector.broadcast %max3A_1158 : i32 to vector<16xi32>
    %max3A_1160 = arith.maxsi %get3A_1154, %max3A_1159 : vector<16xi32>
    tpu.vector_store_idx %arg6[%max3A_1160], %broadcast_in_dim3A_5 masked %ge3A_1157 : memref<49152xf32, #tpu.memory_space<vmem>>[vector<16xi32>], vector<16xf32>, vector<16xi1>
    %get3A_1161 = arith.constant 2256 : index
    %get3A_1162 = tpu.vector_load %arg5[%get3A_1161] {strides = array<i32>} : memref<3264xi32, #tpu.memory_space<vmem>>, vector<16xi32>,
    %ge3A_1163 = arith.constant 0 : i32
    %ge3A_1164 = vector.broadcast %ge3A_1163 : i32 to vector<16xi32>
    %ge3A_1165 = arith.cmpi sge, %get3A_1162, %ge3A_1164 : vector<16xi32>
    %max3A_1166 = arith.constant 0 : i32
    %max3A_1167 = vector.broadcast %max3A_1166 : i32 to vector<16xi32>
    %max3A_1168 = arith.maxsi %get3A_1162, %max3A_1167 : vector<16xi32>
    tpu.vector_store_idx %arg6[%max3A_1168], %broadcast_in_dim3A_5 masked %ge3A_1165 : memref<49152xf32, #tpu.memory_space<vmem>>[vector<16xi32>], vector<16xf32>, vector<16xi1>
    %get3A_1169 = arith.constant 2272 : index
    %get3A_1170 = tpu.vector_load %arg5[%get3A_1169] {strides = array<i32>} : memref<3264xi32, #tpu.memory_space<vmem>>, vector<16xi32>,
    %ge3A_1171 = arith.constant 0 : i32
    %ge3A_1172 = vector.broadcast %ge3A_1171 : i32 to vector<16xi32>
    %ge3A_1173 = arith.cmpi sge, %get3A_1170, %ge3A_1172 : vector<16xi32>
    %max3A_1174 = arith.constant 0 : i32
    %max3A_1175 = vector.broadcast %max3A_1174 : i32 to vector<16xi32>
    %max3A_1176 = arith.maxsi %get3A_1170, %max3A_1175 : vector<16xi32>
    tpu.vector_store_idx %arg6[%max3A_1176], %broadcast_in_dim3A_5 masked %ge3A_1173 : memref<49152xf32, #tpu.memory_space<vmem>>[vector<16xi32>], vector<16xf32>, vector<16xi1>
    %get3A_1177 = arith.constant 2288 : index
    %get3A_1178 = tpu.vector_load %arg5[%get3A_1177] {strides = array<i32>} : memref<3264xi32, #tpu.memory_space<vmem>>, vector<16xi32>,
    %ge3A_1179 = arith.constant 0 : i32
    %ge3A_1180 = vector.broadcast %ge3A_1179 : i32 to vector<16xi32>
    %ge3A_1181 = arith.cmpi sge, %get3A_1178, %ge3A_1180 : vector<16xi32>
    %max3A_1182 = arith.constant 0 : i32
    %max3A_1183 = vector.broadcast %max3A_1182 : i32 to vector<16xi32>
    %max3A_1184 = arith.maxsi %get3A_1178, %max3A_1183 : vector<16xi32>
    tpu.vector_store_idx %arg6[%max3A_1184], %broadcast_in_dim3A_5 masked %ge3A_1181 : memref<49152xf32, #tpu.memory_space<vmem>>[vector<16xi32>], vector<16xf32>, vector<16xi1>
    %get3A_1185 = arith.constant 2304 : index
    %get3A_1186 = tpu.vector_load %arg5[%get3A_1185] {strides = array<i32>} : memref<3264xi32, #tpu.memory_space<vmem>>, vector<16xi32>,
    %ge3A_1187 = arith.constant 0 : i32
    %ge3A_1188 = vector.broadcast %ge3A_1187 : i32 to vector<16xi32>
    %ge3A_1189 = arith.cmpi sge, %get3A_1186, %ge3A_1188 : vector<16xi32>
    %max3A_1190 = arith.constant 0 : i32
    %max3A_1191 = vector.broadcast %max3A_1190 : i32 to vector<16xi32>
    %max3A_1192 = arith.maxsi %get3A_1186, %max3A_1191 : vector<16xi32>
    tpu.vector_store_idx %arg6[%max3A_1192], %broadcast_in_dim3A_5 masked %ge3A_1189 : memref<49152xf32, #tpu.memory_space<vmem>>[vector<16xi32>], vector<16xf32>, vector<16xi1>
    %get3A_1193 = arith.constant 2320 : index
    %get3A_1194 = tpu.vector_load %arg5[%get3A_1193] {strides = array<i32>} : memref<3264xi32, #tpu.memory_space<vmem>>, vector<16xi32>,
    %ge3A_1195 = arith.constant 0 : i32
    %ge3A_1196 = vector.broadcast %ge3A_1195 : i32 to vector<16xi32>
    %ge3A_1197 = arith.cmpi sge, %get3A_1194, %ge3A_1196 : vector<16xi32>
    %max3A_1198 = arith.constant 0 : i32
    %max3A_1199 = vector.broadcast %max3A_1198 : i32 to vector<16xi32>
    %max3A_1200 = arith.maxsi %get3A_1194, %max3A_1199 : vector<16xi32>
    tpu.vector_store_idx %arg6[%max3A_1200], %broadcast_in_dim3A_5 masked %ge3A_1197 : memref<49152xf32, #tpu.memory_space<vmem>>[vector<16xi32>], vector<16xf32>, vector<16xi1>
    %get3A_1201 = arith.constant 2336 : index
    %get3A_1202 = tpu.vector_load %arg5[%get3A_1201] {strides = array<i32>} : memref<3264xi32, #tpu.memory_space<vmem>>, vector<16xi32>,
    %ge3A_1203 = arith.constant 0 : i32
    %ge3A_1204 = vector.broadcast %ge3A_1203 : i32 to vector<16xi32>
    %ge3A_1205 = arith.cmpi sge, %get3A_1202, %ge3A_1204 : vector<16xi32>
    %max3A_1206 = arith.constant 0 : i32
    %max3A_1207 = vector.broadcast %max3A_1206 : i32 to vector<16xi32>
    %max3A_1208 = arith.maxsi %get3A_1202, %max3A_1207 : vector<16xi32>
    tpu.vector_store_idx %arg6[%max3A_1208], %broadcast_in_dim3A_5 masked %ge3A_1205 : memref<49152xf32, #tpu.memory_space<vmem>>[vector<16xi32>], vector<16xf32>, vector<16xi1>
    %get3A_1209 = arith.constant 2352 : index
    %get3A_1210 = tpu.vector_load %arg5[%get3A_1209] {strides = array<i32>} : memref<3264xi32, #tpu.memory_space<vmem>>, vector<16xi32>,
    %ge3A_1211 = arith.constant 0 : i32
    %ge3A_1212 = vector.broadcast %ge3A_1211 : i32 to vector<16xi32>
    %ge3A_1213 = arith.cmpi sge, %get3A_1210, %ge3A_1212 : vector<16xi32>
    %max3A_1214 = arith.constant 0 : i32
    %max3A_1215 = vector.broadcast %max3A_1214 : i32 to vector<16xi32>
    %max3A_1216 = arith.maxsi %get3A_1210, %max3A_1215 : vector<16xi32>
    tpu.vector_store_idx %arg6[%max3A_1216], %broadcast_in_dim3A_5 masked %ge3A_1213 : memref<49152xf32, #tpu.memory_space<vmem>>[vector<16xi32>], vector<16xf32>, vector<16xi1>
    %get3A_1217 = arith.constant 2368 : index
    %get3A_1218 = tpu.vector_load %arg5[%get3A_1217] {strides = array<i32>} : memref<3264xi32, #tpu.memory_space<vmem>>, vector<16xi32>,
    %ge3A_1219 = arith.constant 0 : i32
    %ge3A_1220 = vector.broadcast %ge3A_1219 : i32 to vector<16xi32>
    %ge3A_1221 = arith.cmpi sge, %get3A_1218, %ge3A_1220 : vector<16xi32>
    %max3A_1222 = arith.constant 0 : i32
    %max3A_1223 = vector.broadcast %max3A_1222 : i32 to vector<16xi32>
    %max3A_1224 = arith.maxsi %get3A_1218, %max3A_1223 : vector<16xi32>
    tpu.vector_store_idx %arg6[%max3A_1224], %broadcast_in_dim3A_5 masked %ge3A_1221 : memref<49152xf32, #tpu.memory_space<vmem>>[vector<16xi32>], vector<16xf32>, vector<16xi1>
    %get3A_1225 = arith.constant 2384 : index
    %get3A_1226 = tpu.vector_load %arg5[%get3A_1225] {strides = array<i32>} : memref<3264xi32, #tpu.memory_space<vmem>>, vector<16xi32>,
    %ge3A_1227 = arith.constant 0 : i32
    %ge3A_1228 = vector.broadcast %ge3A_1227 : i32 to vector<16xi32>
    %ge3A_1229 = arith.cmpi sge, %get3A_1226, %ge3A_1228 : vector<16xi32>
    %max3A_1230 = arith.constant 0 : i32
    %max3A_1231 = vector.broadcast %max3A_1230 : i32 to vector<16xi32>
    %max3A_1232 = arith.maxsi %get3A_1226, %max3A_1231 : vector<16xi32>
    tpu.vector_store_idx %arg6[%max3A_1232], %broadcast_in_dim3A_5 masked %ge3A_1229 : memref<49152xf32, #tpu.memory_space<vmem>>[vector<16xi32>], vector<16xf32>, vector<16xi1>
    %get3A_1233 = arith.constant 2400 : index
    %get3A_1234 = tpu.vector_load %arg5[%get3A_1233] {strides = array<i32>} : memref<3264xi32, #tpu.memory_space<vmem>>, vector<16xi32>,
    %ge3A_1235 = arith.constant 0 : i32
    %ge3A_1236 = vector.broadcast %ge3A_1235 : i32 to vector<16xi32>
    %ge3A_1237 = arith.cmpi sge, %get3A_1234, %ge3A_1236 : vector<16xi32>
    %max3A_1238 = arith.constant 0 : i32
    %max3A_1239 = vector.broadcast %max3A_1238 : i32 to vector<16xi32>
    %max3A_1240 = arith.maxsi %get3A_1234, %max3A_1239 : vector<16xi32>
    tpu.vector_store_idx %arg6[%max3A_1240], %broadcast_in_dim3A_5 masked %ge3A_1237 : memref<49152xf32, #tpu.memory_space<vmem>>[vector<16xi32>], vector<16xf32>, vector<16xi1>
    %get3A_1241 = arith.constant 2416 : index
    %get3A_1242 = tpu.vector_load %arg5[%get3A_1241] {strides = array<i32>} : memref<3264xi32, #tpu.memory_space<vmem>>, vector<16xi32>,
    %ge3A_1243 = arith.constant 0 : i32
    %ge3A_1244 = vector.broadcast %ge3A_1243 : i32 to vector<16xi32>
    %ge3A_1245 = arith.cmpi sge, %get3A_1242, %ge3A_1244 : vector<16xi32>
    %max3A_1246 = arith.constant 0 : i32
    %max3A_1247 = vector.broadcast %max3A_1246 : i32 to vector<16xi32>
    %max3A_1248 = arith.maxsi %get3A_1242, %max3A_1247 : vector<16xi32>
    tpu.vector_store_idx %arg6[%max3A_1248], %broadcast_in_dim3A_5 masked %ge3A_1245 : memref<49152xf32, #tpu.memory_space<vmem>>[vector<16xi32>], vector<16xf32>, vector<16xi1>
    %get3A_1249 = arith.constant 2432 : index
    %get3A_1250 = tpu.vector_load %arg5[%get3A_1249] {strides = array<i32>} : memref<3264xi32, #tpu.memory_space<vmem>>, vector<16xi32>,
    %ge3A_1251 = arith.constant 0 : i32
    %ge3A_1252 = vector.broadcast %ge3A_1251 : i32 to vector<16xi32>
    %ge3A_1253 = arith.cmpi sge, %get3A_1250, %ge3A_1252 : vector<16xi32>
    %max3A_1254 = arith.constant 0 : i32
    %max3A_1255 = vector.broadcast %max3A_1254 : i32 to vector<16xi32>
    %max3A_1256 = arith.maxsi %get3A_1250, %max3A_1255 : vector<16xi32>
    tpu.vector_store_idx %arg6[%max3A_1256], %broadcast_in_dim3A_5 masked %ge3A_1253 : memref<49152xf32, #tpu.memory_space<vmem>>[vector<16xi32>], vector<16xf32>, vector<16xi1>
    %add3A_1257 = arith.constant 98304 : i32
    %add3A_1258 = arith.addi %mul3A_2, %add3A_1257 : i32
    %dma_start3A_1259 = tpu.memref_slice %arg4[%add3A_1258] : memref<6291456xf32, #tpu.memory_space<hbm>> -> memref<49152xf32, #tpu.memory_space<hbm>>
    %dma_start3A_1260 = tpu.memref_slice %arg4[%add3A_1258] : memref<6291456xf32, #tpu.memory_space<hbm>> -> memref<49152xf32, #tpu.memory_space<hbm>>
    tpu.enqueue_dma source(%arg6 : memref<49152xf32, #tpu.memory_space<vmem>>) target(%dma_start3A_1260 : memref<49152xf32, #tpu.memory_space<hbm>>) target_semaphore(%arg10 : memref<!tpu.dma_semaphore, #tpu.memory_space<semaphore_mem>>)
    %dma_wait3A_1261 = tpu.memref_slice %arg2[%add3A_846] : memref<6291456xf32, #tpu.memory_space<hbm>> -> memref<49152xf32, #tpu.memory_space<hbm>>
    %dma_wait3A_1262 = tpu.memref_slice %arg2[%add3A_846] : memref<6291456xf32, #tpu.memory_space<hbm>> -> memref<49152xf32, #tpu.memory_space<hbm>>
    tpu.wait_dma2 semaphore(%arg9 : memref<!tpu.dma_semaphore, #tpu.memory_space<semaphore_mem>>) src(%dma_wait3A_1262 : memref<49152xf32, #tpu.memory_space<hbm>>) dst(%arg7 : memref<49152xf32, #tpu.memory_space<vmem>>)
    %get3A_1263 = arith.constant 2448 : index
    %get3A_1264 = tpu.vector_load %arg5[%get3A_1263] {strides = array<i32>} : memref<3264xi32, #tpu.memory_space<vmem>>, vector<16xi32>,
    %ge3A_1265 = arith.constant 0 : i32
    %ge3A_1266 = vector.broadcast %ge3A_1265 : i32 to vector<16xi32>
    %ge3A_1267 = arith.cmpi sge, %get3A_1264, %ge3A_1266 : vector<16xi32>
    %max3A_1268 = arith.constant 0 : i32
    %max3A_1269 = vector.broadcast %max3A_1268 : i32 to vector<16xi32>
    %max3A_1270 = arith.maxsi %get3A_1264, %max3A_1269 : vector<16xi32>
    tpu.vector_store_idx %arg7[%max3A_1270], %broadcast_in_dim3A_5 masked %ge3A_1267 : memref<49152xf32, #tpu.memory_space<vmem>>[vector<16xi32>], vector<16xf32>, vector<16xi1>
    %get3A_1271 = arith.constant 2464 : index
    %get3A_1272 = tpu.vector_load %arg5[%get3A_1271] {strides = array<i32>} : memref<3264xi32, #tpu.memory_space<vmem>>, vector<16xi32>,
    %ge3A_1273 = arith.constant 0 : i32
    %ge3A_1274 = vector.broadcast %ge3A_1273 : i32 to vector<16xi32>
    %ge3A_1275 = arith.cmpi sge, %get3A_1272, %ge3A_1274 : vector<16xi32>
    %max3A_1276 = arith.constant 0 : i32
    %max3A_1277 = vector.broadcast %max3A_1276 : i32 to vector<16xi32>
    %max3A_1278 = arith.maxsi %get3A_1272, %max3A_1277 : vector<16xi32>
    tpu.vector_store_idx %arg7[%max3A_1278], %broadcast_in_dim3A_5 masked %ge3A_1275 : memref<49152xf32, #tpu.memory_space<vmem>>[vector<16xi32>], vector<16xf32>, vector<16xi1>
    %get3A_1279 = arith.constant 2480 : index
    %get3A_1280 = tpu.vector_load %arg5[%get3A_1279] {strides = array<i32>} : memref<3264xi32, #tpu.memory_space<vmem>>, vector<16xi32>,
    %ge3A_1281 = arith.constant 0 : i32
    %ge3A_1282 = vector.broadcast %ge3A_1281 : i32 to vector<16xi32>
    %ge3A_1283 = arith.cmpi sge, %get3A_1280, %ge3A_1282 : vector<16xi32>
    %max3A_1284 = arith.constant 0 : i32
    %max3A_1285 = vector.broadcast %max3A_1284 : i32 to vector<16xi32>
    %max3A_1286 = arith.maxsi %get3A_1280, %max3A_1285 : vector<16xi32>
    tpu.vector_store_idx %arg7[%max3A_1286], %broadcast_in_dim3A_5 masked %ge3A_1283 : memref<49152xf32, #tpu.memory_space<vmem>>[vector<16xi32>], vector<16xf32>, vector<16xi1>
    %get3A_1287 = arith.constant 2496 : index
    %get3A_1288 = tpu.vector_load %arg5[%get3A_1287] {strides = array<i32>} : memref<3264xi32, #tpu.memory_space<vmem>>, vector<16xi32>,
    %ge3A_1289 = arith.constant 0 : i32
    %ge3A_1290 = vector.broadcast %ge3A_1289 : i32 to vector<16xi32>
    %ge3A_1291 = arith.cmpi sge, %get3A_1288, %ge3A_1290 : vector<16xi32>
    %max3A_1292 = arith.constant 0 : i32
    %max3A_1293 = vector.broadcast %max3A_1292 : i32 to vector<16xi32>
    %max3A_1294 = arith.maxsi %get3A_1288, %max3A_1293 : vector<16xi32>
    tpu.vector_store_idx %arg7[%max3A_1294], %broadcast_in_dim3A_5 masked %ge3A_1291 : memref<49152xf32, #tpu.memory_space<vmem>>[vector<16xi32>], vector<16xf32>, vector<16xi1>
    %get3A_1295 = arith.constant 2512 : index
    %get3A_1296 = tpu.vector_load %arg5[%get3A_1295] {strides = array<i32>} : memref<3264xi32, #tpu.memory_space<vmem>>, vector<16xi32>,
    %ge3A_1297 = arith.constant 0 : i32
    %ge3A_1298 = vector.broadcast %ge3A_1297 : i32 to vector<16xi32>
    %ge3A_1299 = arith.cmpi sge, %get3A_1296, %ge3A_1298 : vector<16xi32>
    %max3A_1300 = arith.constant 0 : i32
    %max3A_1301 = vector.broadcast %max3A_1300 : i32 to vector<16xi32>
    %max3A_1302 = arith.maxsi %get3A_1296, %max3A_1301 : vector<16xi32>
    tpu.vector_store_idx %arg7[%max3A_1302], %broadcast_in_dim3A_5 masked %ge3A_1299 : memref<49152xf32, #tpu.memory_space<vmem>>[vector<16xi32>], vector<16xf32>, vector<16xi1>
    %get3A_1303 = arith.constant 2528 : index
    %get3A_1304 = tpu.vector_load %arg5[%get3A_1303] {strides = array<i32>} : memref<3264xi32, #tpu.memory_space<vmem>>, vector<16xi32>,
    %ge3A_1305 = arith.constant 0 : i32
    %ge3A_1306 = vector.broadcast %ge3A_1305 : i32 to vector<16xi32>
    %ge3A_1307 = arith.cmpi sge, %get3A_1304, %ge3A_1306 : vector<16xi32>
    %max3A_1308 = arith.constant 0 : i32
    %max3A_1309 = vector.broadcast %max3A_1308 : i32 to vector<16xi32>
    %max3A_1310 = arith.maxsi %get3A_1304, %max3A_1309 : vector<16xi32>
    tpu.vector_store_idx %arg7[%max3A_1310], %broadcast_in_dim3A_5 masked %ge3A_1307 : memref<49152xf32, #tpu.memory_space<vmem>>[vector<16xi32>], vector<16xf32>, vector<16xi1>
    %get3A_1311 = arith.constant 2544 : index
    %get3A_1312 = tpu.vector_load %arg5[%get3A_1311] {strides = array<i32>} : memref<3264xi32, #tpu.memory_space<vmem>>, vector<16xi32>,
    %ge3A_1313 = arith.constant 0 : i32
    %ge3A_1314 = vector.broadcast %ge3A_1313 : i32 to vector<16xi32>
    %ge3A_1315 = arith.cmpi sge, %get3A_1312, %ge3A_1314 : vector<16xi32>
    %max3A_1316 = arith.constant 0 : i32
    %max3A_1317 = vector.broadcast %max3A_1316 : i32 to vector<16xi32>
    %max3A_1318 = arith.maxsi %get3A_1312, %max3A_1317 : vector<16xi32>
    tpu.vector_store_idx %arg7[%max3A_1318], %broadcast_in_dim3A_5 masked %ge3A_1315 : memref<49152xf32, #tpu.memory_space<vmem>>[vector<16xi32>], vector<16xf32>, vector<16xi1>
    %get3A_1319 = arith.constant 2560 : index
    %get3A_1320 = tpu.vector_load %arg5[%get3A_1319] {strides = array<i32>} : memref<3264xi32, #tpu.memory_space<vmem>>, vector<16xi32>,
    %ge3A_1321 = arith.constant 0 : i32
    %ge3A_1322 = vector.broadcast %ge3A_1321 : i32 to vector<16xi32>
    %ge3A_1323 = arith.cmpi sge, %get3A_1320, %ge3A_1322 : vector<16xi32>
    %max3A_1324 = arith.constant 0 : i32
    %max3A_1325 = vector.broadcast %max3A_1324 : i32 to vector<16xi32>
    %max3A_1326 = arith.maxsi %get3A_1320, %max3A_1325 : vector<16xi32>
    tpu.vector_store_idx %arg7[%max3A_1326], %broadcast_in_dim3A_5 masked %ge3A_1323 : memref<49152xf32, #tpu.memory_space<vmem>>[vector<16xi32>], vector<16xf32>, vector<16xi1>
    %get3A_1327 = arith.constant 2576 : index
    %get3A_1328 = tpu.vector_load %arg5[%get3A_1327] {strides = array<i32>} : memref<3264xi32, #tpu.memory_space<vmem>>, vector<16xi32>,
    %ge3A_1329 = arith.constant 0 : i32
    %ge3A_1330 = vector.broadcast %ge3A_1329 : i32 to vector<16xi32>
    %ge3A_1331 = arith.cmpi sge, %get3A_1328, %ge3A_1330 : vector<16xi32>
    %max3A_1332 = arith.constant 0 : i32
    %max3A_1333 = vector.broadcast %max3A_1332 : i32 to vector<16xi32>
    %max3A_1334 = arith.maxsi %get3A_1328, %max3A_1333 : vector<16xi32>
    tpu.vector_store_idx %arg7[%max3A_1334], %broadcast_in_dim3A_5 masked %ge3A_1331 : memref<49152xf32, #tpu.memory_space<vmem>>[vector<16xi32>], vector<16xf32>, vector<16xi1>
    %get3A_1335 = arith.constant 2592 : index
    %get3A_1336 = tpu.vector_load %arg5[%get3A_1335] {strides = array<i32>} : memref<3264xi32, #tpu.memory_space<vmem>>, vector<16xi32>,
    %ge3A_1337 = arith.constant 0 : i32
    %ge3A_1338 = vector.broadcast %ge3A_1337 : i32 to vector<16xi32>
    %ge3A_1339 = arith.cmpi sge, %get3A_1336, %ge3A_1338 : vector<16xi32>
    %max3A_1340 = arith.constant 0 : i32
    %max3A_1341 = vector.broadcast %max3A_1340 : i32 to vector<16xi32>
    %max3A_1342 = arith.maxsi %get3A_1336, %max3A_1341 : vector<16xi32>
    tpu.vector_store_idx %arg7[%max3A_1342], %broadcast_in_dim3A_5 masked %ge3A_1339 : memref<49152xf32, #tpu.memory_space<vmem>>[vector<16xi32>], vector<16xf32>, vector<16xi1>
    %get3A_1343 = arith.constant 2608 : index
    %get3A_1344 = tpu.vector_load %arg5[%get3A_1343] {strides = array<i32>} : memref<3264xi32, #tpu.memory_space<vmem>>, vector<16xi32>,
    %ge3A_1345 = arith.constant 0 : i32
    %ge3A_1346 = vector.broadcast %ge3A_1345 : i32 to vector<16xi32>
    %ge3A_1347 = arith.cmpi sge, %get3A_1344, %ge3A_1346 : vector<16xi32>
    %max3A_1348 = arith.constant 0 : i32
    %max3A_1349 = vector.broadcast %max3A_1348 : i32 to vector<16xi32>
    %max3A_1350 = arith.maxsi %get3A_1344, %max3A_1349 : vector<16xi32>
    tpu.vector_store_idx %arg7[%max3A_1350], %broadcast_in_dim3A_5 masked %ge3A_1347 : memref<49152xf32, #tpu.memory_space<vmem>>[vector<16xi32>], vector<16xf32>, vector<16xi1>
    %get3A_1351 = arith.constant 2624 : index
    %get3A_1352 = tpu.vector_load %arg5[%get3A_1351] {strides = array<i32>} : memref<3264xi32, #tpu.memory_space<vmem>>, vector<16xi32>,
    %ge3A_1353 = arith.constant 0 : i32
    %ge3A_1354 = vector.broadcast %ge3A_1353 : i32 to vector<16xi32>
    %ge3A_1355 = arith.cmpi sge, %get3A_1352, %ge3A_1354 : vector<16xi32>
    %max3A_1356 = arith.constant 0 : i32
    %max3A_1357 = vector.broadcast %max3A_1356 : i32 to vector<16xi32>
    %max3A_1358 = arith.maxsi %get3A_1352, %max3A_1357 : vector<16xi32>
    tpu.vector_store_idx %arg7[%max3A_1358], %broadcast_in_dim3A_5 masked %ge3A_1355 : memref<49152xf32, #tpu.memory_space<vmem>>[vector<16xi32>], vector<16xf32>, vector<16xi1>
    %get3A_1359 = arith.constant 2640 : index
    %get3A_1360 = tpu.vector_load %arg5[%get3A_1359] {strides = array<i32>} : memref<3264xi32, #tpu.memory_space<vmem>>, vector<16xi32>,
    %ge3A_1361 = arith.constant 0 : i32
    %ge3A_1362 = vector.broadcast %ge3A_1361 : i32 to vector<16xi32>
    %ge3A_1363 = arith.cmpi sge, %get3A_1360, %ge3A_1362 : vector<16xi32>
    %max3A_1364 = arith.constant 0 : i32
    %max3A_1365 = vector.broadcast %max3A_1364 : i32 to vector<16xi32>
    %max3A_1366 = arith.maxsi %get3A_1360, %max3A_1365 : vector<16xi32>
    tpu.vector_store_idx %arg7[%max3A_1366], %broadcast_in_dim3A_5 masked %ge3A_1363 : memref<49152xf32, #tpu.memory_space<vmem>>[vector<16xi32>], vector<16xf32>, vector<16xi1>
    %get3A_1367 = arith.constant 2656 : index
    %get3A_1368 = tpu.vector_load %arg5[%get3A_1367] {strides = array<i32>} : memref<3264xi32, #tpu.memory_space<vmem>>, vector<16xi32>,
    %ge3A_1369 = arith.constant 0 : i32
    %ge3A_1370 = vector.broadcast %ge3A_1369 : i32 to vector<16xi32>
    %ge3A_1371 = arith.cmpi sge, %get3A_1368, %ge3A_1370 : vector<16xi32>
    %max3A_1372 = arith.constant 0 : i32
    %max3A_1373 = vector.broadcast %max3A_1372 : i32 to vector<16xi32>
    %max3A_1374 = arith.maxsi %get3A_1368, %max3A_1373 : vector<16xi32>
    tpu.vector_store_idx %arg7[%max3A_1374], %broadcast_in_dim3A_5 masked %ge3A_1371 : memref<49152xf32, #tpu.memory_space<vmem>>[vector<16xi32>], vector<16xf32>, vector<16xi1>
    %get3A_1375 = arith.constant 2672 : index
    %get3A_1376 = tpu.vector_load %arg5[%get3A_1375] {strides = array<i32>} : memref<3264xi32, #tpu.memory_space<vmem>>, vector<16xi32>,
    %ge3A_1377 = arith.constant 0 : i32
    %ge3A_1378 = vector.broadcast %ge3A_1377 : i32 to vector<16xi32>
    %ge3A_1379 = arith.cmpi sge, %get3A_1376, %ge3A_1378 : vector<16xi32>
    %max3A_1380 = arith.constant 0 : i32
    %max3A_1381 = vector.broadcast %max3A_1380 : i32 to vector<16xi32>
    %max3A_1382 = arith.maxsi %get3A_1376, %max3A_1381 : vector<16xi32>
    tpu.vector_store_idx %arg7[%max3A_1382], %broadcast_in_dim3A_5 masked %ge3A_1379 : memref<49152xf32, #tpu.memory_space<vmem>>[vector<16xi32>], vector<16xf32>, vector<16xi1>
    %get3A_1383 = arith.constant 2688 : index
    %get3A_1384 = tpu.vector_load %arg5[%get3A_1383] {strides = array<i32>} : memref<3264xi32, #tpu.memory_space<vmem>>, vector<16xi32>,
    %ge3A_1385 = arith.constant 0 : i32
    %ge3A_1386 = vector.broadcast %ge3A_1385 : i32 to vector<16xi32>
    %ge3A_1387 = arith.cmpi sge, %get3A_1384, %ge3A_1386 : vector<16xi32>
    %max3A_1388 = arith.constant 0 : i32
    %max3A_1389 = vector.broadcast %max3A_1388 : i32 to vector<16xi32>
    %max3A_1390 = arith.maxsi %get3A_1384, %max3A_1389 : vector<16xi32>
    tpu.vector_store_idx %arg7[%max3A_1390], %broadcast_in_dim3A_5 masked %ge3A_1387 : memref<49152xf32, #tpu.memory_space<vmem>>[vector<16xi32>], vector<16xf32>, vector<16xi1>
    %get3A_1391 = arith.constant 2704 : index
    %get3A_1392 = tpu.vector_load %arg5[%get3A_1391] {strides = array<i32>} : memref<3264xi32, #tpu.memory_space<vmem>>, vector<16xi32>,
    %ge3A_1393 = arith.constant 0 : i32
    %ge3A_1394 = vector.broadcast %ge3A_1393 : i32 to vector<16xi32>
    %ge3A_1395 = arith.cmpi sge, %get3A_1392, %ge3A_1394 : vector<16xi32>
    %max3A_1396 = arith.constant 0 : i32
    %max3A_1397 = vector.broadcast %max3A_1396 : i32 to vector<16xi32>
    %max3A_1398 = arith.maxsi %get3A_1392, %max3A_1397 : vector<16xi32>
    tpu.vector_store_idx %arg7[%max3A_1398], %broadcast_in_dim3A_5 masked %ge3A_1395 : memref<49152xf32, #tpu.memory_space<vmem>>[vector<16xi32>], vector<16xf32>, vector<16xi1>
    %get3A_1399 = arith.constant 2720 : index
    %get3A_1400 = tpu.vector_load %arg5[%get3A_1399] {strides = array<i32>} : memref<3264xi32, #tpu.memory_space<vmem>>, vector<16xi32>,
    %ge3A_1401 = arith.constant 0 : i32
    %ge3A_1402 = vector.broadcast %ge3A_1401 : i32 to vector<16xi32>
    %ge3A_1403 = arith.cmpi sge, %get3A_1400, %ge3A_1402 : vector<16xi32>
    %max3A_1404 = arith.constant 0 : i32
    %max3A_1405 = vector.broadcast %max3A_1404 : i32 to vector<16xi32>
    %max3A_1406 = arith.maxsi %get3A_1400, %max3A_1405 : vector<16xi32>
    tpu.vector_store_idx %arg7[%max3A_1406], %broadcast_in_dim3A_5 masked %ge3A_1403 : memref<49152xf32, #tpu.memory_space<vmem>>[vector<16xi32>], vector<16xf32>, vector<16xi1>
    %get3A_1407 = arith.constant 2736 : index
    %get3A_1408 = tpu.vector_load %arg5[%get3A_1407] {strides = array<i32>} : memref<3264xi32, #tpu.memory_space<vmem>>, vector<16xi32>,
    %ge3A_1409 = arith.constant 0 : i32
    %ge3A_1410 = vector.broadcast %ge3A_1409 : i32 to vector<16xi32>
    %ge3A_1411 = arith.cmpi sge, %get3A_1408, %ge3A_1410 : vector<16xi32>
    %max3A_1412 = arith.constant 0 : i32
    %max3A_1413 = vector.broadcast %max3A_1412 : i32 to vector<16xi32>
    %max3A_1414 = arith.maxsi %get3A_1408, %max3A_1413 : vector<16xi32>
    tpu.vector_store_idx %arg7[%max3A_1414], %broadcast_in_dim3A_5 masked %ge3A_1411 : memref<49152xf32, #tpu.memory_space<vmem>>[vector<16xi32>], vector<16xf32>, vector<16xi1>
    %get3A_1415 = arith.constant 2752 : index
    %get3A_1416 = tpu.vector_load %arg5[%get3A_1415] {strides = array<i32>} : memref<3264xi32, #tpu.memory_space<vmem>>, vector<16xi32>,
    %ge3A_1417 = arith.constant 0 : i32
    %ge3A_1418 = vector.broadcast %ge3A_1417 : i32 to vector<16xi32>
    %ge3A_1419 = arith.cmpi sge, %get3A_1416, %ge3A_1418 : vector<16xi32>
    %max3A_1420 = arith.constant 0 : i32
    %max3A_1421 = vector.broadcast %max3A_1420 : i32 to vector<16xi32>
    %max3A_1422 = arith.maxsi %get3A_1416, %max3A_1421 : vector<16xi32>
    tpu.vector_store_idx %arg7[%max3A_1422], %broadcast_in_dim3A_5 masked %ge3A_1419 : memref<49152xf32, #tpu.memory_space<vmem>>[vector<16xi32>], vector<16xf32>, vector<16xi1>
    %get3A_1423 = arith.constant 2768 : index
    %get3A_1424 = tpu.vector_load %arg5[%get3A_1423] {strides = array<i32>} : memref<3264xi32, #tpu.memory_space<vmem>>, vector<16xi32>,
    %ge3A_1425 = arith.constant 0 : i32
    %ge3A_1426 = vector.broadcast %ge3A_1425 : i32 to vector<16xi32>
    %ge3A_1427 = arith.cmpi sge, %get3A_1424, %ge3A_1426 : vector<16xi32>
    %max3A_1428 = arith.constant 0 : i32
    %max3A_1429 = vector.broadcast %max3A_1428 : i32 to vector<16xi32>
    %max3A_1430 = arith.maxsi %get3A_1424, %max3A_1429 : vector<16xi32>
    tpu.vector_store_idx %arg7[%max3A_1430], %broadcast_in_dim3A_5 masked %ge3A_1427 : memref<49152xf32, #tpu.memory_space<vmem>>[vector<16xi32>], vector<16xf32>, vector<16xi1>
    %get3A_1431 = arith.constant 2784 : index
    %get3A_1432 = tpu.vector_load %arg5[%get3A_1431] {strides = array<i32>} : memref<3264xi32, #tpu.memory_space<vmem>>, vector<16xi32>,
    %ge3A_1433 = arith.constant 0 : i32
    %ge3A_1434 = vector.broadcast %ge3A_1433 : i32 to vector<16xi32>
    %ge3A_1435 = arith.cmpi sge, %get3A_1432, %ge3A_1434 : vector<16xi32>
    %max3A_1436 = arith.constant 0 : i32
    %max3A_1437 = vector.broadcast %max3A_1436 : i32 to vector<16xi32>
    %max3A_1438 = arith.maxsi %get3A_1432, %max3A_1437 : vector<16xi32>
    tpu.vector_store_idx %arg7[%max3A_1438], %broadcast_in_dim3A_5 masked %ge3A_1435 : memref<49152xf32, #tpu.memory_space<vmem>>[vector<16xi32>], vector<16xf32>, vector<16xi1>
    %get3A_1439 = arith.constant 2800 : index
    %get3A_1440 = tpu.vector_load %arg5[%get3A_1439] {strides = array<i32>} : memref<3264xi32, #tpu.memory_space<vmem>>, vector<16xi32>,
    %ge3A_1441 = arith.constant 0 : i32
    %ge3A_1442 = vector.broadcast %ge3A_1441 : i32 to vector<16xi32>
    %ge3A_1443 = arith.cmpi sge, %get3A_1440, %ge3A_1442 : vector<16xi32>
    %max3A_1444 = arith.constant 0 : i32
    %max3A_1445 = vector.broadcast %max3A_1444 : i32 to vector<16xi32>
    %max3A_1446 = arith.maxsi %get3A_1440, %max3A_1445 : vector<16xi32>
    tpu.vector_store_idx %arg7[%max3A_1446], %broadcast_in_dim3A_5 masked %ge3A_1443 : memref<49152xf32, #tpu.memory_space<vmem>>[vector<16xi32>], vector<16xf32>, vector<16xi1>
    %get3A_1447 = arith.constant 2816 : index
    %get3A_1448 = tpu.vector_load %arg5[%get3A_1447] {strides = array<i32>} : memref<3264xi32, #tpu.memory_space<vmem>>, vector<16xi32>,
    %ge3A_1449 = arith.constant 0 : i32
    %ge3A_1450 = vector.broadcast %ge3A_1449 : i32 to vector<16xi32>
    %ge3A_1451 = arith.cmpi sge, %get3A_1448, %ge3A_1450 : vector<16xi32>
    %max3A_1452 = arith.constant 0 : i32
    %max3A_1453 = vector.broadcast %max3A_1452 : i32 to vector<16xi32>
    %max3A_1454 = arith.maxsi %get3A_1448, %max3A_1453 : vector<16xi32>
    tpu.vector_store_idx %arg7[%max3A_1454], %broadcast_in_dim3A_5 masked %ge3A_1451 : memref<49152xf32, #tpu.memory_space<vmem>>[vector<16xi32>], vector<16xf32>, vector<16xi1>
    %get3A_1455 = arith.constant 2832 : index
    %get3A_1456 = tpu.vector_load %arg5[%get3A_1455] {strides = array<i32>} : memref<3264xi32, #tpu.memory_space<vmem>>, vector<16xi32>,
    %ge3A_1457 = arith.constant 0 : i32
    %ge3A_1458 = vector.broadcast %ge3A_1457 : i32 to vector<16xi32>
    %ge3A_1459 = arith.cmpi sge, %get3A_1456, %ge3A_1458 : vector<16xi32>
    %max3A_1460 = arith.constant 0 : i32
    %max3A_1461 = vector.broadcast %max3A_1460 : i32 to vector<16xi32>
    %max3A_1462 = arith.maxsi %get3A_1456, %max3A_1461 : vector<16xi32>
    tpu.vector_store_idx %arg7[%max3A_1462], %broadcast_in_dim3A_5 masked %ge3A_1459 : memref<49152xf32, #tpu.memory_space<vmem>>[vector<16xi32>], vector<16xf32>, vector<16xi1>
    %get3A_1463 = arith.constant 2848 : index
    %get3A_1464 = tpu.vector_load %arg5[%get3A_1463] {strides = array<i32>} : memref<3264xi32, #tpu.memory_space<vmem>>, vector<16xi32>,
    %ge3A_1465 = arith.constant 0 : i32
    %ge3A_1466 = vector.broadcast %ge3A_1465 : i32 to vector<16xi32>
    %ge3A_1467 = arith.cmpi sge, %get3A_1464, %ge3A_1466 : vector<16xi32>
    %max3A_1468 = arith.constant 0 : i32
    %max3A_1469 = vector.broadcast %max3A_1468 : i32 to vector<16xi32>
    %max3A_1470 = arith.maxsi %get3A_1464, %max3A_1469 : vector<16xi32>
    tpu.vector_store_idx %arg7[%max3A_1470], %broadcast_in_dim3A_5 masked %ge3A_1467 : memref<49152xf32, #tpu.memory_space<vmem>>[vector<16xi32>], vector<16xf32>, vector<16xi1>
    %get3A_1471 = arith.constant 2864 : index
    %get3A_1472 = tpu.vector_load %arg5[%get3A_1471] {strides = array<i32>} : memref<3264xi32, #tpu.memory_space<vmem>>, vector<16xi32>,
    %ge3A_1473 = arith.constant 0 : i32
    %ge3A_1474 = vector.broadcast %ge3A_1473 : i32 to vector<16xi32>
    %ge3A_1475 = arith.cmpi sge, %get3A_1472, %ge3A_1474 : vector<16xi32>
    %max3A_1476 = arith.constant 0 : i32
    %max3A_1477 = vector.broadcast %max3A_1476 : i32 to vector<16xi32>
    %max3A_1478 = arith.maxsi %get3A_1472, %max3A_1477 : vector<16xi32>
    tpu.vector_store_idx %arg7[%max3A_1478], %broadcast_in_dim3A_5 masked %ge3A_1475 : memref<49152xf32, #tpu.memory_space<vmem>>[vector<16xi32>], vector<16xf32>, vector<16xi1>
    %get3A_1479 = arith.constant 2880 : index
    %get3A_1480 = tpu.vector_load %arg5[%get3A_1479] {strides = array<i32>} : memref<3264xi32, #tpu.memory_space<vmem>>, vector<16xi32>,
    %ge3A_1481 = arith.constant 0 : i32
    %ge3A_1482 = vector.broadcast %ge3A_1481 : i32 to vector<16xi32>
    %ge3A_1483 = arith.cmpi sge, %get3A_1480, %ge3A_1482 : vector<16xi32>
    %max3A_1484 = arith.constant 0 : i32
    %max3A_1485 = vector.broadcast %max3A_1484 : i32 to vector<16xi32>
    %max3A_1486 = arith.maxsi %get3A_1480, %max3A_1485 : vector<16xi32>
    tpu.vector_store_idx %arg7[%max3A_1486], %broadcast_in_dim3A_5 masked %ge3A_1483 : memref<49152xf32, #tpu.memory_space<vmem>>[vector<16xi32>], vector<16xf32>, vector<16xi1>
    %get3A_1487 = arith.constant 2896 : index
    %get3A_1488 = tpu.vector_load %arg5[%get3A_1487] {strides = array<i32>} : memref<3264xi32, #tpu.memory_space<vmem>>, vector<16xi32>,
    %ge3A_1489 = arith.constant 0 : i32
    %ge3A_1490 = vector.broadcast %ge3A_1489 : i32 to vector<16xi32>
    %ge3A_1491 = arith.cmpi sge, %get3A_1488, %ge3A_1490 : vector<16xi32>
    %max3A_1492 = arith.constant 0 : i32
    %max3A_1493 = vector.broadcast %max3A_1492 : i32 to vector<16xi32>
    %max3A_1494 = arith.maxsi %get3A_1488, %max3A_1493 : vector<16xi32>
    tpu.vector_store_idx %arg7[%max3A_1494], %broadcast_in_dim3A_5 masked %ge3A_1491 : memref<49152xf32, #tpu.memory_space<vmem>>[vector<16xi32>], vector<16xf32>, vector<16xi1>
    %get3A_1495 = arith.constant 2912 : index
    %get3A_1496 = tpu.vector_load %arg5[%get3A_1495] {strides = array<i32>} : memref<3264xi32, #tpu.memory_space<vmem>>, vector<16xi32>,
    %ge3A_1497 = arith.constant 0 : i32
    %ge3A_1498 = vector.broadcast %ge3A_1497 : i32 to vector<16xi32>
    %ge3A_1499 = arith.cmpi sge, %get3A_1496, %ge3A_1498 : vector<16xi32>
    %max3A_1500 = arith.constant 0 : i32
    %max3A_1501 = vector.broadcast %max3A_1500 : i32 to vector<16xi32>
    %max3A_1502 = arith.maxsi %get3A_1496, %max3A_1501 : vector<16xi32>
    tpu.vector_store_idx %arg7[%max3A_1502], %broadcast_in_dim3A_5 masked %ge3A_1499 : memref<49152xf32, #tpu.memory_space<vmem>>[vector<16xi32>], vector<16xf32>, vector<16xi1>
    %get3A_1503 = arith.constant 2928 : index
    %get3A_1504 = tpu.vector_load %arg5[%get3A_1503] {strides = array<i32>} : memref<3264xi32, #tpu.memory_space<vmem>>, vector<16xi32>,
    %ge3A_1505 = arith.constant 0 : i32
    %ge3A_1506 = vector.broadcast %ge3A_1505 : i32 to vector<16xi32>
    %ge3A_1507 = arith.cmpi sge, %get3A_1504, %ge3A_1506 : vector<16xi32>
    %max3A_1508 = arith.constant 0 : i32
    %max3A_1509 = vector.broadcast %max3A_1508 : i32 to vector<16xi32>
    %max3A_1510 = arith.maxsi %get3A_1504, %max3A_1509 : vector<16xi32>
    tpu.vector_store_idx %arg7[%max3A_1510], %broadcast_in_dim3A_5 masked %ge3A_1507 : memref<49152xf32, #tpu.memory_space<vmem>>[vector<16xi32>], vector<16xf32>, vector<16xi1>
    %get3A_1511 = arith.constant 2944 : index
    %get3A_1512 = tpu.vector_load %arg5[%get3A_1511] {strides = array<i32>} : memref<3264xi32, #tpu.memory_space<vmem>>, vector<16xi32>,
    %ge3A_1513 = arith.constant 0 : i32
    %ge3A_1514 = vector.broadcast %ge3A_1513 : i32 to vector<16xi32>
    %ge3A_1515 = arith.cmpi sge, %get3A_1512, %ge3A_1514 : vector<16xi32>
    %max3A_1516 = arith.constant 0 : i32
    %max3A_1517 = vector.broadcast %max3A_1516 : i32 to vector<16xi32>
    %max3A_1518 = arith.maxsi %get3A_1512, %max3A_1517 : vector<16xi32>
    tpu.vector_store_idx %arg7[%max3A_1518], %broadcast_in_dim3A_5 masked %ge3A_1515 : memref<49152xf32, #tpu.memory_space<vmem>>[vector<16xi32>], vector<16xf32>, vector<16xi1>
    %get3A_1519 = arith.constant 2960 : index
    %get3A_1520 = tpu.vector_load %arg5[%get3A_1519] {strides = array<i32>} : memref<3264xi32, #tpu.memory_space<vmem>>, vector<16xi32>,
    %ge3A_1521 = arith.constant 0 : i32
    %ge3A_1522 = vector.broadcast %ge3A_1521 : i32 to vector<16xi32>
    %ge3A_1523 = arith.cmpi sge, %get3A_1520, %ge3A_1522 : vector<16xi32>
    %max3A_1524 = arith.constant 0 : i32
    %max3A_1525 = vector.broadcast %max3A_1524 : i32 to vector<16xi32>
    %max3A_1526 = arith.maxsi %get3A_1520, %max3A_1525 : vector<16xi32>
    tpu.vector_store_idx %arg7[%max3A_1526], %broadcast_in_dim3A_5 masked %ge3A_1523 : memref<49152xf32, #tpu.memory_space<vmem>>[vector<16xi32>], vector<16xf32>, vector<16xi1>
    %get3A_1527 = arith.constant 2976 : index
    %get3A_1528 = tpu.vector_load %arg5[%get3A_1527] {strides = array<i32>} : memref<3264xi32, #tpu.memory_space<vmem>>, vector<16xi32>,
    %ge3A_1529 = arith.constant 0 : i32
    %ge3A_1530 = vector.broadcast %ge3A_1529 : i32 to vector<16xi32>
    %ge3A_1531 = arith.cmpi sge, %get3A_1528, %ge3A_1530 : vector<16xi32>
    %max3A_1532 = arith.constant 0 : i32
    %max3A_1533 = vector.broadcast %max3A_1532 : i32 to vector<16xi32>
    %max3A_1534 = arith.maxsi %get3A_1528, %max3A_1533 : vector<16xi32>
    tpu.vector_store_idx %arg7[%max3A_1534], %broadcast_in_dim3A_5 masked %ge3A_1531 : memref<49152xf32, #tpu.memory_space<vmem>>[vector<16xi32>], vector<16xf32>, vector<16xi1>
    %get3A_1535 = arith.constant 2992 : index
    %get3A_1536 = tpu.vector_load %arg5[%get3A_1535] {strides = array<i32>} : memref<3264xi32, #tpu.memory_space<vmem>>, vector<16xi32>,
    %ge3A_1537 = arith.constant 0 : i32
    %ge3A_1538 = vector.broadcast %ge3A_1537 : i32 to vector<16xi32>
    %ge3A_1539 = arith.cmpi sge, %get3A_1536, %ge3A_1538 : vector<16xi32>
    %max3A_1540 = arith.constant 0 : i32
    %max3A_1541 = vector.broadcast %max3A_1540 : i32 to vector<16xi32>
    %max3A_1542 = arith.maxsi %get3A_1536, %max3A_1541 : vector<16xi32>
    tpu.vector_store_idx %arg7[%max3A_1542], %broadcast_in_dim3A_5 masked %ge3A_1539 : memref<49152xf32, #tpu.memory_space<vmem>>[vector<16xi32>], vector<16xf32>, vector<16xi1>
    %get3A_1543 = arith.constant 3008 : index
    %get3A_1544 = tpu.vector_load %arg5[%get3A_1543] {strides = array<i32>} : memref<3264xi32, #tpu.memory_space<vmem>>, vector<16xi32>,
    %ge3A_1545 = arith.constant 0 : i32
    %ge3A_1546 = vector.broadcast %ge3A_1545 : i32 to vector<16xi32>
    %ge3A_1547 = arith.cmpi sge, %get3A_1544, %ge3A_1546 : vector<16xi32>
    %max3A_1548 = arith.constant 0 : i32
    %max3A_1549 = vector.broadcast %max3A_1548 : i32 to vector<16xi32>
    %max3A_1550 = arith.maxsi %get3A_1544, %max3A_1549 : vector<16xi32>
    tpu.vector_store_idx %arg7[%max3A_1550], %broadcast_in_dim3A_5 masked %ge3A_1547 : memref<49152xf32, #tpu.memory_space<vmem>>[vector<16xi32>], vector<16xf32>, vector<16xi1>
    %get3A_1551 = arith.constant 3024 : index
    %get3A_1552 = tpu.vector_load %arg5[%get3A_1551] {strides = array<i32>} : memref<3264xi32, #tpu.memory_space<vmem>>, vector<16xi32>,
    %ge3A_1553 = arith.constant 0 : i32
    %ge3A_1554 = vector.broadcast %ge3A_1553 : i32 to vector<16xi32>
    %ge3A_1555 = arith.cmpi sge, %get3A_1552, %ge3A_1554 : vector<16xi32>
    %max3A_1556 = arith.constant 0 : i32
    %max3A_1557 = vector.broadcast %max3A_1556 : i32 to vector<16xi32>
    %max3A_1558 = arith.maxsi %get3A_1552, %max3A_1557 : vector<16xi32>
    tpu.vector_store_idx %arg7[%max3A_1558], %broadcast_in_dim3A_5 masked %ge3A_1555 : memref<49152xf32, #tpu.memory_space<vmem>>[vector<16xi32>], vector<16xf32>, vector<16xi1>
    %get3A_1559 = arith.constant 3040 : index
    %get3A_1560 = tpu.vector_load %arg5[%get3A_1559] {strides = array<i32>} : memref<3264xi32, #tpu.memory_space<vmem>>, vector<16xi32>,
    %ge3A_1561 = arith.constant 0 : i32
    %ge3A_1562 = vector.broadcast %ge3A_1561 : i32 to vector<16xi32>
    %ge3A_1563 = arith.cmpi sge, %get3A_1560, %ge3A_1562 : vector<16xi32>
    %max3A_1564 = arith.constant 0 : i32
    %max3A_1565 = vector.broadcast %max3A_1564 : i32 to vector<16xi32>
    %max3A_1566 = arith.maxsi %get3A_1560, %max3A_1565 : vector<16xi32>
    tpu.vector_store_idx %arg7[%max3A_1566], %broadcast_in_dim3A_5 masked %ge3A_1563 : memref<49152xf32, #tpu.memory_space<vmem>>[vector<16xi32>], vector<16xf32>, vector<16xi1>
    %get3A_1567 = arith.constant 3056 : index
    %get3A_1568 = tpu.vector_load %arg5[%get3A_1567] {strides = array<i32>} : memref<3264xi32, #tpu.memory_space<vmem>>, vector<16xi32>,
    %ge3A_1569 = arith.constant 0 : i32
    %ge3A_1570 = vector.broadcast %ge3A_1569 : i32 to vector<16xi32>
    %ge3A_1571 = arith.cmpi sge, %get3A_1568, %ge3A_1570 : vector<16xi32>
    %max3A_1572 = arith.constant 0 : i32
    %max3A_1573 = vector.broadcast %max3A_1572 : i32 to vector<16xi32>
    %max3A_1574 = arith.maxsi %get3A_1568, %max3A_1573 : vector<16xi32>
    tpu.vector_store_idx %arg7[%max3A_1574], %broadcast_in_dim3A_5 masked %ge3A_1571 : memref<49152xf32, #tpu.memory_space<vmem>>[vector<16xi32>], vector<16xf32>, vector<16xi1>
    %get3A_1575 = arith.constant 3072 : index
    %get3A_1576 = tpu.vector_load %arg5[%get3A_1575] {strides = array<i32>} : memref<3264xi32, #tpu.memory_space<vmem>>, vector<16xi32>,
    %ge3A_1577 = arith.constant 0 : i32
    %ge3A_1578 = vector.broadcast %ge3A_1577 : i32 to vector<16xi32>
    %ge3A_1579 = arith.cmpi sge, %get3A_1576, %ge3A_1578 : vector<16xi32>
    %max3A_1580 = arith.constant 0 : i32
    %max3A_1581 = vector.broadcast %max3A_1580 : i32 to vector<16xi32>
    %max3A_1582 = arith.maxsi %get3A_1576, %max3A_1581 : vector<16xi32>
    tpu.vector_store_idx %arg7[%max3A_1582], %broadcast_in_dim3A_5 masked %ge3A_1579 : memref<49152xf32, #tpu.memory_space<vmem>>[vector<16xi32>], vector<16xf32>, vector<16xi1>
    %get3A_1583 = arith.constant 3088 : index
    %get3A_1584 = tpu.vector_load %arg5[%get3A_1583] {strides = array<i32>} : memref<3264xi32, #tpu.memory_space<vmem>>, vector<16xi32>,
    %ge3A_1585 = arith.constant 0 : i32
    %ge3A_1586 = vector.broadcast %ge3A_1585 : i32 to vector<16xi32>
    %ge3A_1587 = arith.cmpi sge, %get3A_1584, %ge3A_1586 : vector<16xi32>
    %max3A_1588 = arith.constant 0 : i32
    %max3A_1589 = vector.broadcast %max3A_1588 : i32 to vector<16xi32>
    %max3A_1590 = arith.maxsi %get3A_1584, %max3A_1589 : vector<16xi32>
    tpu.vector_store_idx %arg7[%max3A_1590], %broadcast_in_dim3A_5 masked %ge3A_1587 : memref<49152xf32, #tpu.memory_space<vmem>>[vector<16xi32>], vector<16xf32>, vector<16xi1>
    %get3A_1591 = arith.constant 3104 : index
    %get3A_1592 = tpu.vector_load %arg5[%get3A_1591] {strides = array<i32>} : memref<3264xi32, #tpu.memory_space<vmem>>, vector<16xi32>,
    %ge3A_1593 = arith.constant 0 : i32
    %ge3A_1594 = vector.broadcast %ge3A_1593 : i32 to vector<16xi32>
    %ge3A_1595 = arith.cmpi sge, %get3A_1592, %ge3A_1594 : vector<16xi32>
    %max3A_1596 = arith.constant 0 : i32
    %max3A_1597 = vector.broadcast %max3A_1596 : i32 to vector<16xi32>
    %max3A_1598 = arith.maxsi %get3A_1592, %max3A_1597 : vector<16xi32>
    tpu.vector_store_idx %arg7[%max3A_1598], %broadcast_in_dim3A_5 masked %ge3A_1595 : memref<49152xf32, #tpu.memory_space<vmem>>[vector<16xi32>], vector<16xf32>, vector<16xi1>
    %get3A_1599 = arith.constant 3120 : index
    %get3A_1600 = tpu.vector_load %arg5[%get3A_1599] {strides = array<i32>} : memref<3264xi32, #tpu.memory_space<vmem>>, vector<16xi32>,
    %ge3A_1601 = arith.constant 0 : i32
    %ge3A_1602 = vector.broadcast %ge3A_1601 : i32 to vector<16xi32>
    %ge3A_1603 = arith.cmpi sge, %get3A_1600, %ge3A_1602 : vector<16xi32>
    %max3A_1604 = arith.constant 0 : i32
    %max3A_1605 = vector.broadcast %max3A_1604 : i32 to vector<16xi32>
    %max3A_1606 = arith.maxsi %get3A_1600, %max3A_1605 : vector<16xi32>
    tpu.vector_store_idx %arg7[%max3A_1606], %broadcast_in_dim3A_5 masked %ge3A_1603 : memref<49152xf32, #tpu.memory_space<vmem>>[vector<16xi32>], vector<16xf32>, vector<16xi1>
    %get3A_1607 = arith.constant 3136 : index
    %get3A_1608 = tpu.vector_load %arg5[%get3A_1607] {strides = array<i32>} : memref<3264xi32, #tpu.memory_space<vmem>>, vector<16xi32>,
    %ge3A_1609 = arith.constant 0 : i32
    %ge3A_1610 = vector.broadcast %ge3A_1609 : i32 to vector<16xi32>
    %ge3A_1611 = arith.cmpi sge, %get3A_1608, %ge3A_1610 : vector<16xi32>
    %max3A_1612 = arith.constant 0 : i32
    %max3A_1613 = vector.broadcast %max3A_1612 : i32 to vector<16xi32>
    %max3A_1614 = arith.maxsi %get3A_1608, %max3A_1613 : vector<16xi32>
    tpu.vector_store_idx %arg7[%max3A_1614], %broadcast_in_dim3A_5 masked %ge3A_1611 : memref<49152xf32, #tpu.memory_space<vmem>>[vector<16xi32>], vector<16xf32>, vector<16xi1>
    %get3A_1615 = arith.constant 3152 : index
    %get3A_1616 = tpu.vector_load %arg5[%get3A_1615] {strides = array<i32>} : memref<3264xi32, #tpu.memory_space<vmem>>, vector<16xi32>,
    %ge3A_1617 = arith.constant 0 : i32
    %ge3A_1618 = vector.broadcast %ge3A_1617 : i32 to vector<16xi32>
    %ge3A_1619 = arith.cmpi sge, %get3A_1616, %ge3A_1618 : vector<16xi32>
    %max3A_1620 = arith.constant 0 : i32
    %max3A_1621 = vector.broadcast %max3A_1620 : i32 to vector<16xi32>
    %max3A_1622 = arith.maxsi %get3A_1616, %max3A_1621 : vector<16xi32>
    tpu.vector_store_idx %arg7[%max3A_1622], %broadcast_in_dim3A_5 masked %ge3A_1619 : memref<49152xf32, #tpu.memory_space<vmem>>[vector<16xi32>], vector<16xf32>, vector<16xi1>
    %get3A_1623 = arith.constant 3168 : index
    %get3A_1624 = tpu.vector_load %arg5[%get3A_1623] {strides = array<i32>} : memref<3264xi32, #tpu.memory_space<vmem>>, vector<16xi32>,
    %ge3A_1625 = arith.constant 0 : i32
    %ge3A_1626 = vector.broadcast %ge3A_1625 : i32 to vector<16xi32>
    %ge3A_1627 = arith.cmpi sge, %get3A_1624, %ge3A_1626 : vector<16xi32>
    %max3A_1628 = arith.constant 0 : i32
    %max3A_1629 = vector.broadcast %max3A_1628 : i32 to vector<16xi32>
    %max3A_1630 = arith.maxsi %get3A_1624, %max3A_1629 : vector<16xi32>
    tpu.vector_store_idx %arg7[%max3A_1630], %broadcast_in_dim3A_5 masked %ge3A_1627 : memref<49152xf32, #tpu.memory_space<vmem>>[vector<16xi32>], vector<16xf32>, vector<16xi1>
    %get3A_1631 = arith.constant 3184 : index
    %get3A_1632 = tpu.vector_load %arg5[%get3A_1631] {strides = array<i32>} : memref<3264xi32, #tpu.memory_space<vmem>>, vector<16xi32>,
    %ge3A_1633 = arith.constant 0 : i32
    %ge3A_1634 = vector.broadcast %ge3A_1633 : i32 to vector<16xi32>
    %ge3A_1635 = arith.cmpi sge, %get3A_1632, %ge3A_1634 : vector<16xi32>
    %max3A_1636 = arith.constant 0 : i32
    %max3A_1637 = vector.broadcast %max3A_1636 : i32 to vector<16xi32>
    %max3A_1638 = arith.maxsi %get3A_1632, %max3A_1637 : vector<16xi32>
    tpu.vector_store_idx %arg7[%max3A_1638], %broadcast_in_dim3A_5 masked %ge3A_1635 : memref<49152xf32, #tpu.memory_space<vmem>>[vector<16xi32>], vector<16xf32>, vector<16xi1>
    %get3A_1639 = arith.constant 3200 : index
    %get3A_1640 = tpu.vector_load %arg5[%get3A_1639] {strides = array<i32>} : memref<3264xi32, #tpu.memory_space<vmem>>, vector<16xi32>,
    %ge3A_1641 = arith.constant 0 : i32
    %ge3A_1642 = vector.broadcast %ge3A_1641 : i32 to vector<16xi32>
    %ge3A_1643 = arith.cmpi sge, %get3A_1640, %ge3A_1642 : vector<16xi32>
    %max3A_1644 = arith.constant 0 : i32
    %max3A_1645 = vector.broadcast %max3A_1644 : i32 to vector<16xi32>
    %max3A_1646 = arith.maxsi %get3A_1640, %max3A_1645 : vector<16xi32>
    tpu.vector_store_idx %arg7[%max3A_1646], %broadcast_in_dim3A_5 masked %ge3A_1643 : memref<49152xf32, #tpu.memory_space<vmem>>[vector<16xi32>], vector<16xf32>, vector<16xi1>
    %get3A_1647 = arith.constant 3216 : index
    %get3A_1648 = tpu.vector_load %arg5[%get3A_1647] {strides = array<i32>} : memref<3264xi32, #tpu.memory_space<vmem>>, vector<16xi32>,
    %ge3A_1649 = arith.constant 0 : i32
    %ge3A_1650 = vector.broadcast %ge3A_1649 : i32 to vector<16xi32>
    %ge3A_1651 = arith.cmpi sge, %get3A_1648, %ge3A_1650 : vector<16xi32>
    %max3A_1652 = arith.constant 0 : i32
    %max3A_1653 = vector.broadcast %max3A_1652 : i32 to vector<16xi32>
    %max3A_1654 = arith.maxsi %get3A_1648, %max3A_1653 : vector<16xi32>
    tpu.vector_store_idx %arg7[%max3A_1654], %broadcast_in_dim3A_5 masked %ge3A_1651 : memref<49152xf32, #tpu.memory_space<vmem>>[vector<16xi32>], vector<16xf32>, vector<16xi1>
    %get3A_1655 = arith.constant 3232 : index
    %get3A_1656 = tpu.vector_load %arg5[%get3A_1655] {strides = array<i32>} : memref<3264xi32, #tpu.memory_space<vmem>>, vector<16xi32>,
    %ge3A_1657 = arith.constant 0 : i32
    %ge3A_1658 = vector.broadcast %ge3A_1657 : i32 to vector<16xi32>
    %ge3A_1659 = arith.cmpi sge, %get3A_1656, %ge3A_1658 : vector<16xi32>
    %max3A_1660 = arith.constant 0 : i32
    %max3A_1661 = vector.broadcast %max3A_1660 : i32 to vector<16xi32>
    %max3A_1662 = arith.maxsi %get3A_1656, %max3A_1661 : vector<16xi32>
    tpu.vector_store_idx %arg7[%max3A_1662], %broadcast_in_dim3A_5 masked %ge3A_1659 : memref<49152xf32, #tpu.memory_space<vmem>>[vector<16xi32>], vector<16xf32>, vector<16xi1>
    %get3A_1663 = arith.constant 3248 : index
    %get3A_1664 = tpu.vector_load %arg5[%get3A_1663] {strides = array<i32>} : memref<3264xi32, #tpu.memory_space<vmem>>, vector<16xi32>,
    %ge3A_1665 = arith.constant 0 : i32
    %ge3A_1666 = vector.broadcast %ge3A_1665 : i32 to vector<16xi32>
    %ge3A_1667 = arith.cmpi sge, %get3A_1664, %ge3A_1666 : vector<16xi32>
    %max3A_1668 = arith.constant 0 : i32
    %max3A_1669 = vector.broadcast %max3A_1668 : i32 to vector<16xi32>
    %max3A_1670 = arith.maxsi %get3A_1664, %max3A_1669 : vector<16xi32>
    tpu.vector_store_idx %arg7[%max3A_1670], %broadcast_in_dim3A_5 masked %ge3A_1667 : memref<49152xf32, #tpu.memory_space<vmem>>[vector<16xi32>], vector<16xf32>, vector<16xi1>
    %add3A_1671 = arith.constant 147456 : i32
    %add3A_1672 = arith.addi %mul3A_2, %add3A_1671 : i32
    %dma_start3A_1673 = tpu.memref_slice %arg4[%add3A_1672] : memref<6291456xf32, #tpu.memory_space<hbm>> -> memref<49152xf32, #tpu.memory_space<hbm>>
    %dma_start3A_1674 = tpu.memref_slice %arg4[%add3A_1672] : memref<6291456xf32, #tpu.memory_space<hbm>> -> memref<49152xf32, #tpu.memory_space<hbm>>
    tpu.enqueue_dma source(%arg7 : memref<49152xf32, #tpu.memory_space<vmem>>) target(%dma_start3A_1674 : memref<49152xf32, #tpu.memory_space<hbm>>) target_semaphore(%arg11 : memref<!tpu.dma_semaphore, #tpu.memory_space<semaphore_mem>>)
    %dma_wait3A_1675 = tpu.memref_slice %arg4[%add3A_1672] : memref<6291456xf32, #tpu.memory_space<hbm>> -> memref<49152xf32, #tpu.memory_space<hbm>>
    %dma_wait3A_1676 = tpu.memref_slice %arg4[%add3A_1672] : memref<6291456xf32, #tpu.memory_space<hbm>> -> memref<49152xf32, #tpu.memory_space<hbm>>
    tpu.wait_dma2 semaphore(%arg11 : memref<!tpu.dma_semaphore, #tpu.memory_space<semaphore_mem>>) src(%arg7 : memref<49152xf32, #tpu.memory_space<vmem>>) dst(%dma_wait3A_1676 : memref<49152xf32, #tpu.memory_space<hbm>>)
    %dma_wait3A_1677 = tpu.memref_slice %arg4[%add3A_1258] : memref<6291456xf32, #tpu.memory_space<hbm>> -> memref<49152xf32, #tpu.memory_space<hbm>>
    %dma_wait3A_1678 = tpu.memref_slice %arg4[%add3A_1258] : memref<6291456xf32, #tpu.memory_space<hbm>> -> memref<49152xf32, #tpu.memory_space<hbm>>
    tpu.wait_dma2 semaphore(%arg10 : memref<!tpu.dma_semaphore, #tpu.memory_space<semaphore_mem>>) src(%arg6 : memref<49152xf32, #tpu.memory_space<vmem>>) dst(%dma_wait3A_1678 : memref<49152xf32, #tpu.memory_space<hbm>>)
    return
  }
}

</mosaic_0001>

<sc_bundles>
// kernel: kernel.3.cloned.1.call-start
scs
__scs_entry_jumppad:
0x0: {  	(pc) =	sbr.rel $0x88, $3  }
0x1: {  	(tag) =	ssettag $0x0;
	lr =	simm.s32 $0x1  }
0x2: {  	[smem:$0x3FA0] =	sst lr;
	_ =	strace $0xD0000000  }
0x3: {  	_ = 	snop  }
0x4: {  	_ = 	snop  }
0x5: {  	_ = 	snop  }
0x6: {  	_ = 	snop  }
0x7: {  	_ = 	snop  }
__scs_overlays_trampoline_lowered:
0x8: {  	[smem:$0x3FAF] =	sst s0  }
0x9: {  	[smem:$0x3FB0] =	sst s1  }
0xa: {  	[smem:$0x3FB1] =	sst s2  }
0xb: {  	[smem:$0x3FB2] =	sst s3  }
0xc: {  	[smem:$0x3FB3] =	sst s4  }
0xd: {  	[smem:$0x3FB4] =	sst s5  }
0xe: {  	[smem:$0x3FB5] =	sst s6  }
0xf: {  	[smem:$0x3FB6] =	sst s7  }
0x10: {  	[smem:$0x3FB7] =	sst s8  }
0x11: {  	[smem:$0x3FB8] =	sst s9;
	s0 =	simm.s32 @!p0 $0x0  }
0x12: {  	s1 =	sld [smem:$0x3F9E];
	s0 =	simm.s32 @p0 $0x1  }
0x13: {  	[smem:$0x3FB9] =	sst s0;
	s0 =	simm.s32 @!p1 $0x0  }
0x14: {  	s2 =	sld [smem:$0x3F9D];
	s0 =	simm.s32 @p1 $0x1  }
0x15: {  	[smem:$0x3FBA] =	sst s0;
	s0 =	simm.s32 @!p2 $0x0  }
0x16: {  	s3 =	sld [smem:$0x3FDB];
	s0 =	simm.s32 @p2 $0x1  }
0x17: {  	s4 =	simm.s32 $0x1BF5;
	[smem:$0x3FBC] =	sst s0  }
0x18: {  	s0 =	sld [smem:$0x3F9F];
	_ =	swait.ge [sflag:s4], $0x0  }
0x19: {  	s7 =	sld [smem:$0x3FA0]  }
0x1a: {  	s8 =	sadd.s32 $0xFFFFE003, lr  }
0x1b: {  	s9 =	sadd.s32 $0xFFFFFEF7, lr;
	s5 =	simm.s32 $0xFFFFFFFF;
	p2 =	slt.u32 s8, $0xFFFFF086  }
0x1c: {  	p1 =	slt.u32 s9, $0xF7A;
	s5 =	simm.s32 @!p2 $0x0  }
0x1d: {  	s5 =	simm.s32 @p1 $0x1;
	p0 =	seq.s32 s7, s2  }
0x1e: {  	s7 =	smul.u32 @!p0 $0xF7A, s2;
	p2 =	seq.s32 @!p0 s5, $0x0  }
0x1f: {  	s9 =	smul.u32 $0xF7A, s1;
	s8 =	simm.s32 @!p0 $0x1BF5;
	p2 =	por !p2, p0  }
0x20: {  	[sflag:s8] =	ssyncset.s32 @!p0 $0xFFFFF086;
	s6 =	sadd.s32 @!p0 s3, s7;
	s7 =	simm.s32 @!p0 $0x108  }
0x21: {  	s3 =	sadd.s32 s3, s9;
	s6 =	sadd.s32 @!p0 $0x88, s6;
	s7 =	simm.s32 @p2 $0x1082  }
0x22: {  	[simem:s7], [sflag:s8] =	dma.local @!p0 [hbm:s6], $0xF7A  }
0x23: {  	s9 =	sor.u32 $0xD0000000, s2;
	s6 =	simm.s32 $0x108;
	_ =	swait.ge @!p0 [sflag:s8], $0x0  }
0x24: {  	s3 =	sadd.s32 $0x88, s3;
	s6 =	simm.s32 @!p1 $0x1082;
	[sflag:s4] =	ssyncset.s32 $0xFFFFF086  }
0x25: {  	[simem:s6], [sflag:s4] =	dma.local [hbm:s3], $0xF7A  }
0x26: {  	[smem:$0x3FA0] =	sst s1;
	(tag) =	ssettag s2;
	_ =	strace s9  }
0x27: {  	s1 =	sld [smem:$0x3FB0]  }
0x28: {  	s2 =	sld [smem:$0x3FB1]  }
0x29: {  	s4 =	sld [smem:$0x3FB3]  }
0x2a: {  	p0 =	seq.s32 s5, $0x0;
	s5 =	sld [smem:$0x3FB4]  }
0x2b: {  	s6 =	sld [smem:$0x3FB5]  }
0x2c: {  	s7 =	sld [smem:$0x3FB6]  }
0x2d: {  	s3 =	simm.s32 $0x108;
	s8 =	sld [smem:$0x3FB7]  }
0x2e: {  	s3 =	simm.s32 @!p0 $0x1082;
	s9 =	sld [smem:$0x3FB8]  }
0x2f: {  	lr =	sadd.s32 s0, s3;
	s0 =	sld [smem:$0x3FAF]  }
0x30: {  	s3 =	sld [smem:$0x3FB2]  }
0x31: {  	[smem:$0x3FBB] =	sst s10  }
0x32: {  	s10 =	sld [smem:$0x3FB9];
	_ =	sdelay $0x3  }
0x33: {  	p0 =	seq.s32 s10, $0x1;
	s10 =	sld [smem:$0x3FBB];
	_ =	sdelay $0x3  }
0x34: {  	[smem:$0x3FBB] =	sst s10  }
0x35: {  	s10 =	sld [smem:$0x3FBA];
	_ =	sdelay $0x3  }
0x36: {  	p1 =	seq.s32 s10, $0x1;
	s10 =	sld [smem:$0x3FBB];
	_ =	sdelay $0x3  }
0x37: {  	[smem:$0x3FBB] =	sst s10  }
0x38: {  	s10 =	sld [smem:$0x3FBC]  }
0x39: {  	_ = 	snop;
	(pc) =	sbr.ind lr, $3  }
0x3a: {  	_ = 	snop  }
0x3b: {  	_ = 	snop  }
0x3c: {  	p2 =	seq.s32 s10, $0x1;
	s10 =	sld [smem:$0x3FBB]  }
0x3d: {  	_ =	shalt  }
0x3e: {  	_ =	shalt  }
0x3f: {  	_ =	shalt  }
0x40: {  	_ =	shalt  }
0x41: {  	_ =	shalt  }
0x42: {  	_ =	shalt  }
0x43: {  	_ =	shalt  }
0x44: {  	_ =	shalt  }
0x45: {  	_ =	shalt  }
0x46: {  	_ =	shalt  }
0x47: {  	_ =	shalt  }
0x48: {  	_ =	shalt  }
0x49: {  	_ =	shalt  }
0x4a: {  	_ =	shalt  }
0x4b: {  	_ =	shalt  }
0x4c: {  	_ =	shalt  }
0x4d: {  	_ =	shalt  }
0x4e: {  	_ =	shalt  }
0x4f: {  	_ =	shalt  }
0x50: {  	_ =	shalt  }
0x51: {  	_ =	shalt  }
0x52: {  	_ =	shalt  }
0x53: {  	_ =	shalt  }
0x54: {  	_ =	shalt  }
0x55: {  	_ =	shalt  }
0x56: {  	_ =	shalt  }
0x57: {  	_ =	shalt  }
0x58: {  	_ =	shalt  }
0x59: {  	_ =	shalt  }
0x5a: {  	_ =	shalt  }
0x5b: {  	_ =	shalt  }
0x5c: {  	_ =	shalt  }
0x5d: {  	_ =	shalt  }
0x5e: {  	_ =	shalt  }
0x5f: {  	_ =	shalt  }
0x60: {  	_ =	shalt  }
0x61: {  	_ =	shalt  }
0x62: {  	_ =	shalt  }
0x63: {  	_ =	shalt  }
0x64: {  	_ =	shalt  }
0x65: {  	_ =	shalt  }
0x66: {  	_ =	shalt  }
0x67: {  	_ =	shalt  }
0x68: {  	_ =	shalt  }
0x69: {  	_ =	shalt  }
0x6a: {  	_ =	shalt  }
0x6b: {  	_ =	shalt  }
0x6c: {  	_ =	shalt  }
0x6d: {  	_ =	shalt  }
0x6e: {  	_ =	shalt  }
0x6f: {  	_ =	shalt  }
0x70: {  	_ =	shalt  }
0x71: {  	_ =	shalt  }
0x72: {  	_ =	shalt  }
0x73: {  	_ =	shalt  }
0x74: {  	_ =	shalt  }
0x75: {  	_ =	shalt  }
0x76: {  	_ =	shalt  }
0x77: {  	_ =	shalt  }
0x78: {  	_ =	shalt  }
0x79: {  	_ =	shalt  }
0x7a: {  	_ =	shalt  }
0x7b: {  	_ =	shalt  }
0x7c: {  	_ =	shalt  }
0x7d: {  	_ =	shalt  }
0x7e: {  	_ =	shalt  }
0x7f: {  	_ =	shalt  }
0x80: {  	_ =	shalt  }
0x81: {  	_ =	shalt  }
0x82: {  	_ =	shalt  }
0x83: {  	_ =	shalt  }
0x84: {  	_ =	shalt  }
0x85: {  	_ =	shalt  }
0x86: {  	_ =	shalt  }
0x87: {  	_ =	shalt  }
.Lfunc_end0:
.L_simem_size_0:
called_computation_lowered:
.L_overlay_start_0:
0x88: {  	s2 =	sld [smem:$0x3FD9]  }
0x89: {  	s3 =	sld [smem:$0x3FFE];
	_ =	sdelay $0x1  }
0x8a: {  	s1 =	srdreg.scid  }
0x8b: {  	s0 =	sand.u32 $0x1, s1  }
0x8c: {  	s17 =	sshll.u32 s0, $0xA;
	s2 =	sadd.s32 s3, s2  }
0x8d: {  	s2 =	sadd.s32 s2, s17  }
0x8e: {  	[smem:$0x3FC7] =	sst s2  }
0x8f: {  	_ = 	snop  }
0x90: {  	s2 =	sld [smem:$0x3FD0];
	(tm) =	ssettm $0x1  }
0x91: {  	s18 =	sld [smem:$0x3FFB];
	_ =	sdelay $0x3  }
0x92: {  	_ =	strace s18  }
0x93: {  	s3 =	sld [smem:$0x3FFC];
	_ =	sdelay $0x3  }
0x94: {  	_ =	strace s3  }
0x95: {  	s3 =	sld [smem:$0x3FFD];
	_ =	sdelay $0x3  }
0x96: {  	_ =	strace s3  }
0x97: {  	_ =	strace $0x8FFFFFFF  }
0x98: {  	s19 =	sld [smem:$0x3FDB];
	_ =	sdelay $0x1  }
0x99: {  	s4 =	simm.s32 $_scs_section_size  }
0x9a: {  	s5 =	simm.s32 $_size__tile_overlayer_lowered;
	s6 =	simm.s32 $_tile_overlayer_lowered  }
0x9b: {  	s22 =	simm.s32 $0x1BFF;
	s21 =	sshll.u32 s6, $0x1;
	s3 =	sadd.s32 s4, s19  }
0x9c: {  	s7 =	simm.s32 $0x0;
	s20 =	sshll.u32 s5, $0x1;
	s5 =	sadd.s32 s21, s3  }
0x9d: {  	[timem:s7], [sflag:s22] =	dma.local [hbm:s5], s20  }
0x9e: {  	_ =	swait.ge [sflag:s22], s20  }
0x9f: {  	s4 =	ssub.s32 $0x0, s20;
	[sflag:s22] =	ssyncset.done $0x0  }
0xa0: {  	[sflag:s22] =	ssyncadd.s32 s4;
	_ =	sdelay $0x1  }
0xa1: {  	s23 =	simm.s32 $0x1B8B  }
0xa2: {  	_ =	swait.ge [sflag:s23], $0x1  }
0xa3: {  	[sflag:s23] =	ssyncset.done $0x0  }
0xa4: {  	s25 =	simm.s32 $0x1B8E;
	s24 =	sld [smem:$0x3FFE];
	[sflag:s23] =	ssyncadd.s32 $0xFFFFFFFF  }
0xa5: {  	s26 =	simm.s32 $execute0_lowered;
	[smem:$0x3FD2] =	sst s25  }
0xa6: {  	s5 =	sshll.u32 s26, $0x1;
	_ =	strace $0x80000046;
	[dreg:$0x1] =	wrdreg $0xFFFFFFFF  }
0xa7: {  	s28 =	simm.s32 $_size_execute0_lowered;
	s3 =	sadd.s32 s3, s5;
	[dreg:$0x0] =	wrdreg $0x0  }
0xa8: {  	s5 =	sshll.u32 s28, $0x1;
	[dreg:$0x2] =	wrdreg s3  }
0xa9: {  	[dreg:$0x3] =	wrdreg s5  }
0xaa: {  	[dreg:$0x4] =	wrdreg $0xC0  }
0xab: {  	_ =	task [dreg:s7], $0x5FFFF  }
0xac: {  	[dreg:$0x1] =	wrdreg $0xFFFFFFFF  }
0xad: {  	[dreg:$0x0] =	wrdreg $0x60  }
0xae: {  	[dreg:$0x2] =	wrdreg s2  }
0xaf: {  	[dreg:$0x3] =	wrdreg s24  }
0xb0: {  	[dreg:$0x4] =	wrdreg $0x9  }
0xb1: {  	_ =	task.clear_ibuf [dreg:s7], $0x5FFFF;
	_ =	strace $0x90000046  }
0xb2: {  	s29 =	simm.s32 $0x9;
	_ =	strace $0x80000048  }
0xb3: {  	_ =	swait.ge [sflag:s29], $0x1  }
0xb4: {  	[sflag:s29] =	ssyncadd.s32 $0xFFFFFFFF  }
0xb5: {  	_ =	strace $0x90000048  }
0xb6: {  	_ =	sfence  }
0xb7: {  	s30 =	sld [smem:$0x0];
	_ =	sdelay $0x2  }
0xb8: {  	s31 =	sshll.u32 s1, $0xD;
	s1 =	sshrl.u32 s1, $0x2  }
0xb9: {  	s3 =	sand.u32 $0x4000, s31;
	s1 =	sadd.s32 s1, s30  }
0xba: {  	s0 =	sor.u32 s3, s0;
	s1 =	sshll.u32 s1, $0x11  }
0xbb: {  	s0 =	sor.u32 s1, s0  }
0xbc: {  	s0 =	sadd.s32 $0x8F2B, s0  }
0xbd: {  	[sflag:s0] =	ssyncadd.remote.s32 $0x1  }
0xbe: {  	_ =	sfence.sel $0xFFFF  }
0xbf: {  	[dreg:$0x0] =	wrdreg $0xFFFFFFFF;
	(pc) =	sbr.abs _section_cstart, $3  }
0xc0: {  	[dreg:$0x1] =	wrdreg $0xFFFFFFFF  }
0xc1: {  	_ =	task.clear_ibuf [dreg:s7], $0x2FFFF;
	_ =	strace $0x9FFFFFFF  }
0xc2: {  	(tm) =	ssettm $0x7FFFFFFF  }
0xc3: {  	_ =	shalt  }
tec
execute0_lowered:
.L_overlay_start_1:
0x0: {  	(tag) =	ssettag $0x1  }
0x1: {  	s1 =	srdreg.scid  }
0x2: {  	s0 =	stileid.u32;
	s9 =	rddreg [dreg:$0x0]  }
0x3: {  	s4 =	rddreg [dreg:$0x1];
	s2 =	simm.s32 $0x0;
	s15 =	simm.s32 $0x1  }
0x4: {  	s16 =	simm.s32 $0xCD00;
	s3 =	sand.u32 $0x1, s1;
	s30 =	sshll.u32 s0, $0x1  }
0x5: {  	s17 =	simm.s32 $0x2;
	s18 =	simm.s32 $0x3;
	s5 =	sor.u32 s3, s30  }
0x6: {  	s19 =	simm.s32 $0x4;
	s1 =	rddreg [dreg:$0x2];
	s6 =	smul.u32 $0x198, s5  }
0x7: {  	[smem:$0x7FF] =	sst s2;
	s3 =	ssub.s32 $0x2, s3;
	s5 =	smul.u32 $0x30000, s5  }
0x8: {  	s11 =	sadd.s32 $0x3A00, s4;
	_ =	strace $0x80000047;
	s31 =	sshrl.u32 s3, $0x1  }
0x9: {  	s12 =	ssub.s32 s3, s31;
	s6 =	sadd.s32 s6, s4;
	s8 =	sshrl.u32 s5, $0x3  }
0xa: {  	s12 =	smax.u32 s12, $0x1;
	s3 =	sadd.s32 $0x600, s6;
	s10 =	sor.u32 $0x1800, s8  }
0xb: {  	s4 =	sadd.s32 s9, s8;
	s13 =	sadd.s32 $0x3000, s8;
	s6 =	sadd.s32 s11, s8  }
0xc: {  	s14 =	sadd.s32 $0x4800, s8;
	s5 =	sadd.s32 s9, s10;
	s7 =	sadd.s32 s9, s13  }
0xd: {  	s8 =	sadd.s32 s11, s10;
	s9 =	sadd.s32 s9, s14;
	s10 =	sadd.s32 s11, s13  }
0xe: {  	v0 =	vimm.f32 $5.000000070e-02;
	s11 =	sadd.s32 s11, s14;
	s13 =	simm.s32 $0x5;
	s14 =	simm.s32 $0xD00  }
.LBB2_1:
0xf: {  	[tilespmem:s2], [sflag:$0x5] =	stream.linear.gather [hbm4b:s3+s2], $0xCC0, $0x38;
	[tilespmem:$0x18D00] =	vst v63  }
0x10: {  	_ =	swait.ge [sflag:s13], $0xCC0  }
0x11: {  	[sflag:s13] =	ssyncset.done $0x0  }
0x12: {  	[sflag:s13] =	ssyncadd.s32 $0xFFFFF340  }
0x13: {  	[tilespmem:s14], [sflag:$0x1] =	stream.linear.gather [hbm4b:s4+s2], $0xC000, $0x38;
	[tilespmem:$0x18D00] =	vst v63  }
0x14: {  	_ =	swait.ge [sflag:s15], $0xC000  }
0x15: {  	[sflag:s15] =	ssyncset.done $0x0  }
0x16: {  	[sflag:s15] =	ssyncadd.s32 $0xFFFF4000  }
0x17: {  	[tilespmem:s16], [sflag:$0x2] =	stream.linear.gather [hbm4b:s5+s2], $0xC000, $0x38;
	[tilespmem:$0x18D00] =	vst v63  }
0x18: {  	v1 =	vld [tilespmem:$0x0];
	_ =	sdelay $0x4  }
0x19: {  	vm0 =	vgt.s32 v1, $0xFFFFFFFF;
	vm1 =	vgt.s32 v1, $0x0  }
0x1a: {  	v1 =	vnsel vm1, $0x0, v1;
	_ =	sdelay $0x4  }
0x1b: {  	[tilespmem:v1+s14+$0x0] =	vst.idx.msk vm0, v0  }
0x1c: {  	v1 =	vld [tilespmem:$0x10];
	_ =	sdelay $0x4  }
0x1d: {  	vm6 =	vgt.s32 v1, $0xFFFFFFFF;
	vm7 =	vgt.s32 v1, $0x0  }
0x1e: {  	v1 =	vnsel vm7, $0x0, v1;
	_ =	sdelay $0x4  }
0x1f: {  	[tilespmem:v1+s14+$0x0] =	vst.idx.msk vm6, v0  }
0x20: {  	v1 =	vld [tilespmem:$0x20];
	_ =	sdelay $0x4  }
0x21: {  	vm8 =	vgt.s32 v1, $0xFFFFFFFF;
	vm9 =	vgt.s32 v1, $0x0  }
0x22: {  	v1 =	vnsel vm9, $0x0, v1;
	_ =	sdelay $0x4  }
0x23: {  	[tilespmem:v1+s14+$0x0] =	vst.idx.msk vm8, v0  }
0x24: {  	v1 =	vld [tilespmem:$0x30];
	_ =	sdelay $0x4  }
0x25: {  	vm10 =	vgt.s32 v1, $0xFFFFFFFF;
	vm11 =	vgt.s32 v1, $0x0  }
0x26: {  	v1 =	vnsel vm11, $0x0, v1;
	_ =	sdelay $0x4  }
0x27: {  	[tilespmem:v1+s14+$0x0] =	vst.idx.msk vm10, v0  }
0x28: {  	v1 =	vld [tilespmem:$0x40];
	_ =	sdelay $0x4  }
0x29: {  	vm12 =	vgt.s32 v1, $0xFFFFFFFF;
	vm13 =	vgt.s32 v1, $0x0  }
0x2a: {  	v1 =	vnsel vm13, $0x0, v1;
	_ =	sdelay $0x4  }
0x2b: {  	[tilespmem:v1+s14+$0x0] =	vst.idx.msk vm12, v0  }
0x2c: {  	v1 =	vld [tilespmem:$0x50];
	_ =	sdelay $0x4  }
0x2d: {  	vm14 =	vgt.s32 v1, $0xFFFFFFFF;
	vm15 =	vgt.s32 v1, $0x0  }
0x2e: {  	v1 =	vnsel vm15, $0x0, v1;
	_ =	sdelay $0x4  }
0x2f: {  	[tilespmem:v1+s14+$0x0] =	vst.idx.msk vm14, v0  }
0x30: {  	v1 =	vld [tilespmem:$0x60];
	_ =	sdelay $0x4  }
0x31: {  	vm4 =	vgt.s32 v1, $0xFFFFFFFF;
	vm5 =	vgt.s32 v1, $0x0  }
0x32: {  	v1 =	vnsel vm5, $0x0, v1;
	_ =	sdelay $0x4  }
0x33: {  	[tilespmem:v1+s14+$0x0] =	vst.idx.msk vm4, v0  }
0x34: {  	v1 =	vld [tilespmem:$0x70];
	_ =	sdelay $0x4  }
0x35: {  	vm6 =	vgt.s32 v1, $0xFFFFFFFF;
	vm7 =	vgt.s32 v1, $0x0  }
0x36: {  	v1 =	vnsel vm7, $0x0, v1;
	_ =	sdelay $0x4  }
0x37: {  	[tilespmem:v1+s14+$0x0] =	vst.idx.msk vm6, v0  }
0x38: {  	v1 =	vld [tilespmem:$0x80];
	_ =	sdelay $0x4  }
0x39: {  	vm8 =	vgt.s32 v1, $0xFFFFFFFF;
	vm9 =	vgt.s32 v1, $0x0  }
0x3a: {  	v1 =	vnsel vm9, $0x0, v1;
	_ =	sdelay $0x4  }
0x3b: {  	[tilespmem:v1+s14+$0x0] =	vst.idx.msk vm8, v0  }
0x3c: {  	v1 =	vld [tilespmem:$0x90];
	_ =	sdelay $0x4  }
0x3d: {  	vm10 =	vgt.s32 v1, $0xFFFFFFFF;
	vm11 =	vgt.s32 v1, $0x0  }
0x3e: {  	v1 =	vnsel vm11, $0x0, v1;
	_ =	sdelay $0x4  }
0x3f: {  	[tilespmem:v1+s14+$0x0] =	vst.idx.msk vm10, v0  }
0x40: {  	v1 =	vld [tilespmem:$0xA0];
	_ =	sdelay $0x4  }
0x41: {  	vm12 =	vgt.s32 v1, $0xFFFFFFFF;
	vm13 =	vgt.s32 v1, $0x0  }
0x42: {  	v1 =	vnsel vm13, $0x0, v1;
	_ =	sdelay $0x4  }
0x43: {  	[tilespmem:v1+s14+$0x0] =	vst.idx.msk vm12, v0  }
0x44: {  	v1 =	vld [tilespmem:$0xB0];
	_ =	sdelay $0x4  }
0x45: {  	vm14 =	vgt.s32 v1, $0xFFFFFFFF;
	vm15 =	vgt.s32 v1, $0x0  }
0x46: {  	v1 =	vnsel vm15, $0x0, v1;
	_ =	sdelay $0x4  }
0x47: {  	[tilespmem:v1+s14+$0x0] =	vst.idx.msk vm14, v0  }
0x48: {  	v1 =	vld [tilespmem:$0xC0];
	_ =	sdelay $0x4  }
0x49: {  	vm4 =	vgt.s32 v1, $0xFFFFFFFF;
	vm5 =	vgt.s32 v1, $0x0  }
0x4a: {  	v1 =	vnsel vm5, $0x0, v1;
	_ =	sdelay $0x4  }
0x4b: {  	[tilespmem:v1+s14+$0x0] =	vst.idx.msk vm4, v0  }
0x4c: {  	v1 =	vld [tilespmem:$0xD0];
	_ =	sdelay $0x4  }
0x4d: {  	vm6 =	vgt.s32 v1, $0xFFFFFFFF;
	vm7 =	vgt.s32 v1, $0x0  }
0x4e: {  	v1 =	vnsel vm7, $0x0, v1;
	_ =	sdelay $0x4  }
0x4f: {  	[tilespmem:v1+s14+$0x0] =	vst.idx.msk vm6, v0  }
0x50: {  	v1 =	vld [tilespmem:$0xE0];
	_ =	sdelay $0x4  }
0x51: {  	vm8 =	vgt.s32 v1, $0xFFFFFFFF;
	vm9 =	vgt.s32 v1, $0x0  }
0x52: {  	v1 =	vnsel vm9, $0x0, v1;
	_ =	sdelay $0x4  }
0x53: {  	[tilespmem:v1+s14+$0x0] =	vst.idx.msk vm8, v0  }
0x54: {  	v1 =	vld [tilespmem:$0xF0];
	_ =	sdelay $0x4  }
0x55: {  	vm10 =	vgt.s32 v1, $0xFFFFFFFF;
	vm11 =	vgt.s32 v1, $0x0  }
0x56: {  	v1 =	vnsel vm11, $0x0, v1;
	_ =	sdelay $0x4  }
0x57: {  	[tilespmem:v1+s14+$0x0] =	vst.idx.msk vm10, v0  }
0x58: {  	v1 =	vld [tilespmem:$0x100];
	_ =	sdelay $0x4  }
0x59: {  	vm12 =	vgt.s32 v1, $0xFFFFFFFF;
	vm13 =	vgt.s32 v1, $0x0  }
0x5a: {  	v1 =	vnsel vm13, $0x0, v1;
	_ =	sdelay $0x4  }
0x5b: {  	[tilespmem:v1+s14+$0x0] =	vst.idx.msk vm12, v0  }
0x5c: {  	v1 =	vld [tilespmem:$0x110];
	_ =	sdelay $0x4  }
0x5d: {  	vm14 =	vgt.s32 v1, $0xFFFFFFFF;
	vm15 =	vgt.s32 v1, $0x0  }
0x5e: {  	v1 =	vnsel vm15, $0x0, v1;
	_ =	sdelay $0x4  }
0x5f: {  	[tilespmem:v1+s14+$0x0] =	vst.idx.msk vm14, v0  }
0x60: {  	v1 =	vld [tilespmem:$0x120];
	_ =	sdelay $0x4  }
0x61: {  	vm4 =	vgt.s32 v1, $0xFFFFFFFF;
	vm5 =	vgt.s32 v1, $0x0  }
0x62: {  	v1 =	vnsel vm5, $0x0, v1;
	_ =	sdelay $0x4  }
0x63: {  	[tilespmem:v1+s14+$0x0] =	vst.idx.msk vm4, v0  }
0x64: {  	v1 =	vld [tilespmem:$0x130];
	_ =	sdelay $0x4  }
0x65: {  	vm6 =	vgt.s32 v1, $0xFFFFFFFF;
	vm7 =	vgt.s32 v1, $0x0  }
0x66: {  	v1 =	vnsel vm7, $0x0, v1;
	_ =	sdelay $0x4  }
0x67: {  	[tilespmem:v1+s14+$0x0] =	vst.idx.msk vm6, v0  }
0x68: {  	v1 =	vld [tilespmem:$0x140];
	_ =	sdelay $0x4  }
0x69: {  	vm8 =	vgt.s32 v1, $0xFFFFFFFF;
	vm9 =	vgt.s32 v1, $0x0  }
0x6a: {  	v1 =	vnsel vm9, $0x0, v1;
	_ =	sdelay $0x4  }
0x6b: {  	[tilespmem:v1+s14+$0x0] =	vst.idx.msk vm8, v0  }
0x6c: {  	v1 =	vld [tilespmem:$0x150];
	_ =	sdelay $0x4  }
0x6d: {  	vm10 =	vgt.s32 v1, $0xFFFFFFFF;
	vm11 =	vgt.s32 v1, $0x0  }
0x6e: {  	v1 =	vnsel vm11, $0x0, v1;
	_ =	sdelay $0x4  }
0x6f: {  	[tilespmem:v1+s14+$0x0] =	vst.idx.msk vm10, v0  }
0x70: {  	v1 =	vld [tilespmem:$0x160];
	_ =	sdelay $0x4  }
0x71: {  	vm12 =	vgt.s32 v1, $0xFFFFFFFF;
	vm13 =	vgt.s32 v1, $0x0  }
0x72: {  	v1 =	vnsel vm13, $0x0, v1;
	_ =	sdelay $0x4  }
0x73: {  	[tilespmem:v1+s14+$0x0] =	vst.idx.msk vm12, v0  }
0x74: {  	v1 =	vld [tilespmem:$0x170];
	_ =	sdelay $0x4  }
0x75: {  	vm14 =	vgt.s32 v1, $0xFFFFFFFF;
	vm15 =	vgt.s32 v1, $0x0  }
0x76: {  	v1 =	vnsel vm15, $0x0, v1;
	_ =	sdelay $0x4  }
0x77: {  	[tilespmem:v1+s14+$0x0] =	vst.idx.msk vm14, v0  }
0x78: {  	v1 =	vld [tilespmem:$0x180];
	_ =	sdelay $0x4  }
0x79: {  	vm4 =	vgt.s32 v1, $0xFFFFFFFF;
	vm5 =	vgt.s32 v1, $0x0  }
0x7a: {  	v1 =	vnsel vm5, $0x0, v1;
	_ =	sdelay $0x4  }
0x7b: {  	[tilespmem:v1+s14+$0x0] =	vst.idx.msk vm4, v0  }
0x7c: {  	v1 =	vld [tilespmem:$0x190];
	_ =	sdelay $0x4  }
0x7d: {  	vm6 =	vgt.s32 v1, $0xFFFFFFFF;
	vm7 =	vgt.s32 v1, $0x0  }
0x7e: {  	v1 =	vnsel vm7, $0x0, v1;
	_ =	sdelay $0x4  }
0x7f: {  	[tilespmem:v1+s14+$0x0] =	vst.idx.msk vm6, v0  }
0x80: {  	v1 =	vld [tilespmem:$0x1A0];
	_ =	sdelay $0x4  }
0x81: {  	vm8 =	vgt.s32 v1, $0xFFFFFFFF;
	vm9 =	vgt.s32 v1, $0x0  }
0x82: {  	v1 =	vnsel vm9, $0x0, v1;
	_ =	sdelay $0x4  }
0x83: {  	[tilespmem:v1+s14+$0x0] =	vst.idx.msk vm8, v0  }
0x84: {  	v1 =	vld [tilespmem:$0x1B0];
	_ =	sdelay $0x4  }
0x85: {  	vm10 =	vgt.s32 v1, $0xFFFFFFFF;
	vm11 =	vgt.s32 v1, $0x0  }
0x86: {  	v1 =	vnsel vm11, $0x0, v1;
	_ =	sdelay $0x4  }
0x87: {  	[tilespmem:v1+s14+$0x0] =	vst.idx.msk vm10, v0  }
0x88: {  	v1 =	vld [tilespmem:$0x1C0];
	_ =	sdelay $0x4  }
0x89: {  	vm12 =	vgt.s32 v1, $0xFFFFFFFF;
	vm13 =	vgt.s32 v1, $0x0  }
0x8a: {  	v1 =	vnsel vm13, $0x0, v1;
	_ =	sdelay $0x4  }
0x8b: {  	[tilespmem:v1+s14+$0x0] =	vst.idx.msk vm12, v0  }
0x8c: {  	v1 =	vld [tilespmem:$0x1D0];
	_ =	sdelay $0x4  }
0x8d: {  	vm14 =	vgt.s32 v1, $0xFFFFFFFF;
	vm15 =	vgt.s32 v1, $0x0  }
0x8e: {  	v1 =	vnsel vm15, $0x0, v1;
	_ =	sdelay $0x4  }
0x8f: {  	[tilespmem:v1+s14+$0x0] =	vst.idx.msk vm14, v0  }
0x90: {  	v1 =	vld [tilespmem:$0x1E0];
	_ =	sdelay $0x4  }
0x91: {  	vm4 =	vgt.s32 v1, $0xFFFFFFFF;
	vm5 =	vgt.s32 v1, $0x0  }
0x92: {  	v1 =	vnsel vm5, $0x0, v1;
	_ =	sdelay $0x4  }
0x93: {  	[tilespmem:v1+s14+$0x0] =	vst.idx.msk vm4, v0  }
0x94: {  	v1 =	vld [tilespmem:$0x1F0];
	_ =	sdelay $0x4  }
0x95: {  	vm6 =	vgt.s32 v1, $0xFFFFFFFF;
	vm7 =	vgt.s32 v1, $0x0  }
0x96: {  	v1 =	vnsel vm7, $0x0, v1;
	_ =	sdelay $0x4  }
0x97: {  	[tilespmem:v1+s14+$0x0] =	vst.idx.msk vm6, v0  }
0x98: {  	v1 =	vld [tilespmem:$0x200];
	_ =	sdelay $0x4  }
0x99: {  	vm8 =	vgt.s32 v1, $0xFFFFFFFF;
	vm9 =	vgt.s32 v1, $0x0  }
0x9a: {  	v1 =	vnsel vm9, $0x0, v1;
	_ =	sdelay $0x4  }
0x9b: {  	[tilespmem:v1+s14+$0x0] =	vst.idx.msk vm8, v0  }
0x9c: {  	v1 =	vld [tilespmem:$0x210];
	_ =	sdelay $0x4  }
0x9d: {  	vm10 =	vgt.s32 v1, $0xFFFFFFFF;
	vm11 =	vgt.s32 v1, $0x0  }
0x9e: {  	v1 =	vnsel vm11, $0x0, v1;
	_ =	sdelay $0x4  }
0x9f: {  	[tilespmem:v1+s14+$0x0] =	vst.idx.msk vm10, v0  }
0xa0: {  	v1 =	vld [tilespmem:$0x220];
	_ =	sdelay $0x4  }
0xa1: {  	vm12 =	vgt.s32 v1, $0xFFFFFFFF;
	vm13 =	vgt.s32 v1, $0x0  }
0xa2: {  	v1 =	vnsel vm13, $0x0, v1;
	_ =	sdelay $0x4  }
0xa3: {  	[tilespmem:v1+s14+$0x0] =	vst.idx.msk vm12, v0  }
0xa4: {  	v1 =	vld [tilespmem:$0x230];
	_ =	sdelay $0x4  }
0xa5: {  	vm14 =	vgt.s32 v1, $0xFFFFFFFF;
	vm15 =	vgt.s32 v1, $0x0  }
0xa6: {  	v1 =	vnsel vm15, $0x0, v1;
	_ =	sdelay $0x4  }
0xa7: {  	[tilespmem:v1+s14+$0x0] =	vst.idx.msk vm14, v0  }
0xa8: {  	v1 =	vld [tilespmem:$0x240];
	_ =	sdelay $0x4  }
0xa9: {  	vm4 =	vgt.s32 v1, $0xFFFFFFFF;
	vm5 =	vgt.s32 v1, $0x0  }
0xaa: {  	v1 =	vnsel vm5, $0x0, v1;
	_ =	sdelay $0x4  }
0xab: {  	[tilespmem:v1+s14+$0x0] =	vst.idx.msk vm4, v0  }
0xac: {  	v1 =	vld [tilespmem:$0x250];
	_ =	sdelay $0x4  }
0xad: {  	vm6 =	vgt.s32 v1, $0xFFFFFFFF;
	vm7 =	vgt.s32 v1, $0x0  }
0xae: {  	v1 =	vnsel vm7, $0x0, v1;
	_ =	sdelay $0x4  }
0xaf: {  	[tilespmem:v1+s14+$0x0] =	vst.idx.msk vm6, v0  }
0xb0: {  	v1 =	vld [tilespmem:$0x260];
	_ =	sdelay $0x4  }
0xb1: {  	vm8 =	vgt.s32 v1, $0xFFFFFFFF;
	vm9 =	vgt.s32 v1, $0x0  }
0xb2: {  	v1 =	vnsel vm9, $0x0, v1;
	_ =	sdelay $0x4  }
0xb3: {  	[tilespmem:v1+s14+$0x0] =	vst.idx.msk vm8, v0  }
0xb4: {  	v1 =	vld [tilespmem:$0x270];
	_ =	sdelay $0x4  }
0xb5: {  	vm10 =	vgt.s32 v1, $0xFFFFFFFF;
	vm11 =	vgt.s32 v1, $0x0  }
0xb6: {  	v1 =	vnsel vm11, $0x0, v1;
	_ =	sdelay $0x4  }
0xb7: {  	[tilespmem:v1+s14+$0x0] =	vst.idx.msk vm10, v0  }
0xb8: {  	v1 =	vld [tilespmem:$0x280];
	_ =	sdelay $0x4  }
0xb9: {  	vm12 =	vgt.s32 v1, $0xFFFFFFFF;
	vm13 =	vgt.s32 v1, $0x0  }
0xba: {  	v1 =	vnsel vm13, $0x0, v1;
	_ =	sdelay $0x4  }
0xbb: {  	[tilespmem:v1+s14+$0x0] =	vst.idx.msk vm12, v0  }
0xbc: {  	v1 =	vld [tilespmem:$0x290];
	_ =	sdelay $0x4  }
0xbd: {  	vm14 =	vgt.s32 v1, $0xFFFFFFFF;
	vm15 =	vgt.s32 v1, $0x0  }
0xbe: {  	v1 =	vnsel vm15, $0x0, v1;
	_ =	sdelay $0x4  }
0xbf: {  	[tilespmem:v1+s14+$0x0] =	vst.idx.msk vm14, v0  }
0xc0: {  	v1 =	vld [tilespmem:$0x2A0];
	_ =	sdelay $0x4  }
0xc1: {  	vm4 =	vgt.s32 v1, $0xFFFFFFFF;
	vm5 =	vgt.s32 v1, $0x0  }
0xc2: {  	v1 =	vnsel vm5, $0x0, v1;
	_ =	sdelay $0x4  }
0xc3: {  	[tilespmem:v1+s14+$0x0] =	vst.idx.msk vm4, v0  }
0xc4: {  	v1 =	vld [tilespmem:$0x2B0];
	_ =	sdelay $0x4  }
0xc5: {  	vm6 =	vgt.s32 v1, $0xFFFFFFFF;
	vm7 =	vgt.s32 v1, $0x0  }
0xc6: {  	v1 =	vnsel vm7, $0x0, v1;
	_ =	sdelay $0x4  }
0xc7: {  	[tilespmem:v1+s14+$0x0] =	vst.idx.msk vm6, v0  }
0xc8: {  	v1 =	vld [tilespmem:$0x2C0];
	_ =	sdelay $0x4  }
0xc9: {  	vm8 =	vgt.s32 v1, $0xFFFFFFFF;
	vm9 =	vgt.s32 v1, $0x0  }
0xca: {  	v1 =	vnsel vm9, $0x0, v1;
	_ =	sdelay $0x4  }
0xcb: {  	[tilespmem:v1+s14+$0x0] =	vst.idx.msk vm8, v0  }
0xcc: {  	v1 =	vld [tilespmem:$0x2D0];
	_ =	sdelay $0x4  }
0xcd: {  	vm10 =	vgt.s32 v1, $0xFFFFFFFF;
	vm11 =	vgt.s32 v1, $0x0  }
0xce: {  	v1 =	vnsel vm11, $0x0, v1;
	_ =	sdelay $0x4  }
0xcf: {  	[tilespmem:v1+s14+$0x0] =	vst.idx.msk vm10, v0  }
0xd0: {  	v1 =	vld [tilespmem:$0x2E0];
	_ =	sdelay $0x4  }
0xd1: {  	vm12 =	vgt.s32 v1, $0xFFFFFFFF;
	vm13 =	vgt.s32 v1, $0x0  }
0xd2: {  	v1 =	vnsel vm13, $0x0, v1;
	_ =	sdelay $0x4  }
0xd3: {  	[tilespmem:v1+s14+$0x0] =	vst.idx.msk vm12, v0  }
0xd4: {  	v1 =	vld [tilespmem:$0x2F0];
	_ =	sdelay $0x4  }
0xd5: {  	vm14 =	vgt.s32 v1, $0xFFFFFFFF;
	vm15 =	vgt.s32 v1, $0x0  }
0xd6: {  	v1 =	vnsel vm15, $0x0, v1;
	_ =	sdelay $0x4  }
0xd7: {  	[tilespmem:v1+s14+$0x0] =	vst.idx.msk vm14, v0  }
0xd8: {  	v1 =	vld [tilespmem:$0x300];
	_ =	sdelay $0x4  }
0xd9: {  	vm4 =	vgt.s32 v1, $0xFFFFFFFF;
	vm5 =	vgt.s32 v1, $0x0  }
0xda: {  	v1 =	vnsel vm5, $0x0, v1;
	_ =	sdelay $0x4  }
0xdb: {  	[tilespmem:v1+s14+$0x0] =	vst.idx.msk vm4, v0  }
0xdc: {  	v1 =	vld [tilespmem:$0x310];
	_ =	sdelay $0x4  }
0xdd: {  	vm6 =	vgt.s32 v1, $0xFFFFFFFF;
	vm7 =	vgt.s32 v1, $0x0  }
0xde: {  	v1 =	vnsel vm7, $0x0, v1;
	_ =	sdelay $0x4  }
0xdf: {  	[tilespmem:v1+s14+$0x0] =	vst.idx.msk vm6, v0  }
0xe0: {  	v1 =	vld [tilespmem:$0x320];
	_ =	sdelay $0x4  }
0xe1: {  	vm8 =	vgt.s32 v1, $0xFFFFFFFF;
	vm9 =	vgt.s32 v1, $0x0  }
0xe2: {  	v1 =	vnsel vm9, $0x0, v1;
	_ =	sdelay $0x4  }
0xe3: {  	[tilespmem:v1+s14+$0x0] =	vst.idx.msk vm8, v0  }
0xe4: {  	[hbm4b:s6+s2] =	stream.linear.scatter [tilespmem:s14], [sflag:$0x3], $0xC000, $0x38;
	[tilespmem:$0x18D00] =	vst v63  }
0xe5: {  	_ =	swait.ge [sflag:s17], $0xC000  }
0xe6: {  	[sflag:s17] =	ssyncset.done $0x0  }
0xe7: {  	[sflag:s17] =	ssyncadd.s32 $0xFFFF4000  }
0xe8: {  	_ =	swait.ge [sflag:s18], $0xC000  }
0xe9: {  	[sflag:s18] =	ssyncset.done $0x0  }
0xea: {  	[sflag:s18] =	ssyncadd.s32 $0xFFFF4000  }
0xeb: {  	[tilespmem:s14], [sflag:$0x1] =	stream.linear.gather [hbm4b:s7+s2], $0xC000, $0x38;
	[tilespmem:$0x18D00] =	vst v63  }
0xec: {  	v1 =	vld [tilespmem:$0x330];
	_ =	sdelay $0x4  }
0xed: {  	vm10 =	vgt.s32 v1, $0xFFFFFFFF;
	vm11 =	vgt.s32 v1, $0x0  }
0xee: {  	v1 =	vnsel vm11, $0x0, v1;
	_ =	sdelay $0x4  }
0xef: {  	[tilespmem:v1+s16+$0x0] =	vst.idx.msk vm10, v0  }
0xf0: {  	v1 =	vld [tilespmem:$0x340];
	_ =	sdelay $0x4  }
0xf1: {  	vm12 =	vgt.s32 v1, $0xFFFFFFFF;
	vm13 =	vgt.s32 v1, $0x0  }
0xf2: {  	v1 =	vnsel vm13, $0x0, v1;
	_ =	sdelay $0x4  }
0xf3: {  	[tilespmem:v1+s16+$0x0] =	vst.idx.msk vm12, v0  }
0xf4: {  	v1 =	vld [tilespmem:$0x350];
	_ =	sdelay $0x4  }
0xf5: {  	vm14 =	vgt.s32 v1, $0xFFFFFFFF;
	vm15 =	vgt.s32 v1, $0x0  }
0xf6: {  	v1 =	vnsel vm15, $0x0, v1;
	_ =	sdelay $0x4  }
0xf7: {  	[tilespmem:v1+s16+$0x0] =	vst.idx.msk vm14, v0  }
0xf8: {  	v1 =	vld [tilespmem:$0x360];
	_ =	sdelay $0x4  }
0xf9: {  	vm4 =	vgt.s32 v1, $0xFFFFFFFF;
	vm5 =	vgt.s32 v1, $0x0  }
0xfa: {  	v1 =	vnsel vm5, $0x0, v1;
	_ =	sdelay $0x4  }
0xfb: {  	[tilespmem:v1+s16+$0x0] =	vst.idx.msk vm4, v0  }
0xfc: {  	v1 =	vld [tilespmem:$0x370];
	_ =	sdelay $0x4  }
0xfd: {  	vm6 =	vgt.s32 v1, $0xFFFFFFFF;
	vm7 =	vgt.s32 v1, $0x0  }
0xfe: {  	v1 =	vnsel vm7, $0x0, v1;
	_ =	sdelay $0x4  }
0xff: {  	[tilespmem:v1+s16+$0x0] =	vst.idx.msk vm6, v0  }
0x100: {  	v1 =	vld [tilespmem:$0x380];
	_ =	sdelay $0x4  }
0x101: {  	vm8 =	vgt.s32 v1, $0xFFFFFFFF;
	vm9 =	vgt.s32 v1, $0x0  }
0x102: {  	v1 =	vnsel vm9, $0x0, v1;
	_ =	sdelay $0x4  }
0x103: {  	[tilespmem:v1+s16+$0x0] =	vst.idx.msk vm8, v0  }
0x104: {  	v1 =	vld [tilespmem:$0x390];
	_ =	sdelay $0x4  }
0x105: {  	vm10 =	vgt.s32 v1, $0xFFFFFFFF;
	vm11 =	vgt.s32 v1, $0x0  }
0x106: {  	v1 =	vnsel vm11, $0x0, v1;
	_ =	sdelay $0x4  }
0x107: {  	[tilespmem:v1+s16+$0x0] =	vst.idx.msk vm10, v0  }
0x108: {  	v1 =	vld [tilespmem:$0x3A0];
	_ =	sdelay $0x4  }
0x109: {  	vm12 =	vgt.s32 v1, $0xFFFFFFFF;
	vm13 =	vgt.s32 v1, $0x0  }
0x10a: {  	v1 =	vnsel vm13, $0x0, v1;
	_ =	sdelay $0x4  }
0x10b: {  	[tilespmem:v1+s16+$0x0] =	vst.idx.msk vm12, v0  }
0x10c: {  	v1 =	vld [tilespmem:$0x3B0];
	_ =	sdelay $0x4  }
0x10d: {  	vm14 =	vgt.s32 v1, $0xFFFFFFFF;
	vm15 =	vgt.s32 v1, $0x0  }
0x10e: {  	v1 =	vnsel vm15, $0x0, v1;
	_ =	sdelay $0x4  }
0x10f: {  	[tilespmem:v1+s16+$0x0] =	vst.idx.msk vm14, v0  }
0x110: {  	v1 =	vld [tilespmem:$0x3C0];
	_ =	sdelay $0x4  }
0x111: {  	vm4 =	vgt.s32 v1, $0xFFFFFFFF;
	vm5 =	vgt.s32 v1, $0x0  }
0x112: {  	v1 =	vnsel vm5, $0x0, v1;
	_ =	sdelay $0x4  }
0x113: {  	[tilespmem:v1+s16+$0x0] =	vst.idx.msk vm4, v0  }
0x114: {  	v1 =	vld [tilespmem:$0x3D0];
	_ =	sdelay $0x4  }
0x115: {  	vm6 =	vgt.s32 v1, $0xFFFFFFFF;
	vm7 =	vgt.s32 v1, $0x0  }
0x116: {  	v1 =	vnsel vm7, $0x0, v1;
	_ =	sdelay $0x4  }
0x117: {  	[tilespmem:v1+s16+$0x0] =	vst.idx.msk vm6, v0  }
0x118: {  	v1 =	vld [tilespmem:$0x3E0];
	_ =	sdelay $0x4  }
0x119: {  	vm8 =	vgt.s32 v1, $0xFFFFFFFF;
	vm9 =	vgt.s32 v1, $0x0  }
0x11a: {  	v1 =	vnsel vm9, $0x0, v1;
	_ =	sdelay $0x4  }
0x11b: {  	[tilespmem:v1+s16+$0x0] =	vst.idx.msk vm8, v0  }
0x11c: {  	v1 =	vld [tilespmem:$0x3F0];
	_ =	sdelay $0x4  }
0x11d: {  	vm10 =	vgt.s32 v1, $0xFFFFFFFF;
	vm11 =	vgt.s32 v1, $0x0  }
0x11e: {  	v1 =	vnsel vm11, $0x0, v1;
	_ =	sdelay $0x4  }
0x11f: {  	[tilespmem:v1+s16+$0x0] =	vst.idx.msk vm10, v0  }
0x120: {  	v1 =	vld [tilespmem:$0x400];
	_ =	sdelay $0x4  }
0x121: {  	vm12 =	vgt.s32 v1, $0xFFFFFFFF;
	vm13 =	vgt.s32 v1, $0x0  }
0x122: {  	v1 =	vnsel vm13, $0x0, v1;
	_ =	sdelay $0x4  }
0x123: {  	[tilespmem:v1+s16+$0x0] =	vst.idx.msk vm12, v0  }
0x124: {  	v1 =	vld [tilespmem:$0x410];
	_ =	sdelay $0x4  }
0x125: {  	vm14 =	vgt.s32 v1, $0xFFFFFFFF;
	vm15 =	vgt.s32 v1, $0x0  }
0x126: {  	v1 =	vnsel vm15, $0x0, v1;
	_ =	sdelay $0x4  }
0x127: {  	[tilespmem:v1+s16+$0x0] =	vst.idx.msk vm14, v0  }
0x128: {  	v1 =	vld [tilespmem:$0x420];
	_ =	sdelay $0x4  }
0x129: {  	vm4 =	vgt.s32 v1, $0xFFFFFFFF;
	vm5 =	vgt.s32 v1, $0x0  }
0x12a: {  	v1 =	vnsel vm5, $0x0, v1;
	_ =	sdelay $0x4  }
0x12b: {  	[tilespmem:v1+s16+$0x0] =	vst.idx.msk vm4, v0  }
0x12c: {  	v1 =	vld [tilespmem:$0x430];
	_ =	sdelay $0x4  }
0x12d: {  	vm6 =	vgt.s32 v1, $0xFFFFFFFF;
	vm7 =	vgt.s32 v1, $0x0  }
0x12e: {  	v1 =	vnsel vm7, $0x0, v1;
	_ =	sdelay $0x4  }
0x12f: {  	[tilespmem:v1+s16+$0x0] =	vst.idx.msk vm6, v0  }
0x130: {  	v1 =	vld [tilespmem:$0x440];
	_ =	sdelay $0x4  }
0x131: {  	vm8 =	vgt.s32 v1, $0xFFFFFFFF;
	vm9 =	vgt.s32 v1, $0x0  }
0x132: {  	v1 =	vnsel vm9, $0x0, v1;
	_ =	sdelay $0x4  }
0x133: {  	[tilespmem:v1+s16+$0x0] =	vst.idx.msk vm8, v0  }
0x134: {  	v1 =	vld [tilespmem:$0x450];
	_ =	sdelay $0x4  }
0x135: {  	vm10 =	vgt.s32 v1, $0xFFFFFFFF;
	vm11 =	vgt.s32 v1, $0x0  }
0x136: {  	v1 =	vnsel vm11, $0x0, v1;
	_ =	sdelay $0x4  }
0x137: {  	[tilespmem:v1+s16+$0x0] =	vst.idx.msk vm10, v0  }
0x138: {  	v1 =	vld [tilespmem:$0x460];
	_ =	sdelay $0x4  }
0x139: {  	vm12 =	vgt.s32 v1, $0xFFFFFFFF;
	vm13 =	vgt.s32 v1, $0x0  }
0x13a: {  	v1 =	vnsel vm13, $0x0, v1;
	_ =	sdelay $0x4  }
0x13b: {  	[tilespmem:v1+s16+$0x0] =	vst.idx.msk vm12, v0  }
0x13c: {  	v1 =	vld [tilespmem:$0x470];
	_ =	sdelay $0x4  }
0x13d: {  	vm14 =	vgt.s32 v1, $0xFFFFFFFF;
	vm15 =	vgt.s32 v1, $0x0  }
0x13e: {  	v1 =	vnsel vm15, $0x0, v1;
	_ =	sdelay $0x4  }
0x13f: {  	[tilespmem:v1+s16+$0x0] =	vst.idx.msk vm14, v0  }
0x140: {  	v1 =	vld [tilespmem:$0x480];
	_ =	sdelay $0x4  }
0x141: {  	vm4 =	vgt.s32 v1, $0xFFFFFFFF;
	vm5 =	vgt.s32 v1, $0x0  }
0x142: {  	v1 =	vnsel vm5, $0x0, v1;
	_ =	sdelay $0x4  }
0x143: {  	[tilespmem:v1+s16+$0x0] =	vst.idx.msk vm4, v0  }
0x144: {  	v1 =	vld [tilespmem:$0x490];
	_ =	sdelay $0x4  }
0x145: {  	vm6 =	vgt.s32 v1, $0xFFFFFFFF;
	vm7 =	vgt.s32 v1, $0x0  }
0x146: {  	v1 =	vnsel vm7, $0x0, v1;
	_ =	sdelay $0x4  }
0x147: {  	[tilespmem:v1+s16+$0x0] =	vst.idx.msk vm6, v0  }
0x148: {  	v1 =	vld [tilespmem:$0x4A0];
	_ =	sdelay $0x4  }
0x149: {  	vm8 =	vgt.s32 v1, $0xFFFFFFFF;
	vm9 =	vgt.s32 v1, $0x0  }
0x14a: {  	v1 =	vnsel vm9, $0x0, v1;
	_ =	sdelay $0x4  }
0x14b: {  	[tilespmem:v1+s16+$0x0] =	vst.idx.msk vm8, v0  }
0x14c: {  	v1 =	vld [tilespmem:$0x4B0];
	_ =	sdelay $0x4  }
0x14d: {  	vm10 =	vgt.s32 v1, $0xFFFFFFFF;
	vm11 =	vgt.s32 v1, $0x0  }
0x14e: {  	v1 =	vnsel vm11, $0x0, v1;
	_ =	sdelay $0x4  }
0x14f: {  	[tilespmem:v1+s16+$0x0] =	vst.idx.msk vm10, v0  }
0x150: {  	v1 =	vld [tilespmem:$0x4C0];
	_ =	sdelay $0x4  }
0x151: {  	vm12 =	vgt.s32 v1, $0xFFFFFFFF;
	vm13 =	vgt.s32 v1, $0x0  }
0x152: {  	v1 =	vnsel vm13, $0x0, v1;
	_ =	sdelay $0x4  }
0x153: {  	[tilespmem:v1+s16+$0x0] =	vst.idx.msk vm12, v0  }
0x154: {  	v1 =	vld [tilespmem:$0x4D0];
	_ =	sdelay $0x4  }
0x155: {  	vm14 =	vgt.s32 v1, $0xFFFFFFFF;
	vm15 =	vgt.s32 v1, $0x0  }
0x156: {  	v1 =	vnsel vm15, $0x0, v1;
	_ =	sdelay $0x4  }
0x157: {  	[tilespmem:v1+s16+$0x0] =	vst.idx.msk vm14, v0  }
0x158: {  	v1 =	vld [tilespmem:$0x4E0];
	_ =	sdelay $0x4  }
0x159: {  	vm4 =	vgt.s32 v1, $0xFFFFFFFF;
	vm5 =	vgt.s32 v1, $0x0  }
0x15a: {  	v1 =	vnsel vm5, $0x0, v1;
	_ =	sdelay $0x4  }
0x15b: {  	[tilespmem:v1+s16+$0x0] =	vst.idx.msk vm4, v0  }
0x15c: {  	v1 =	vld [tilespmem:$0x4F0];
	_ =	sdelay $0x4  }
0x15d: {  	vm6 =	vgt.s32 v1, $0xFFFFFFFF;
	vm7 =	vgt.s32 v1, $0x0  }
0x15e: {  	v1 =	vnsel vm7, $0x0, v1;
	_ =	sdelay $0x4  }
0x15f: {  	[tilespmem:v1+s16+$0x0] =	vst.idx.msk vm6, v0  }
0x160: {  	v1 =	vld [tilespmem:$0x500];
	_ =	sdelay $0x4  }
0x161: {  	vm8 =	vgt.s32 v1, $0xFFFFFFFF;
	vm9 =	vgt.s32 v1, $0x0  }
0x162: {  	v1 =	vnsel vm9, $0x0, v1;
	_ =	sdelay $0x4  }
0x163: {  	[tilespmem:v1+s16+$0x0] =	vst.idx.msk vm8, v0  }
0x164: {  	v1 =	vld [tilespmem:$0x510];
	_ =	sdelay $0x4  }
0x165: {  	vm10 =	vgt.s32 v1, $0xFFFFFFFF;
	vm11 =	vgt.s32 v1, $0x0  }
0x166: {  	v1 =	vnsel vm11, $0x0, v1;
	_ =	sdelay $0x4  }
0x167: {  	[tilespmem:v1+s16+$0x0] =	vst.idx.msk vm10, v0  }
0x168: {  	v1 =	vld [tilespmem:$0x520];
	_ =	sdelay $0x4  }
0x169: {  	vm12 =	vgt.s32 v1, $0xFFFFFFFF;
	vm13 =	vgt.s32 v1, $0x0  }
0x16a: {  	v1 =	vnsel vm13, $0x0, v1;
	_ =	sdelay $0x4  }
0x16b: {  	[tilespmem:v1+s16+$0x0] =	vst.idx.msk vm12, v0  }
0x16c: {  	v1 =	vld [tilespmem:$0x530];
	_ =	sdelay $0x4  }
0x16d: {  	vm14 =	vgt.s32 v1, $0xFFFFFFFF;
	vm15 =	vgt.s32 v1, $0x0  }
0x16e: {  	v1 =	vnsel vm15, $0x0, v1;
	_ =	sdelay $0x4  }
0x16f: {  	[tilespmem:v1+s16+$0x0] =	vst.idx.msk vm14, v0  }
0x170: {  	v1 =	vld [tilespmem:$0x540];
	_ =	sdelay $0x4  }
0x171: {  	vm4 =	vgt.s32 v1, $0xFFFFFFFF;
	vm5 =	vgt.s32 v1, $0x0  }
0x172: {  	v1 =	vnsel vm5, $0x0, v1;
	_ =	sdelay $0x4  }
0x173: {  	[tilespmem:v1+s16+$0x0] =	vst.idx.msk vm4, v0  }
0x174: {  	v1 =	vld [tilespmem:$0x550];
	_ =	sdelay $0x4  }
0x175: {  	vm6 =	vgt.s32 v1, $0xFFFFFFFF;
	vm7 =	vgt.s32 v1, $0x0  }
0x176: {  	v1 =	vnsel vm7, $0x0, v1;
	_ =	sdelay $0x4  }
0x177: {  	[tilespmem:v1+s16+$0x0] =	vst.idx.msk vm6, v0  }
0x178: {  	v1 =	vld [tilespmem:$0x560];
	_ =	sdelay $0x4  }
0x179: {  	vm8 =	vgt.s32 v1, $0xFFFFFFFF;
	vm9 =	vgt.s32 v1, $0x0  }
0x17a: {  	v1 =	vnsel vm9, $0x0, v1;
	_ =	sdelay $0x4  }
0x17b: {  	[tilespmem:v1+s16+$0x0] =	vst.idx.msk vm8, v0  }
0x17c: {  	v1 =	vld [tilespmem:$0x570];
	_ =	sdelay $0x4  }
0x17d: {  	vm10 =	vgt.s32 v1, $0xFFFFFFFF;
	vm11 =	vgt.s32 v1, $0x0  }
0x17e: {  	v1 =	vnsel vm11, $0x0, v1;
	_ =	sdelay $0x4  }
0x17f: {  	[tilespmem:v1+s16+$0x0] =	vst.idx.msk vm10, v0  }
0x180: {  	v1 =	vld [tilespmem:$0x580];
	_ =	sdelay $0x4  }
0x181: {  	vm12 =	vgt.s32 v1, $0xFFFFFFFF;
	vm13 =	vgt.s32 v1, $0x0  }
0x182: {  	v1 =	vnsel vm13, $0x0, v1;
	_ =	sdelay $0x4  }
0x183: {  	[tilespmem:v1+s16+$0x0] =	vst.idx.msk vm12, v0  }
0x184: {  	v1 =	vld [tilespmem:$0x590];
	_ =	sdelay $0x4  }
0x185: {  	vm14 =	vgt.s32 v1, $0xFFFFFFFF;
	vm15 =	vgt.s32 v1, $0x0  }
0x186: {  	v1 =	vnsel vm15, $0x0, v1;
	_ =	sdelay $0x4  }
0x187: {  	[tilespmem:v1+s16+$0x0] =	vst.idx.msk vm14, v0  }
0x188: {  	v1 =	vld [tilespmem:$0x5A0];
	_ =	sdelay $0x4  }
0x189: {  	vm4 =	vgt.s32 v1, $0xFFFFFFFF;
	vm5 =	vgt.s32 v1, $0x0  }
0x18a: {  	v1 =	vnsel vm5, $0x0, v1;
	_ =	sdelay $0x4  }
0x18b: {  	[tilespmem:v1+s16+$0x0] =	vst.idx.msk vm4, v0  }
0x18c: {  	v1 =	vld [tilespmem:$0x5B0];
	_ =	sdelay $0x4  }
0x18d: {  	vm6 =	vgt.s32 v1, $0xFFFFFFFF;
	vm7 =	vgt.s32 v1, $0x0  }
0x18e: {  	v1 =	vnsel vm7, $0x0, v1;
	_ =	sdelay $0x4  }
0x18f: {  	[tilespmem:v1+s16+$0x0] =	vst.idx.msk vm6, v0  }
0x190: {  	v1 =	vld [tilespmem:$0x5C0];
	_ =	sdelay $0x4  }
0x191: {  	vm8 =	vgt.s32 v1, $0xFFFFFFFF;
	vm9 =	vgt.s32 v1, $0x0  }
0x192: {  	v1 =	vnsel vm9, $0x0, v1;
	_ =	sdelay $0x4  }
0x193: {  	[tilespmem:v1+s16+$0x0] =	vst.idx.msk vm8, v0  }
0x194: {  	v1 =	vld [tilespmem:$0x5D0];
	_ =	sdelay $0x4  }
0x195: {  	vm10 =	vgt.s32 v1, $0xFFFFFFFF;
	vm11 =	vgt.s32 v1, $0x0  }
0x196: {  	v1 =	vnsel vm11, $0x0, v1;
	_ =	sdelay $0x4  }
0x197: {  	[tilespmem:v1+s16+$0x0] =	vst.idx.msk vm10, v0  }
0x198: {  	v1 =	vld [tilespmem:$0x5E0];
	_ =	sdelay $0x4  }
0x199: {  	vm12 =	vgt.s32 v1, $0xFFFFFFFF;
	vm13 =	vgt.s32 v1, $0x0  }
0x19a: {  	v1 =	vnsel vm13, $0x0, v1;
	_ =	sdelay $0x4  }
0x19b: {  	[tilespmem:v1+s16+$0x0] =	vst.idx.msk vm12, v0  }
0x19c: {  	v1 =	vld [tilespmem:$0x5F0];
	_ =	sdelay $0x4  }
0x19d: {  	vm14 =	vgt.s32 v1, $0xFFFFFFFF;
	vm15 =	vgt.s32 v1, $0x0  }
0x19e: {  	v1 =	vnsel vm15, $0x0, v1;
	_ =	sdelay $0x4  }
0x19f: {  	[tilespmem:v1+s16+$0x0] =	vst.idx.msk vm14, v0  }
0x1a0: {  	v1 =	vld [tilespmem:$0x600];
	_ =	sdelay $0x4  }
0x1a1: {  	vm4 =	vgt.s32 v1, $0xFFFFFFFF;
	vm5 =	vgt.s32 v1, $0x0  }
0x1a2: {  	v1 =	vnsel vm5, $0x0, v1;
	_ =	sdelay $0x4  }
0x1a3: {  	[tilespmem:v1+s16+$0x0] =	vst.idx.msk vm4, v0  }
0x1a4: {  	v1 =	vld [tilespmem:$0x610];
	_ =	sdelay $0x4  }
0x1a5: {  	vm6 =	vgt.s32 v1, $0xFFFFFFFF;
	vm7 =	vgt.s32 v1, $0x0  }
0x1a6: {  	v1 =	vnsel vm7, $0x0, v1;
	_ =	sdelay $0x4  }
0x1a7: {  	[tilespmem:v1+s16+$0x0] =	vst.idx.msk vm6, v0  }
0x1a8: {  	v1 =	vld [tilespmem:$0x620];
	_ =	sdelay $0x4  }
0x1a9: {  	vm8 =	vgt.s32 v1, $0xFFFFFFFF;
	vm9 =	vgt.s32 v1, $0x0  }
0x1aa: {  	v1 =	vnsel vm9, $0x0, v1;
	_ =	sdelay $0x4  }
0x1ab: {  	[tilespmem:v1+s16+$0x0] =	vst.idx.msk vm8, v0  }
0x1ac: {  	v1 =	vld [tilespmem:$0x630];
	_ =	sdelay $0x4  }
0x1ad: {  	vm10 =	vgt.s32 v1, $0xFFFFFFFF;
	vm11 =	vgt.s32 v1, $0x0  }
0x1ae: {  	v1 =	vnsel vm11, $0x0, v1;
	_ =	sdelay $0x4  }
0x1af: {  	[tilespmem:v1+s16+$0x0] =	vst.idx.msk vm10, v0  }
0x1b0: {  	v1 =	vld [tilespmem:$0x640];
	_ =	sdelay $0x4  }
0x1b1: {  	vm12 =	vgt.s32 v1, $0xFFFFFFFF;
	vm13 =	vgt.s32 v1, $0x0  }
0x1b2: {  	v1 =	vnsel vm13, $0x0, v1;
	_ =	sdelay $0x4  }
0x1b3: {  	[tilespmem:v1+s16+$0x0] =	vst.idx.msk vm12, v0  }
0x1b4: {  	v1 =	vld [tilespmem:$0x650];
	_ =	sdelay $0x4  }
0x1b5: {  	vm14 =	vgt.s32 v1, $0xFFFFFFFF;
	vm15 =	vgt.s32 v1, $0x0  }
0x1b6: {  	v1 =	vnsel vm15, $0x0, v1;
	_ =	sdelay $0x4  }
0x1b7: {  	[tilespmem:v1+s16+$0x0] =	vst.idx.msk vm14, v0  }
0x1b8: {  	[hbm4b:s8+s2] =	stream.linear.scatter [tilespmem:s16], [sflag:$0x4], $0xC000, $0x38;
	[tilespmem:$0x18D00] =	vst v63  }
0x1b9: {  	_ =	swait.ge [sflag:s15], $0xC000  }
0x1ba: {  	[sflag:s15] =	ssyncset.done $0x0  }
0x1bb: {  	[sflag:s15] =	ssyncadd.s32 $0xFFFF4000  }
0x1bc: {  	_ =	swait.ge [sflag:s19], $0xC000  }
0x1bd: {  	[sflag:s19] =	ssyncset.done $0x0  }
0x1be: {  	[sflag:s19] =	ssyncadd.s32 $0xFFFF4000  }
0x1bf: {  	[tilespmem:s16], [sflag:$0x2] =	stream.linear.gather [hbm4b:s9+s2], $0xC000, $0x38;
	[tilespmem:$0x18D00] =	vst v63  }
0x1c0: {  	v1 =	vld [tilespmem:$0x660];
	_ =	sdelay $0x4  }
0x1c1: {  	vm4 =	vgt.s32 v1, $0xFFFFFFFF;
	vm5 =	vgt.s32 v1, $0x0  }
0x1c2: {  	v1 =	vnsel vm5, $0x0, v1;
	_ =	sdelay $0x4  }
0x1c3: {  	[tilespmem:v1+s14+$0x0] =	vst.idx.msk vm4, v0  }
0x1c4: {  	v1 =	vld [tilespmem:$0x670];
	_ =	sdelay $0x4  }
0x1c5: {  	vm6 =	vgt.s32 v1, $0xFFFFFFFF;
	vm7 =	vgt.s32 v1, $0x0  }
0x1c6: {  	v1 =	vnsel vm7, $0x0, v1;
	_ =	sdelay $0x4  }
0x1c7: {  	[tilespmem:v1+s14+$0x0] =	vst.idx.msk vm6, v0  }
0x1c8: {  	v1 =	vld [tilespmem:$0x680];
	_ =	sdelay $0x4  }
0x1c9: {  	vm8 =	vgt.s32 v1, $0xFFFFFFFF;
	vm9 =	vgt.s32 v1, $0x0  }
0x1ca: {  	v1 =	vnsel vm9, $0x0, v1;
	_ =	sdelay $0x4  }
0x1cb: {  	[tilespmem:v1+s14+$0x0] =	vst.idx.msk vm8, v0  }
0x1cc: {  	v1 =	vld [tilespmem:$0x690];
	_ =	sdelay $0x4  }
0x1cd: {  	vm10 =	vgt.s32 v1, $0xFFFFFFFF;
	vm11 =	vgt.s32 v1, $0x0  }
0x1ce: {  	v1 =	vnsel vm11, $0x0, v1;
	_ =	sdelay $0x4  }
0x1cf: {  	[tilespmem:v1+s14+$0x0] =	vst.idx.msk vm10, v0  }
0x1d0: {  	v1 =	vld [tilespmem:$0x6A0];
	_ =	sdelay $0x4  }
0x1d1: {  	vm12 =	vgt.s32 v1, $0xFFFFFFFF;
	vm13 =	vgt.s32 v1, $0x0  }
0x1d2: {  	v1 =	vnsel vm13, $0x0, v1;
	_ =	sdelay $0x4  }
0x1d3: {  	[tilespmem:v1+s14+$0x0] =	vst.idx.msk vm12, v0  }
0x1d4: {  	v1 =	vld [tilespmem:$0x6B0];
	_ =	sdelay $0x4  }
0x1d5: {  	vm14 =	vgt.s32 v1, $0xFFFFFFFF;
	vm15 =	vgt.s32 v1, $0x0  }
0x1d6: {  	v1 =	vnsel vm15, $0x0, v1;
	_ =	sdelay $0x4  }
0x1d7: {  	[tilespmem:v1+s14+$0x0] =	vst.idx.msk vm14, v0  }
0x1d8: {  	v1 =	vld [tilespmem:$0x6C0];
	_ =	sdelay $0x4  }
0x1d9: {  	vm4 =	vgt.s32 v1, $0xFFFFFFFF;
	vm5 =	vgt.s32 v1, $0x0  }
0x1da: {  	v1 =	vnsel vm5, $0x0, v1;
	_ =	sdelay $0x4  }
0x1db: {  	[tilespmem:v1+s14+$0x0] =	vst.idx.msk vm4, v0  }
0x1dc: {  	v1 =	vld [tilespmem:$0x6D0];
	_ =	sdelay $0x4  }
0x1dd: {  	vm6 =	vgt.s32 v1, $0xFFFFFFFF;
	vm7 =	vgt.s32 v1, $0x0  }
0x1de: {  	v1 =	vnsel vm7, $0x0, v1;
	_ =	sdelay $0x4  }
0x1df: {  	[tilespmem:v1+s14+$0x0] =	vst.idx.msk vm6, v0  }
0x1e0: {  	v1 =	vld [tilespmem:$0x6E0];
	_ =	sdelay $0x4  }
0x1e1: {  	vm8 =	vgt.s32 v1, $0xFFFFFFFF;
	vm9 =	vgt.s32 v1, $0x0  }
0x1e2: {  	v1 =	vnsel vm9, $0x0, v1;
	_ =	sdelay $0x4  }
0x1e3: {  	[tilespmem:v1+s14+$0x0] =	vst.idx.msk vm8, v0  }
0x1e4: {  	v1 =	vld [tilespmem:$0x6F0];
	_ =	sdelay $0x4  }
0x1e5: {  	vm10 =	vgt.s32 v1, $0xFFFFFFFF;
	vm11 =	vgt.s32 v1, $0x0  }
0x1e6: {  	v1 =	vnsel vm11, $0x0, v1;
	_ =	sdelay $0x4  }
0x1e7: {  	[tilespmem:v1+s14+$0x0] =	vst.idx.msk vm10, v0  }
0x1e8: {  	v1 =	vld [tilespmem:$0x700];
	_ =	sdelay $0x4  }
0x1e9: {  	vm12 =	vgt.s32 v1, $0xFFFFFFFF;
	vm13 =	vgt.s32 v1, $0x0  }
0x1ea: {  	v1 =	vnsel vm13, $0x0, v1;
	_ =	sdelay $0x4  }
0x1eb: {  	[tilespmem:v1+s14+$0x0] =	vst.idx.msk vm12, v0  }
0x1ec: {  	v1 =	vld [tilespmem:$0x710];
	_ =	sdelay $0x4  }
0x1ed: {  	vm14 =	vgt.s32 v1, $0xFFFFFFFF;
	vm15 =	vgt.s32 v1, $0x0  }
0x1ee: {  	v1 =	vnsel vm15, $0x0, v1;
	_ =	sdelay $0x4  }
0x1ef: {  	[tilespmem:v1+s14+$0x0] =	vst.idx.msk vm14, v0  }
0x1f0: {  	v1 =	vld [tilespmem:$0x720];
	_ =	sdelay $0x4  }
0x1f1: {  	vm4 =	vgt.s32 v1, $0xFFFFFFFF;
	vm5 =	vgt.s32 v1, $0x0  }
0x1f2: {  	v1 =	vnsel vm5, $0x0, v1;
	_ =	sdelay $0x4  }
0x1f3: {  	[tilespmem:v1+s14+$0x0] =	vst.idx.msk vm4, v0  }
0x1f4: {  	v1 =	vld [tilespmem:$0x730];
	_ =	sdelay $0x4  }
0x1f5: {  	vm6 =	vgt.s32 v1, $0xFFFFFFFF;
	vm7 =	vgt.s32 v1, $0x0  }
0x1f6: {  	v1 =	vnsel vm7, $0x0, v1;
	_ =	sdelay $0x4  }
0x1f7: {  	[tilespmem:v1+s14+$0x0] =	vst.idx.msk vm6, v0  }
0x1f8: {  	v1 =	vld [tilespmem:$0x740];
	_ =	sdelay $0x4  }
0x1f9: {  	vm8 =	vgt.s32 v1, $0xFFFFFFFF;
	vm9 =	vgt.s32 v1, $0x0  }
0x1fa: {  	v1 =	vnsel vm9, $0x0, v1;
	_ =	sdelay $0x4  }
0x1fb: {  	[tilespmem:v1+s14+$0x0] =	vst.idx.msk vm8, v0  }
0x1fc: {  	v1 =	vld [tilespmem:$0x750];
	_ =	sdelay $0x4  }
0x1fd: {  	vm10 =	vgt.s32 v1, $0xFFFFFFFF;
	vm11 =	vgt.s32 v1, $0x0  }
0x1fe: {  	v1 =	vnsel vm11, $0x0, v1;
	_ =	sdelay $0x4  }
0x1ff: {  	[tilespmem:v1+s14+$0x0] =	vst.idx.msk vm10, v0  }
0x200: {  	v1 =	vld [tilespmem:$0x760];
	_ =	sdelay $0x4  }
0x201: {  	vm12 =	vgt.s32 v1, $0xFFFFFFFF;
	vm13 =	vgt.s32 v1, $0x0  }
0x202: {  	v1 =	vnsel vm13, $0x0, v1;
	_ =	sdelay $0x4  }
0x203: {  	[tilespmem:v1+s14+$0x0] =	vst.idx.msk vm12, v0  }
0x204: {  	v1 =	vld [tilespmem:$0x770];
	_ =	sdelay $0x4  }
0x205: {  	vm14 =	vgt.s32 v1, $0xFFFFFFFF;
	vm15 =	vgt.s32 v1, $0x0  }
0x206: {  	v1 =	vnsel vm15, $0x0, v1;
	_ =	sdelay $0x4  }
0x207: {  	[tilespmem:v1+s14+$0x0] =	vst.idx.msk vm14, v0  }
0x208: {  	v1 =	vld [tilespmem:$0x780];
	_ =	sdelay $0x4  }
0x209: {  	vm4 =	vgt.s32 v1, $0xFFFFFFFF;
	vm5 =	vgt.s32 v1, $0x0  }
0x20a: {  	v1 =	vnsel vm5, $0x0, v1;
	_ =	sdelay $0x4  }
0x20b: {  	[tilespmem:v1+s14+$0x0] =	vst.idx.msk vm4, v0  }
0x20c: {  	v1 =	vld [tilespmem:$0x790];
	_ =	sdelay $0x4  }
0x20d: {  	vm6 =	vgt.s32 v1, $0xFFFFFFFF;
	vm7 =	vgt.s32 v1, $0x0  }
0x20e: {  	v1 =	vnsel vm7, $0x0, v1;
	_ =	sdelay $0x4  }
0x20f: {  	[tilespmem:v1+s14+$0x0] =	vst.idx.msk vm6, v0  }
0x210: {  	v1 =	vld [tilespmem:$0x7A0];
	_ =	sdelay $0x4  }
0x211: {  	vm8 =	vgt.s32 v1, $0xFFFFFFFF;
	vm9 =	vgt.s32 v1, $0x0  }
0x212: {  	v1 =	vnsel vm9, $0x0, v1;
	_ =	sdelay $0x4  }
0x213: {  	[tilespmem:v1+s14+$0x0] =	vst.idx.msk vm8, v0  }
0x214: {  	v1 =	vld [tilespmem:$0x7B0];
	_ =	sdelay $0x4  }
0x215: {  	vm10 =	vgt.s32 v1, $0xFFFFFFFF;
	vm11 =	vgt.s32 v1, $0x0  }
0x216: {  	v1 =	vnsel vm11, $0x0, v1;
	_ =	sdelay $0x4  }
0x217: {  	[tilespmem:v1+s14+$0x0] =	vst.idx.msk vm10, v0  }
0x218: {  	v1 =	vld [tilespmem:$0x7C0];
	_ =	sdelay $0x4  }
0x219: {  	vm12 =	vgt.s32 v1, $0xFFFFFFFF;
	vm13 =	vgt.s32 v1, $0x0  }
0x21a: {  	v1 =	vnsel vm13, $0x0, v1;
	_ =	sdelay $0x4  }
0x21b: {  	[tilespmem:v1+s14+$0x0] =	vst.idx.msk vm12, v0  }
0x21c: {  	v1 =	vld [tilespmem:$0x7D0];
	_ =	sdelay $0x4  }
0x21d: {  	vm14 =	vgt.s32 v1, $0xFFFFFFFF;
	vm15 =	vgt.s32 v1, $0x0  }
0x21e: {  	v1 =	vnsel vm15, $0x0, v1;
	_ =	sdelay $0x4  }
0x21f: {  	[tilespmem:v1+s14+$0x0] =	vst.idx.msk vm14, v0  }
0x220: {  	v1 =	vld [tilespmem:$0x7E0];
	_ =	sdelay $0x4  }
0x221: {  	vm4 =	vgt.s32 v1, $0xFFFFFFFF;
	vm5 =	vgt.s32 v1, $0x0  }
0x222: {  	v1 =	vnsel vm5, $0x0, v1;
	_ =	sdelay $0x4  }
0x223: {  	[tilespmem:v1+s14+$0x0] =	vst.idx.msk vm4, v0  }
0x224: {  	v1 =	vld [tilespmem:$0x7F0];
	_ =	sdelay $0x4  }
0x225: {  	vm6 =	vgt.s32 v1, $0xFFFFFFFF;
	vm7 =	vgt.s32 v1, $0x0  }
0x226: {  	v1 =	vnsel vm7, $0x0, v1;
	_ =	sdelay $0x4  }
0x227: {  	[tilespmem:v1+s14+$0x0] =	vst.idx.msk vm6, v0  }
0x228: {  	v1 =	vld [tilespmem:$0x800];
	_ =	sdelay $0x4  }
0x229: {  	vm8 =	vgt.s32 v1, $0xFFFFFFFF;
	vm9 =	vgt.s32 v1, $0x0  }
0x22a: {  	v1 =	vnsel vm9, $0x0, v1;
	_ =	sdelay $0x4  }
0x22b: {  	[tilespmem:v1+s14+$0x0] =	vst.idx.msk vm8, v0  }
0x22c: {  	v1 =	vld [tilespmem:$0x810];
	_ =	sdelay $0x4  }
0x22d: {  	vm10 =	vgt.s32 v1, $0xFFFFFFFF;
	vm11 =	vgt.s32 v1, $0x0  }
0x22e: {  	v1 =	vnsel vm11, $0x0, v1;
	_ =	sdelay $0x4  }
0x22f: {  	[tilespmem:v1+s14+$0x0] =	vst.idx.msk vm10, v0  }
0x230: {  	v1 =	vld [tilespmem:$0x820];
	_ =	sdelay $0x4  }
0x231: {  	vm12 =	vgt.s32 v1, $0xFFFFFFFF;
	vm13 =	vgt.s32 v1, $0x0  }
0x232: {  	v1 =	vnsel vm13, $0x0, v1;
	_ =	sdelay $0x4  }
0x233: {  	[tilespmem:v1+s14+$0x0] =	vst.idx.msk vm12, v0  }
0x234: {  	v1 =	vld [tilespmem:$0x830];
	_ =	sdelay $0x4  }
0x235: {  	vm14 =	vgt.s32 v1, $0xFFFFFFFF;
	vm15 =	vgt.s32 v1, $0x0  }
0x236: {  	v1 =	vnsel vm15, $0x0, v1;
	_ =	sdelay $0x4  }
0x237: {  	[tilespmem:v1+s14+$0x0] =	vst.idx.msk vm14, v0  }
0x238: {  	v1 =	vld [tilespmem:$0x840];
	_ =	sdelay $0x4  }
0x239: {  	vm4 =	vgt.s32 v1, $0xFFFFFFFF;
	vm5 =	vgt.s32 v1, $0x0  }
0x23a: {  	v1 =	vnsel vm5, $0x0, v1;
	_ =	sdelay $0x4  }
0x23b: {  	[tilespmem:v1+s14+$0x0] =	vst.idx.msk vm4, v0  }
0x23c: {  	v1 =	vld [tilespmem:$0x850];
	_ =	sdelay $0x4  }
0x23d: {  	vm6 =	vgt.s32 v1, $0xFFFFFFFF;
	vm7 =	vgt.s32 v1, $0x0  }
0x23e: {  	v1 =	vnsel vm7, $0x0, v1;
	_ =	sdelay $0x4  }
0x23f: {  	[tilespmem:v1+s14+$0x0] =	vst.idx.msk vm6, v0  }
0x240: {  	v1 =	vld [tilespmem:$0x860];
	_ =	sdelay $0x4  }
0x241: {  	vm8 =	vgt.s32 v1, $0xFFFFFFFF;
	vm9 =	vgt.s32 v1, $0x0  }
0x242: {  	v1 =	vnsel vm9, $0x0, v1;
	_ =	sdelay $0x4  }
0x243: {  	[tilespmem:v1+s14+$0x0] =	vst.idx.msk vm8, v0  }
0x244: {  	v1 =	vld [tilespmem:$0x870];
	_ =	sdelay $0x4  }
0x245: {  	vm10 =	vgt.s32 v1, $0xFFFFFFFF;
	vm11 =	vgt.s32 v1, $0x0  }
0x246: {  	v1 =	vnsel vm11, $0x0, v1;
	_ =	sdelay $0x4  }
0x247: {  	[tilespmem:v1+s14+$0x0] =	vst.idx.msk vm10, v0  }
0x248: {  	v1 =	vld [tilespmem:$0x880];
	_ =	sdelay $0x4  }
0x249: {  	vm12 =	vgt.s32 v1, $0xFFFFFFFF;
	vm13 =	vgt.s32 v1, $0x0  }
0x24a: {  	v1 =	vnsel vm13, $0x0, v1;
	_ =	sdelay $0x4  }
0x24b: {  	[tilespmem:v1+s14+$0x0] =	vst.idx.msk vm12, v0  }
0x24c: {  	v1 =	vld [tilespmem:$0x890];
	_ =	sdelay $0x4  }
0x24d: {  	vm14 =	vgt.s32 v1, $0xFFFFFFFF;
	vm15 =	vgt.s32 v1, $0x0  }
0x24e: {  	v1 =	vnsel vm15, $0x0, v1;
	_ =	sdelay $0x4  }
0x24f: {  	[tilespmem:v1+s14+$0x0] =	vst.idx.msk vm14, v0  }
0x250: {  	v1 =	vld [tilespmem:$0x8A0];
	_ =	sdelay $0x4  }
0x251: {  	vm4 =	vgt.s32 v1, $0xFFFFFFFF;
	vm5 =	vgt.s32 v1, $0x0  }
0x252: {  	v1 =	vnsel vm5, $0x0, v1;
	_ =	sdelay $0x4  }
0x253: {  	[tilespmem:v1+s14+$0x0] =	vst.idx.msk vm4, v0  }
0x254: {  	v1 =	vld [tilespmem:$0x8B0];
	_ =	sdelay $0x4  }
0x255: {  	vm6 =	vgt.s32 v1, $0xFFFFFFFF;
	vm7 =	vgt.s32 v1, $0x0  }
0x256: {  	v1 =	vnsel vm7, $0x0, v1;
	_ =	sdelay $0x4  }
0x257: {  	[tilespmem:v1+s14+$0x0] =	vst.idx.msk vm6, v0  }
0x258: {  	v1 =	vld [tilespmem:$0x8C0];
	_ =	sdelay $0x4  }
0x259: {  	vm8 =	vgt.s32 v1, $0xFFFFFFFF;
	vm9 =	vgt.s32 v1, $0x0  }
0x25a: {  	v1 =	vnsel vm9, $0x0, v1;
	_ =	sdelay $0x4  }
0x25b: {  	[tilespmem:v1+s14+$0x0] =	vst.idx.msk vm8, v0  }
0x25c: {  	v1 =	vld [tilespmem:$0x8D0];
	_ =	sdelay $0x4  }
0x25d: {  	vm10 =	vgt.s32 v1, $0xFFFFFFFF;
	vm11 =	vgt.s32 v1, $0x0  }
0x25e: {  	v1 =	vnsel vm11, $0x0, v1;
	_ =	sdelay $0x4  }
0x25f: {  	[tilespmem:v1+s14+$0x0] =	vst.idx.msk vm10, v0  }
0x260: {  	v1 =	vld [tilespmem:$0x8E0];
	_ =	sdelay $0x4  }
0x261: {  	vm12 =	vgt.s32 v1, $0xFFFFFFFF;
	vm13 =	vgt.s32 v1, $0x0  }
0x262: {  	v1 =	vnsel vm13, $0x0, v1;
	_ =	sdelay $0x4  }
0x263: {  	[tilespmem:v1+s14+$0x0] =	vst.idx.msk vm12, v0  }
0x264: {  	v1 =	vld [tilespmem:$0x8F0];
	_ =	sdelay $0x4  }
0x265: {  	vm14 =	vgt.s32 v1, $0xFFFFFFFF;
	vm15 =	vgt.s32 v1, $0x0  }
0x266: {  	v1 =	vnsel vm15, $0x0, v1;
	_ =	sdelay $0x4  }
0x267: {  	[tilespmem:v1+s14+$0x0] =	vst.idx.msk vm14, v0  }
0x268: {  	v1 =	vld [tilespmem:$0x900];
	_ =	sdelay $0x4  }
0x269: {  	vm4 =	vgt.s32 v1, $0xFFFFFFFF;
	vm5 =	vgt.s32 v1, $0x0  }
0x26a: {  	v1 =	vnsel vm5, $0x0, v1;
	_ =	sdelay $0x4  }
0x26b: {  	[tilespmem:v1+s14+$0x0] =	vst.idx.msk vm4, v0  }
0x26c: {  	v1 =	vld [tilespmem:$0x910];
	_ =	sdelay $0x4  }
0x26d: {  	vm6 =	vgt.s32 v1, $0xFFFFFFFF;
	vm7 =	vgt.s32 v1, $0x0  }
0x26e: {  	v1 =	vnsel vm7, $0x0, v1;
	_ =	sdelay $0x4  }
0x26f: {  	[tilespmem:v1+s14+$0x0] =	vst.idx.msk vm6, v0  }
0x270: {  	v1 =	vld [tilespmem:$0x920];
	_ =	sdelay $0x4  }
0x271: {  	vm8 =	vgt.s32 v1, $0xFFFFFFFF;
	vm9 =	vgt.s32 v1, $0x0  }
0x272: {  	v1 =	vnsel vm9, $0x0, v1;
	_ =	sdelay $0x4  }
0x273: {  	[tilespmem:v1+s14+$0x0] =	vst.idx.msk vm8, v0  }
0x274: {  	v1 =	vld [tilespmem:$0x930];
	_ =	sdelay $0x4  }
0x275: {  	vm10 =	vgt.s32 v1, $0xFFFFFFFF;
	vm11 =	vgt.s32 v1, $0x0  }
0x276: {  	v1 =	vnsel vm11, $0x0, v1;
	_ =	sdelay $0x4  }
0x277: {  	[tilespmem:v1+s14+$0x0] =	vst.idx.msk vm10, v0  }
0x278: {  	v1 =	vld [tilespmem:$0x940];
	_ =	sdelay $0x4  }
0x279: {  	vm12 =	vgt.s32 v1, $0xFFFFFFFF;
	vm13 =	vgt.s32 v1, $0x0  }
0x27a: {  	v1 =	vnsel vm13, $0x0, v1;
	_ =	sdelay $0x4  }
0x27b: {  	[tilespmem:v1+s14+$0x0] =	vst.idx.msk vm12, v0  }
0x27c: {  	v1 =	vld [tilespmem:$0x950];
	_ =	sdelay $0x4  }
0x27d: {  	vm14 =	vgt.s32 v1, $0xFFFFFFFF;
	vm15 =	vgt.s32 v1, $0x0  }
0x27e: {  	v1 =	vnsel vm15, $0x0, v1;
	_ =	sdelay $0x4  }
0x27f: {  	[tilespmem:v1+s14+$0x0] =	vst.idx.msk vm14, v0  }
0x280: {  	v1 =	vld [tilespmem:$0x960];
	_ =	sdelay $0x4  }
0x281: {  	vm4 =	vgt.s32 v1, $0xFFFFFFFF;
	vm5 =	vgt.s32 v1, $0x0  }
0x282: {  	v1 =	vnsel vm5, $0x0, v1;
	_ =	sdelay $0x4  }
0x283: {  	[tilespmem:v1+s14+$0x0] =	vst.idx.msk vm4, v0  }
0x284: {  	v1 =	vld [tilespmem:$0x970];
	_ =	sdelay $0x4  }
0x285: {  	vm6 =	vgt.s32 v1, $0xFFFFFFFF;
	vm7 =	vgt.s32 v1, $0x0  }
0x286: {  	v1 =	vnsel vm7, $0x0, v1;
	_ =	sdelay $0x4  }
0x287: {  	[tilespmem:v1+s14+$0x0] =	vst.idx.msk vm6, v0  }
0x288: {  	v1 =	vld [tilespmem:$0x980];
	_ =	sdelay $0x4  }
0x289: {  	vm8 =	vgt.s32 v1, $0xFFFFFFFF;
	vm9 =	vgt.s32 v1, $0x0  }
0x28a: {  	v1 =	vnsel vm9, $0x0, v1;
	_ =	sdelay $0x4  }
0x28b: {  	[tilespmem:v1+s14+$0x0] =	vst.idx.msk vm8, v0  }
0x28c: {  	[hbm4b:s10+s2] =	stream.linear.scatter [tilespmem:s14], [sflag:$0x3], $0xC000, $0x38;
	[tilespmem:$0x18D00] =	vst v63  }
0x28d: {  	_ =	swait.ge [sflag:s17], $0xC000  }
0x28e: {  	[sflag:s17] =	ssyncset.done $0x0  }
0x28f: {  	[sflag:s17] =	ssyncadd.s32 $0xFFFF4000  }
0x290: {  	v1 =	vld [tilespmem:$0x990];
	_ =	sdelay $0x4  }
0x291: {  	vm10 =	vgt.s32 v1, $0xFFFFFFFF;
	vm11 =	vgt.s32 v1, $0x0  }
0x292: {  	v1 =	vnsel vm11, $0x0, v1;
	_ =	sdelay $0x4  }
0x293: {  	[tilespmem:v1+s16+$0x0] =	vst.idx.msk vm10, v0  }
0x294: {  	v1 =	vld [tilespmem:$0x9A0];
	_ =	sdelay $0x4  }
0x295: {  	vm12 =	vgt.s32 v1, $0xFFFFFFFF;
	vm13 =	vgt.s32 v1, $0x0  }
0x296: {  	v1 =	vnsel vm13, $0x0, v1;
	_ =	sdelay $0x4  }
0x297: {  	[tilespmem:v1+s16+$0x0] =	vst.idx.msk vm12, v0  }
0x298: {  	v1 =	vld [tilespmem:$0x9B0];
	_ =	sdelay $0x4  }
0x299: {  	vm14 =	vgt.s32 v1, $0xFFFFFFFF;
	vm15 =	vgt.s32 v1, $0x0  }
0x29a: {  	v1 =	vnsel vm15, $0x0, v1;
	_ =	sdelay $0x4  }
0x29b: {  	[tilespmem:v1+s16+$0x0] =	vst.idx.msk vm14, v0  }
0x29c: {  	v1 =	vld [tilespmem:$0x9C0];
	_ =	sdelay $0x4  }
0x29d: {  	vm4 =	vgt.s32 v1, $0xFFFFFFFF;
	vm5 =	vgt.s32 v1, $0x0  }
0x29e: {  	v1 =	vnsel vm5, $0x0, v1;
	_ =	sdelay $0x4  }
0x29f: {  	[tilespmem:v1+s16+$0x0] =	vst.idx.msk vm4, v0  }
0x2a0: {  	v1 =	vld [tilespmem:$0x9D0];
	_ =	sdelay $0x4  }
0x2a1: {  	vm6 =	vgt.s32 v1, $0xFFFFFFFF;
	vm7 =	vgt.s32 v1, $0x0  }
0x2a2: {  	v1 =	vnsel vm7, $0x0, v1;
	_ =	sdelay $0x4  }
0x2a3: {  	[tilespmem:v1+s16+$0x0] =	vst.idx.msk vm6, v0  }
0x2a4: {  	v1 =	vld [tilespmem:$0x9E0];
	_ =	sdelay $0x4  }
0x2a5: {  	vm8 =	vgt.s32 v1, $0xFFFFFFFF;
	vm9 =	vgt.s32 v1, $0x0  }
0x2a6: {  	v1 =	vnsel vm9, $0x0, v1;
	_ =	sdelay $0x4  }
0x2a7: {  	[tilespmem:v1+s16+$0x0] =	vst.idx.msk vm8, v0  }
0x2a8: {  	v1 =	vld [tilespmem:$0x9F0];
	_ =	sdelay $0x4  }
0x2a9: {  	vm10 =	vgt.s32 v1, $0xFFFFFFFF;
	vm11 =	vgt.s32 v1, $0x0  }
0x2aa: {  	v1 =	vnsel vm11, $0x0, v1;
	_ =	sdelay $0x4  }
0x2ab: {  	[tilespmem:v1+s16+$0x0] =	vst.idx.msk vm10, v0  }
0x2ac: {  	v1 =	vld [tilespmem:$0xA00];
	_ =	sdelay $0x4  }
0x2ad: {  	vm12 =	vgt.s32 v1, $0xFFFFFFFF;
	vm13 =	vgt.s32 v1, $0x0  }
0x2ae: {  	v1 =	vnsel vm13, $0x0, v1;
	_ =	sdelay $0x4  }
0x2af: {  	[tilespmem:v1+s16+$0x0] =	vst.idx.msk vm12, v0  }
0x2b0: {  	v1 =	vld [tilespmem:$0xA10];
	_ =	sdelay $0x4  }
0x2b1: {  	vm14 =	vgt.s32 v1, $0xFFFFFFFF;
	vm15 =	vgt.s32 v1, $0x0  }
0x2b2: {  	v1 =	vnsel vm15, $0x0, v1;
	_ =	sdelay $0x4  }
0x2b3: {  	[tilespmem:v1+s16+$0x0] =	vst.idx.msk vm14, v0  }
0x2b4: {  	v1 =	vld [tilespmem:$0xA20];
	_ =	sdelay $0x4  }
0x2b5: {  	vm4 =	vgt.s32 v1, $0xFFFFFFFF;
	vm5 =	vgt.s32 v1, $0x0  }
0x2b6: {  	v1 =	vnsel vm5, $0x0, v1;
	_ =	sdelay $0x4  }
0x2b7: {  	[tilespmem:v1+s16+$0x0] =	vst.idx.msk vm4, v0  }
0x2b8: {  	v1 =	vld [tilespmem:$0xA30];
	_ =	sdelay $0x4  }
0x2b9: {  	vm6 =	vgt.s32 v1, $0xFFFFFFFF;
	vm7 =	vgt.s32 v1, $0x0  }
0x2ba: {  	v1 =	vnsel vm7, $0x0, v1;
	_ =	sdelay $0x4  }
0x2bb: {  	[tilespmem:v1+s16+$0x0] =	vst.idx.msk vm6, v0  }
0x2bc: {  	v1 =	vld [tilespmem:$0xA40];
	_ =	sdelay $0x4  }
0x2bd: {  	vm8 =	vgt.s32 v1, $0xFFFFFFFF;
	vm9 =	vgt.s32 v1, $0x0  }
0x2be: {  	v1 =	vnsel vm9, $0x0, v1;
	_ =	sdelay $0x4  }
0x2bf: {  	[tilespmem:v1+s16+$0x0] =	vst.idx.msk vm8, v0  }
0x2c0: {  	v1 =	vld [tilespmem:$0xA50];
	_ =	sdelay $0x4  }
0x2c1: {  	vm10 =	vgt.s32 v1, $0xFFFFFFFF;
	vm11 =	vgt.s32 v1, $0x0  }
0x2c2: {  	v1 =	vnsel vm11, $0x0, v1;
	_ =	sdelay $0x4  }
0x2c3: {  	[tilespmem:v1+s16+$0x0] =	vst.idx.msk vm10, v0  }
0x2c4: {  	v1 =	vld [tilespmem:$0xA60];
	_ =	sdelay $0x4  }
0x2c5: {  	vm12 =	vgt.s32 v1, $0xFFFFFFFF;
	vm13 =	vgt.s32 v1, $0x0  }
0x2c6: {  	v1 =	vnsel vm13, $0x0, v1;
	_ =	sdelay $0x4  }
0x2c7: {  	[tilespmem:v1+s16+$0x0] =	vst.idx.msk vm12, v0  }
0x2c8: {  	v1 =	vld [tilespmem:$0xA70];
	_ =	sdelay $0x4  }
0x2c9: {  	vm14 =	vgt.s32 v1, $0xFFFFFFFF;
	vm15 =	vgt.s32 v1, $0x0  }
0x2ca: {  	v1 =	vnsel vm15, $0x0, v1;
	_ =	sdelay $0x4  }
0x2cb: {  	[tilespmem:v1+s16+$0x0] =	vst.idx.msk vm14, v0  }
0x2cc: {  	v1 =	vld [tilespmem:$0xA80];
	_ =	sdelay $0x4  }
0x2cd: {  	vm4 =	vgt.s32 v1, $0xFFFFFFFF;
	vm5 =	vgt.s32 v1, $0x0  }
0x2ce: {  	v1 =	vnsel vm5, $0x0, v1;
	_ =	sdelay $0x4  }
0x2cf: {  	[tilespmem:v1+s16+$0x0] =	vst.idx.msk vm4, v0  }
0x2d0: {  	v1 =	vld [tilespmem:$0xA90];
	_ =	sdelay $0x4  }
0x2d1: {  	vm6 =	vgt.s32 v1, $0xFFFFFFFF;
	vm7 =	vgt.s32 v1, $0x0  }
0x2d2: {  	v1 =	vnsel vm7, $0x0, v1;
	_ =	sdelay $0x4  }
0x2d3: {  	[tilespmem:v1+s16+$0x0] =	vst.idx.msk vm6, v0  }
0x2d4: {  	v1 =	vld [tilespmem:$0xAA0];
	_ =	sdelay $0x4  }
0x2d5: {  	vm8 =	vgt.s32 v1, $0xFFFFFFFF;
	vm9 =	vgt.s32 v1, $0x0  }
0x2d6: {  	v1 =	vnsel vm9, $0x0, v1;
	_ =	sdelay $0x4  }
0x2d7: {  	[tilespmem:v1+s16+$0x0] =	vst.idx.msk vm8, v0  }
0x2d8: {  	v1 =	vld [tilespmem:$0xAB0];
	_ =	sdelay $0x4  }
0x2d9: {  	vm10 =	vgt.s32 v1, $0xFFFFFFFF;
	vm11 =	vgt.s32 v1, $0x0  }
0x2da: {  	v1 =	vnsel vm11, $0x0, v1;
	_ =	sdelay $0x4  }
0x2db: {  	[tilespmem:v1+s16+$0x0] =	vst.idx.msk vm10, v0  }
0x2dc: {  	v1 =	vld [tilespmem:$0xAC0];
	_ =	sdelay $0x4  }
0x2dd: {  	vm12 =	vgt.s32 v1, $0xFFFFFFFF;
	vm13 =	vgt.s32 v1, $0x0  }
0x2de: {  	v1 =	vnsel vm13, $0x0, v1;
	_ =	sdelay $0x4  }
0x2df: {  	[tilespmem:v1+s16+$0x0] =	vst.idx.msk vm12, v0  }
0x2e0: {  	v1 =	vld [tilespmem:$0xAD0];
	_ =	sdelay $0x4  }
0x2e1: {  	vm14 =	vgt.s32 v1, $0xFFFFFFFF;
	vm15 =	vgt.s32 v1, $0x0  }
0x2e2: {  	v1 =	vnsel vm15, $0x0, v1;
	_ =	sdelay $0x4  }
0x2e3: {  	[tilespmem:v1+s16+$0x0] =	vst.idx.msk vm14, v0  }
0x2e4: {  	v1 =	vld [tilespmem:$0xAE0];
	_ =	sdelay $0x4  }
0x2e5: {  	vm4 =	vgt.s32 v1, $0xFFFFFFFF;
	vm5 =	vgt.s32 v1, $0x0  }
0x2e6: {  	v1 =	vnsel vm5, $0x0, v1;
	_ =	sdelay $0x4  }
0x2e7: {  	[tilespmem:v1+s16+$0x0] =	vst.idx.msk vm4, v0  }
0x2e8: {  	v1 =	vld [tilespmem:$0xAF0];
	_ =	sdelay $0x4  }
0x2e9: {  	vm6 =	vgt.s32 v1, $0xFFFFFFFF;
	vm7 =	vgt.s32 v1, $0x0  }
0x2ea: {  	v1 =	vnsel vm7, $0x0, v1;
	_ =	sdelay $0x4  }
0x2eb: {  	[tilespmem:v1+s16+$0x0] =	vst.idx.msk vm6, v0  }
0x2ec: {  	v1 =	vld [tilespmem:$0xB00];
	_ =	sdelay $0x4  }
0x2ed: {  	vm8 =	vgt.s32 v1, $0xFFFFFFFF;
	vm9 =	vgt.s32 v1, $0x0  }
0x2ee: {  	v1 =	vnsel vm9, $0x0, v1;
	_ =	sdelay $0x4  }
0x2ef: {  	[tilespmem:v1+s16+$0x0] =	vst.idx.msk vm8, v0  }
0x2f0: {  	v1 =	vld [tilespmem:$0xB10];
	_ =	sdelay $0x4  }
0x2f1: {  	vm10 =	vgt.s32 v1, $0xFFFFFFFF;
	vm11 =	vgt.s32 v1, $0x0  }
0x2f2: {  	v1 =	vnsel vm11, $0x0, v1;
	_ =	sdelay $0x4  }
0x2f3: {  	[tilespmem:v1+s16+$0x0] =	vst.idx.msk vm10, v0  }
0x2f4: {  	v1 =	vld [tilespmem:$0xB20];
	_ =	sdelay $0x4  }
0x2f5: {  	vm12 =	vgt.s32 v1, $0xFFFFFFFF;
	vm13 =	vgt.s32 v1, $0x0  }
0x2f6: {  	v1 =	vnsel vm13, $0x0, v1;
	_ =	sdelay $0x4  }
0x2f7: {  	[tilespmem:v1+s16+$0x0] =	vst.idx.msk vm12, v0  }
0x2f8: {  	v1 =	vld [tilespmem:$0xB30];
	_ =	sdelay $0x4  }
0x2f9: {  	vm14 =	vgt.s32 v1, $0xFFFFFFFF;
	vm15 =	vgt.s32 v1, $0x0  }
0x2fa: {  	v1 =	vnsel vm15, $0x0, v1;
	_ =	sdelay $0x4  }
0x2fb: {  	[tilespmem:v1+s16+$0x0] =	vst.idx.msk vm14, v0  }
0x2fc: {  	v1 =	vld [tilespmem:$0xB40];
	_ =	sdelay $0x4  }
0x2fd: {  	vm4 =	vgt.s32 v1, $0xFFFFFFFF;
	vm5 =	vgt.s32 v1, $0x0  }
0x2fe: {  	v1 =	vnsel vm5, $0x0, v1;
	_ =	sdelay $0x4  }
0x2ff: {  	[tilespmem:v1+s16+$0x0] =	vst.idx.msk vm4, v0  }
0x300: {  	v1 =	vld [tilespmem:$0xB50];
	_ =	sdelay $0x4  }
0x301: {  	vm6 =	vgt.s32 v1, $0xFFFFFFFF;
	vm7 =	vgt.s32 v1, $0x0  }
0x302: {  	v1 =	vnsel vm7, $0x0, v1;
	_ =	sdelay $0x4  }
0x303: {  	[tilespmem:v1+s16+$0x0] =	vst.idx.msk vm6, v0  }
0x304: {  	v1 =	vld [tilespmem:$0xB60];
	_ =	sdelay $0x4  }
0x305: {  	vm8 =	vgt.s32 v1, $0xFFFFFFFF;
	vm9 =	vgt.s32 v1, $0x0  }
0x306: {  	v1 =	vnsel vm9, $0x0, v1;
	_ =	sdelay $0x4  }
0x307: {  	[tilespmem:v1+s16+$0x0] =	vst.idx.msk vm8, v0  }
0x308: {  	v1 =	vld [tilespmem:$0xB70];
	_ =	sdelay $0x4  }
0x309: {  	vm10 =	vgt.s32 v1, $0xFFFFFFFF;
	vm11 =	vgt.s32 v1, $0x0  }
0x30a: {  	v1 =	vnsel vm11, $0x0, v1;
	_ =	sdelay $0x4  }
0x30b: {  	[tilespmem:v1+s16+$0x0] =	vst.idx.msk vm10, v0  }
0x30c: {  	v1 =	vld [tilespmem:$0xB80];
	_ =	sdelay $0x4  }
0x30d: {  	vm12 =	vgt.s32 v1, $0xFFFFFFFF;
	vm13 =	vgt.s32 v1, $0x0  }
0x30e: {  	v1 =	vnsel vm13, $0x0, v1;
	_ =	sdelay $0x4  }
0x30f: {  	[tilespmem:v1+s16+$0x0] =	vst.idx.msk vm12, v0  }
0x310: {  	v1 =	vld [tilespmem:$0xB90];
	_ =	sdelay $0x4  }
0x311: {  	vm14 =	vgt.s32 v1, $0xFFFFFFFF;
	vm15 =	vgt.s32 v1, $0x0  }
0x312: {  	v1 =	vnsel vm15, $0x0, v1;
	_ =	sdelay $0x4  }
0x313: {  	[tilespmem:v1+s16+$0x0] =	vst.idx.msk vm14, v0  }
0x314: {  	v1 =	vld [tilespmem:$0xBA0];
	_ =	sdelay $0x4  }
0x315: {  	vm4 =	vgt.s32 v1, $0xFFFFFFFF;
	vm5 =	vgt.s32 v1, $0x0  }
0x316: {  	v1 =	vnsel vm5, $0x0, v1;
	_ =	sdelay $0x4  }
0x317: {  	[tilespmem:v1+s16+$0x0] =	vst.idx.msk vm4, v0  }
0x318: {  	v1 =	vld [tilespmem:$0xBB0];
	_ =	sdelay $0x4  }
0x319: {  	vm6 =	vgt.s32 v1, $0xFFFFFFFF;
	vm7 =	vgt.s32 v1, $0x0  }
0x31a: {  	v1 =	vnsel vm7, $0x0, v1;
	_ =	sdelay $0x4  }
0x31b: {  	[tilespmem:v1+s16+$0x0] =	vst.idx.msk vm6, v0  }
0x31c: {  	v1 =	vld [tilespmem:$0xBC0];
	_ =	sdelay $0x4  }
0x31d: {  	vm8 =	vgt.s32 v1, $0xFFFFFFFF;
	vm9 =	vgt.s32 v1, $0x0  }
0x31e: {  	v1 =	vnsel vm9, $0x0, v1;
	_ =	sdelay $0x4  }
0x31f: {  	[tilespmem:v1+s16+$0x0] =	vst.idx.msk vm8, v0  }
0x320: {  	v1 =	vld [tilespmem:$0xBD0];
	_ =	sdelay $0x4  }
0x321: {  	vm10 =	vgt.s32 v1, $0xFFFFFFFF;
	vm11 =	vgt.s32 v1, $0x0  }
0x322: {  	v1 =	vnsel vm11, $0x0, v1;
	_ =	sdelay $0x4  }
0x323: {  	[tilespmem:v1+s16+$0x0] =	vst.idx.msk vm10, v0  }
0x324: {  	v1 =	vld [tilespmem:$0xBE0];
	_ =	sdelay $0x4  }
0x325: {  	vm12 =	vgt.s32 v1, $0xFFFFFFFF;
	vm13 =	vgt.s32 v1, $0x0  }
0x326: {  	v1 =	vnsel vm13, $0x0, v1;
	_ =	sdelay $0x4  }
0x327: {  	[tilespmem:v1+s16+$0x0] =	vst.idx.msk vm12, v0  }
0x328: {  	v1 =	vld [tilespmem:$0xBF0];
	_ =	sdelay $0x4  }
0x329: {  	vm14 =	vgt.s32 v1, $0xFFFFFFFF;
	vm15 =	vgt.s32 v1, $0x0  }
0x32a: {  	v1 =	vnsel vm15, $0x0, v1;
	_ =	sdelay $0x4  }
0x32b: {  	[tilespmem:v1+s16+$0x0] =	vst.idx.msk vm14, v0  }
0x32c: {  	v1 =	vld [tilespmem:$0xC00];
	_ =	sdelay $0x4  }
0x32d: {  	vm4 =	vgt.s32 v1, $0xFFFFFFFF;
	vm5 =	vgt.s32 v1, $0x0  }
0x32e: {  	v1 =	vnsel vm5, $0x0, v1;
	_ =	sdelay $0x4  }
0x32f: {  	[tilespmem:v1+s16+$0x0] =	vst.idx.msk vm4, v0  }
0x330: {  	v1 =	vld [tilespmem:$0xC10];
	_ =	sdelay $0x4  }
0x331: {  	vm6 =	vgt.s32 v1, $0xFFFFFFFF;
	vm7 =	vgt.s32 v1, $0x0  }
0x332: {  	v1 =	vnsel vm7, $0x0, v1;
	_ =	sdelay $0x4  }
0x333: {  	[tilespmem:v1+s16+$0x0] =	vst.idx.msk vm6, v0  }
0x334: {  	v1 =	vld [tilespmem:$0xC20];
	_ =	sdelay $0x4  }
0x335: {  	vm8 =	vgt.s32 v1, $0xFFFFFFFF;
	vm9 =	vgt.s32 v1, $0x0  }
0x336: {  	v1 =	vnsel vm9, $0x0, v1;
	_ =	sdelay $0x4  }
0x337: {  	[tilespmem:v1+s16+$0x0] =	vst.idx.msk vm8, v0  }
0x338: {  	v1 =	vld [tilespmem:$0xC30];
	_ =	sdelay $0x4  }
0x339: {  	vm10 =	vgt.s32 v1, $0xFFFFFFFF;
	vm11 =	vgt.s32 v1, $0x0  }
0x33a: {  	v1 =	vnsel vm11, $0x0, v1;
	_ =	sdelay $0x4  }
0x33b: {  	[tilespmem:v1+s16+$0x0] =	vst.idx.msk vm10, v0  }
0x33c: {  	v1 =	vld [tilespmem:$0xC40];
	_ =	sdelay $0x4  }
0x33d: {  	vm12 =	vgt.s32 v1, $0xFFFFFFFF;
	vm13 =	vgt.s32 v1, $0x0  }
0x33e: {  	v1 =	vnsel vm13, $0x0, v1;
	_ =	sdelay $0x4  }
0x33f: {  	[tilespmem:v1+s16+$0x0] =	vst.idx.msk vm12, v0  }
0x340: {  	v1 =	vld [tilespmem:$0xC50];
	_ =	sdelay $0x4  }
0x341: {  	vm14 =	vgt.s32 v1, $0xFFFFFFFF;
	vm15 =	vgt.s32 v1, $0x0  }
0x342: {  	v1 =	vnsel vm15, $0x0, v1;
	_ =	sdelay $0x4  }
0x343: {  	[tilespmem:v1+s16+$0x0] =	vst.idx.msk vm14, v0  }
0x344: {  	v1 =	vld [tilespmem:$0xC60];
	_ =	sdelay $0x4  }
0x345: {  	vm4 =	vgt.s32 v1, $0xFFFFFFFF;
	vm5 =	vgt.s32 v1, $0x0  }
0x346: {  	v1 =	vnsel vm5, $0x0, v1;
	_ =	sdelay $0x4  }
0x347: {  	[tilespmem:v1+s16+$0x0] =	vst.idx.msk vm4, v0  }
0x348: {  	v1 =	vld [tilespmem:$0xC70];
	_ =	sdelay $0x4  }
0x349: {  	vm6 =	vgt.s32 v1, $0xFFFFFFFF;
	vm7 =	vgt.s32 v1, $0x0  }
0x34a: {  	v1 =	vnsel vm7, $0x0, v1;
	_ =	sdelay $0x4  }
0x34b: {  	[tilespmem:v1+s16+$0x0] =	vst.idx.msk vm6, v0  }
0x34c: {  	v1 =	vld [tilespmem:$0xC80];
	_ =	sdelay $0x4  }
0x34d: {  	vm8 =	vgt.s32 v1, $0xFFFFFFFF;
	vm9 =	vgt.s32 v1, $0x0  }
0x34e: {  	v1 =	vnsel vm9, $0x0, v1;
	_ =	sdelay $0x4  }
0x34f: {  	[tilespmem:v1+s16+$0x0] =	vst.idx.msk vm8, v0  }
0x350: {  	v1 =	vld [tilespmem:$0xC90];
	_ =	sdelay $0x4  }
0x351: {  	vm10 =	vgt.s32 v1, $0xFFFFFFFF;
	vm11 =	vgt.s32 v1, $0x0  }
0x352: {  	v1 =	vnsel vm11, $0x0, v1;
	_ =	sdelay $0x4  }
0x353: {  	[tilespmem:v1+s16+$0x0] =	vst.idx.msk vm10, v0  }
0x354: {  	v1 =	vld [tilespmem:$0xCA0];
	_ =	sdelay $0x4  }
0x355: {  	vm12 =	vgt.s32 v1, $0xFFFFFFFF;
	vm13 =	vgt.s32 v1, $0x0  }
0x356: {  	v1 =	vnsel vm13, $0x0, v1;
	_ =	sdelay $0x4  }
0x357: {  	[tilespmem:v1+s16+$0x0] =	vst.idx.msk vm12, v0  }
0x358: {  	v1 =	vld [tilespmem:$0xCB0];
	_ =	sdelay $0x4  }
0x359: {  	vm14 =	vgt.s32 v1, $0xFFFFFFFF;
	vm15 =	vgt.s32 v1, $0x0  }
0x35a: {  	v1 =	vnsel vm15, $0x0, v1;
	_ =	sdelay $0x4  }
0x35b: {  	[tilespmem:v1+s16+$0x0] =	vst.idx.msk vm14, v0  }
0x35c: {  	[hbm4b:s11+s2] =	stream.linear.scatter [tilespmem:s16], [sflag:$0x4], $0xC000, $0x38;
	[tilespmem:$0x18D00] =	vst v63  }
0x35d: {  	p0 =	sne.s32 s12, $0x1;
	_ =	swait.ge [sflag:s19], $0xC000  }
.Ltmp0:
0x35e: {  	[sflag:s19] =	ssyncset.done $0x0;
	(pc) =	sbr.rel @p0 .LBB2_1-.Ltmp0, $4  }
0x35f: {  	[sflag:s19] =	ssyncadd.s32 $0xFFFF4000  }
0x360: {  	_ =	swait.ge [sflag:s18], $0xC000  }
0x361: {  	[sflag:s18] =	ssyncset.done $0x0  }
0x362: {  	s12 =	sadd.s32 $0xFFFFFFFF, s12;
	[sflag:s18] =	ssyncadd.s32 $0xFFFF4000  }
0x363: {  	_ =	sfence.sel $0x180000  }
0x364: {  	[bflag:$0x0] =	sbarrier.arrive $0xFFFF  }
0x365: {  	p0 =	sne.s32 s0, $0x0;
	_ =	strace $0x90000047  }
0x366: {  	s0 =	sadd.s32 @!p0 $0x100000, s1;
	[bflag:$0x2] =	sbarrier.arrive $0xFFFF  }
0x367: {  	[sflag:s0] =	ssyncadd.tile.s32 @!p0 $0x1;
	_ =	shalt  }
.Lfunc_end2:
_tile_overlayer_lowered:
.L_overlay_start_2:
0x368: {  	(tag) =	ssettag $0x2  }
0x369: {  	s0 =	rddreg [dreg:$0x0];
	s2 =	stileid.u32  }
0x36a: {  	s1 =	rddreg [dreg:$0x1];
	p0 =	sne.s32 s2, $0x0  }
0x36b: {  	s3 =	rddreg [dreg:$0x2];
	[bflag:$0x3] =	sbarrier.arrive $0xFFFF;
	s2 =	simm.s32 @!p0 $0x1C05  }
0x36c: {  	[timem:s3], [sflag:s2] =	dma.local @!p0 [hbm:s0], s1  }
0x36d: {  	s0 =	simm.s32 @!p0 $0x5  }
0x36e: {  	_ =	swait.ge @!p0 [sflag:s0], s1  }
0x36f: {  	s1 =	ssub.s32 @!p0 $0x0, s1;
	[sflag:s0] =	ssyncset.done @!p0 $0x0  }
0x370: {  	[sflag:s0] =	ssyncadd.s32 @!p0 s1  }
0x371: {  	[bflag:$0x3] =	sbarrier.arrive $0xFFFF  }
0x372: {  	_ =	shalt  }

</sc_bundles>
